<compile_context>
chip_gen: v7x
topology: tpu7x:2x2x1
jax: 0.10.2.dev20260603
libtpu: 0.0.44.dev20260713+nightly
codegen_flags: <defaults>
</compile_context>

<pallas_src>
import functools

import numpy as np
import jax
import jax.numpy as jnp
from jax import lax
from jax.experimental import pallas as pl
from jax.experimental.pallas import tpu as pltpu
from jax.experimental.pallas import tpu_sc as plsc

_N = 10000
_E = 320000
_D = 128
_H = 128
_DENSE = 64
_NCLS = 2
_NG = 128
_EPS = 1e-5

_NC = 2
_NS = 16
_NW = _NC * _NS
_K = 80
_CH = _E // (_NW * _K)
_CHD = 80
_KD = 125
_RPT = _N // _NS

_BM = 1000
_G = _N // _BM

_DRN = 624
_DTL = _N - _NS * _DRN

_BNS = np.float32(1.0 / np.sqrt(1.0 + _EPS))


def _sc_mesh():
    return plsc.VectorSubcoreMesh(core_axis_name="c", subcore_axis_name="s")


def _deg_partial(dst3, onesrow, zrows):

    @functools.partial(
        pl.kernel,
        out_type=jax.ShapeDtypeStruct((_NC, _N, 16), jnp.float32),
        mesh=_sc_mesh(),
        scratch_types=[
            pltpu.VMEM((_CHD, _KD), jnp.int32),
            pltpu.VMEM((_KD, 16), jnp.float32),
            pltpu.VMEM_SHARED((_N, 16), jnp.float32),
            pltpu.SemaphoreType.DMA,
        ],
    )
    def k(dst_hbm, ones_hbm, z_hbm, out_hbm, dstv, ones, acc, sem):
        c = lax.axis_index("c")
        s = lax.axis_index("s")
        tid = c * _NS + s
        pltpu.sync_copy(dst_hbm.at[tid], dstv)
        pltpu.sync_copy(ones_hbm, ones)
        base = s * _RPT
        pltpu.sync_copy(z_hbm.at[s], acc.at[pl.ds(base, _RPT)])
        plsc.subcore_barrier()

        @pl.loop(0, _CHD, step=16)
        def _(ci):
            for j in range(16):
                pltpu.async_copy(ones, acc.at[dstv.at[ci + j]], sem, add=True)
            for j in range(16):
                pltpu.make_async_copy(ones, acc.at[dstv.at[ci + j]], sem).wait()

        plsc.subcore_barrier()
        dbase = s * _DRN
        pltpu.sync_copy(acc.at[pl.ds(dbase, _DRN)],
                        out_hbm.at[c, pl.ds(dbase, _DRN)])

        @pl.when(s == _NS - 1)
        def _():
            pltpu.sync_copy(acc.at[pl.ds(_NS * _DRN, _DTL)],
                            out_hbm.at[c, pl.ds(_NS * _DRN, _DTL)])

    return k(dst3, onesrow, zrows)


def _prop_partial(hs, packed3, zblk):

    def unpack(pk_row, srcb, dstb):
        for j in range(_K // 16):
            pk = pk_row[pl.ds(j * 16, 16)]
            srcb[pl.ds(j * 16, 16)] = lax.bitwise_and(pk, 0xFFFF)
            dstb[pl.ds(j * 16, 16)] = lax.shift_right_logical(pk, 16)

    @functools.partial(
        pl.kernel,
        out_type=jax.ShapeDtypeStruct((_NC, _N, _H), jnp.float32),
        mesh=_sc_mesh(),
        scratch_types=[
            pltpu.VMEM((_CH, _K), jnp.int32),
            pltpu.VMEM((_K,), jnp.int32),
            pltpu.VMEM((_K,), jnp.int32),
            pltpu.VMEM((_K,), jnp.int32),
            pltpu.VMEM((_K,), jnp.int32),
            pltpu.VMEM((_K, _H), jnp.float32),
            pltpu.VMEM((_K, _H), jnp.float32),
            pltpu.VMEM_SHARED((_N, _H), jnp.float32),
            pltpu.SemaphoreType.DMA,
            pltpu.SemaphoreType.DMA,
            pltpu.SemaphoreType.DMA,
            pltpu.SemaphoreType.DMA,
        ],
    )
    def k(hs_hbm, pk_hbm, z_hbm, out_hbm,
          pkv, src_a, dst_a, src_b, dst_b, rows_a, rows_b, acc,
          sem_a, sem_b, sem_g, sem_g2):
        c = lax.axis_index("c")
        s = lax.axis_index("s")
        tid = c * _NS + s
        pltpu.sync_copy(pk_hbm.at[tid], pkv)
        base = s * _RPT
        pltpu.sync_copy(z_hbm.at[s], acc.at[pl.ds(base, _RPT)])
        plsc.subcore_barrier()

        @pl.loop(0, _CH - 1, step=2)
        def _(ci):
            @pl.when(ci >= 2)
            def _():
                pltpu.make_async_copy(rows_a, acc.at[dst_a], sem_a).wait()

            unpack(pkv.at[ci], src_a, dst_a)
            ga = pltpu.async_copy(hs_hbm.at[src_a], rows_a, sem_g)

            @pl.when(ci >= 2)
            def _():
                pltpu.make_async_copy(rows_b, acc.at[dst_b], sem_b).wait()

            unpack(pkv.at[ci + 1], src_b, dst_b)
            gb = pltpu.async_copy(hs_hbm.at[src_b], rows_b, sem_g2)
            ga.wait()
            pltpu.async_copy(rows_a, acc.at[dst_a], sem_a, add=True)
            gb.wait()
            pltpu.async_copy(rows_b, acc.at[dst_b], sem_b, add=True)

        pltpu.make_async_copy(rows_a, acc.at[dst_a], sem_a).wait()
        unpack(pkv.at[_CH - 1], src_a, dst_a)
        pltpu.sync_copy(hs_hbm.at[src_a], rows_a)
        pltpu.async_copy(rows_a, acc.at[dst_a], sem_a, add=True)

        pltpu.make_async_copy(rows_a, acc.at[dst_a], sem_a).wait()
        pltpu.make_async_copy(rows_b, acc.at[dst_b], sem_b).wait()
        plsc.subcore_barrier()
        dbase = s * _DRN
        pltpu.sync_copy(acc.at[pl.ds(dbase, _DRN)],
                        out_hbm.at[c, pl.ds(dbase, _DRN)])

        @pl.when(s == _NS - 1)
        def _():
            pltpu.sync_copy(acc.at[pl.ds(_NS * _DRN, _DTL)],
                            out_hbm.at[c, pl.ds(_NS * _DRN, _DTL)])

    return k(hs, packed3, zblk)


def _dinv_of(degp_ref):
    deg = degp_ref[0, :, 0:1] + degp_ref[1, :, 0:1] + 1.0
    return lax.rsqrt(deg)


def _mm_scale(x, W, degp):
    def body(x_ref, w_ref, degp_ref, o_ref):
        o_ref[...] = jnp.dot(x_ref[...], w_ref[...],
                             preferred_element_type=jnp.float32) * _dinv_of(degp_ref)

    return pl.pallas_call(
        body,
        grid=(_G,),
        in_specs=[
            pl.BlockSpec((_BM, _D), lambda i: (i, 0)),
            pl.BlockSpec((_D, _H), lambda i: (0, 0)),
            pl.BlockSpec((_NC, _BM, 16), lambda i: (0, i, 0)),
        ],
        out_specs=pl.BlockSpec((_BM, _H), lambda i: (i, 0)),
        out_shape=jax.ShapeDtypeStruct((_N, _H), jnp.float32),
    )(x, W, degp)


def _layer2(p, hs1, degp, b1r, W2):
    def body(p_ref, hs1_ref, degp_ref, b1_ref, w2_ref, o_ref):
        dinv = _dinv_of(degp_ref)
        h1 = jnp.maximum(
            (p_ref[0] + p_ref[1] + hs1_ref[...]) * dinv + b1_ref[...], 0.0)
        o_ref[...] = jnp.dot(h1, w2_ref[...],
                             preferred_element_type=jnp.float32) * dinv

    return pl.pallas_call(
        body,
        grid=(_G,),
        in_specs=[
            pl.BlockSpec((_NC, _BM, _H), lambda i: (0, i, 0)),
            pl.BlockSpec((_BM, _H), lambda i: (i, 0)),
            pl.BlockSpec((_NC, _BM, 16), lambda i: (0, i, 0)),
            pl.BlockSpec((1, _H), lambda i: (0, 0)),
            pl.BlockSpec((_H, _H), lambda i: (0, 0)),
        ],
        out_specs=pl.BlockSpec((_BM, _H), lambda i: (i, 0)),
        out_shape=jax.ShapeDtypeStruct((_N, _H), jnp.float32),
    )(p, hs1, degp, b1r, W2)


def _final(q, hs2, degp, batch2, b2r, bngr, bnbr, bn1gr, bn1br,
           l1W, l1br, l2W, l2br, l3W, l3br):
    def body(q_ref, hs2_ref, degp_ref, batch_ref, b2_ref, bng_ref, bnb_ref,
             bn1g_ref, bn1b_ref, l1w_ref, l1b_ref, l2w_ref, l2b_ref,
             l3w_ref, l3b_ref, out_ref, xp_ref, sums_ref, cnts_ref):
        i = pl.program_id(0)

        @pl.when(i == 0)
        def _():
            sums_ref[...] = jnp.zeros_like(sums_ref)
            cnts_ref[...] = jnp.zeros_like(cnts_ref)

        dinv = _dinv_of(degp_ref)
        pre = (q_ref[0] + q_ref[1] + hs2_ref[...]) * dinv + b2_ref[...]
        h2 = jnp.maximum(pre * (bng_ref[...] * _BNS) + bnb_ref[...], 0.0)
        oh = (batch_ref[...] ==
              lax.broadcasted_iota(jnp.int32, (1, _NG), 1)).astype(jnp.float32)
        sums_ref[...] += lax.dot_general(
            oh, h2, (((0,), (0,)), ((), ())),
            preferred_element_type=jnp.float32)
        cnts_ref[...] += lax.dot_general(
            oh, jnp.ones((_BM, 8), jnp.float32), (((0,), (0,)), ((), ())),
            preferred_element_type=jnp.float32)

        @pl.when(i == _G - 1)
        def _():
            xp = sums_ref[...] / jnp.maximum(cnts_ref[:, 0:1], 1.0)
            xb = xp * (bn1g_ref[...] * _BNS) + bn1b_ref[...]
            a = jnp.maximum(
                jnp.dot(xb, l1w_ref[...],
                        preferred_element_type=jnp.float32) + l1b_ref[...], 0.0)
            a = jnp.maximum(
                jnp.dot(a, l2w_ref[...],
                        preferred_element_type=jnp.float32) + l2b_ref[...], 0.0)
            a = jnp.maximum(
                jnp.dot(a, l3w_ref[...],
                        preferred_element_type=jnp.float32) + l3b_ref[...], 0.0)
            m = jnp.max(a, axis=1, keepdims=True)
            e = jnp.exp(a - m)
            out_ref[...] = e / jnp.sum(e, axis=1, keepdims=True)
            xp_ref[...] = xp

    full = lambda i: (0, 0)
    return pl.pallas_call(
        body,
        grid=(_G,),
        in_specs=[
            pl.BlockSpec((_NC, _BM, _H), lambda i: (0, i, 0)),
            pl.BlockSpec((_BM, _H), lambda i: (i, 0)),
            pl.BlockSpec((_NC, _BM, 16), lambda i: (0, i, 0)),
            pl.BlockSpec((_BM, 1), lambda i: (i, 0)),
            pl.BlockSpec((1, _H), full),
            pl.BlockSpec((1, _H), full),
            pl.BlockSpec((1, _H), full),
            pl.BlockSpec((1, _H), full),
            pl.BlockSpec((1, _H), full),
            pl.BlockSpec((_H, _DENSE), full),
            pl.BlockSpec((1, _DENSE), full),
            pl.BlockSpec((_DENSE, _DENSE), full),
            pl.BlockSpec((1, _DENSE), full),
            pl.BlockSpec((_DENSE, _NCLS), full),
            pl.BlockSpec((1, _NCLS), full),
        ],
        out_specs=[
            pl.BlockSpec((_NG, _NCLS), full),
            pl.BlockSpec((_NG, _H), full),
        ],
        out_shape=[
            jax.ShapeDtypeStruct((_NG, _NCLS), jnp.float32),
            jax.ShapeDtypeStruct((_NG, _H), jnp.float32),
        ],
        scratch_shapes=[
            pltpu.VMEM((_NG, _H), jnp.float32),
            pltpu.VMEM((_NG, 8), jnp.float32),
        ],
    )(q, hs2, degp, batch2, b2r, bngr, bnbr, bn1gr, bn1br,
      l1W, l1br, l2W, l2br, l3W, l3br)


def kernel(x, edge_index, batch, W1, b1, W2, b2, bng, bnb, bn1g, bn1b,
           l1W, l1b, l2W, l2b, l3W, l3b):
    src = edge_index[0].astype(jnp.int32)
    dst = edge_index[1].astype(jnp.int32)
    dst3 = dst.reshape(_NW, _CHD, _KD)
    packed3 = (src | (dst << 16)).reshape(_NW, _CH, _K)
    batch2 = batch.astype(jnp.int32).reshape(_N, 1)

    onesrow = jnp.concatenate(
        [jnp.ones((_KD, 1), jnp.float32), jnp.zeros((_KD, 15), jnp.float32)],
        axis=1)
    zrows = jnp.zeros((_NS, _RPT, 16), jnp.float32)
    zblk = jnp.zeros((_NS, _RPT, _H), jnp.float32)

    degp = _deg_partial(dst3, onesrow, zrows)
    hs1 = _mm_scale(x, W1, degp)
    p = _prop_partial(hs1, packed3, zblk)
    hs2 = _layer2(p, hs1, degp, b1.reshape(1, _H), W2)
    q = _prop_partial(hs2, packed3, zblk)
    out, xp = _final(
        q, hs2, degp, batch2,
        b2.reshape(1, _H), bng.reshape(1, _H), bnb.reshape(1, _H),
        bn1g.reshape(1, _H), bn1b.reshape(1, _H),
        l1W, l1b.reshape(1, _DENSE), l2W, l2b.reshape(1, _DENSE),
        l3W, l3b.reshape(1, _NCLS))
    return (out, xp)

# --- scband reference (transcript-rebuilt; emitter-appended) ---
"""Pipeline reference for scband-gnn-2-60894046322998 (READ-ONLY COPY).

The authoritative reference and input builder live on the scoring server;
editing this copy changes nothing except your own understanding.
"""

import jax, jax.numpy as jnp
import numpy as np

N = 10000
E = 320000
D = 128
H = 128
DENSE = 64
NCLS = 2
NGRAPH = 128
EPS = 1e-5

def setup_inputs(seed: int = 0) -> dict:
    key = jax.random.key(seed)
    ks = jax.random.split(key, 16)
    x = jax.random.normal(ks[0], (N, D), dtype=jnp.float32)
    edge_index = jax.random.randint(ks[1], (2, E), 0, N, dtype=jnp.int64)
    batch = jnp.sort(jax.random.randint(ks[2], (N,), 0, NGRAPH, dtype=jnp.int64))
    # GCNConv layer 1 (D -> H) and layer 2 (H -> H) weights
    W1 = jax.random.normal(ks[3], (D, H), dtype=jnp.float32) * (1.0 / np.sqrt(D))
    b1 = jnp.zeros((H,), dtype=jnp.float32)
    W2 = jax.random.normal(ks[4], (H, H), dtype=jnp.float32) * (1.0 / np.sqrt(H))
    b2 = jnp.zeros((H,), dtype=jnp.float32)
    # BatchNorm params (eval mode: running_mean=0, running_var=1)
    bng = jnp.ones((H,), dtype=jnp.float32)
    bnb = jnp.zeros((H,), dtype=jnp.float32)
    bn1g = jnp.ones((H,), dtype=jnp.float32)
    bn1b = jnp.zeros((H,), dtype=jnp.float32)
    # MLP head
    l1W = jax.random.normal(ks[5], (H, DENSE), dtype=jnp.float32) * (1.0 / np.sqrt(H))
    l1b = jnp.zeros((DENSE,), dtype=jnp.float32)
    l2W = jax.random.normal(ks[6], (DENSE, DENSE), dtype=jnp.float32) * (1.0 / np.sqrt(DENSE))
    l2b = jnp.zeros((DENSE,), dtype=jnp.float32)
    l3W = jax.random.normal(ks[7], (DENSE, NCLS), dtype=jnp.float32) * (1.0 / np.sqrt(DENSE))
    l3b = jnp.zeros((NCLS,), dtype=jnp.float32)
    return {"x": x, "edge_index": edge_index, "batch": batch,
            "W1": W1, "b1": b1, "W2": W2, "b2": b2,
            "bng": bng, "bnb": bnb, "bn1g": bn1g, "bn1b": bn1b,
            "l1W": l1W, "l1b": l1b, "l2W": l2W, "l2b": l2b, "l3W": l3W, "l3b": l3b}

def _gcn_conv(h_in, W, b, src_f, dst_f, norm):
    h = h_in @ W
    msg = h[src_f] * norm[:, None]
    out = jax.ops.segment_sum(msg, dst_f, num_segments=N)
    return out + b

def _bn_eval(x, g, b):
    return x * (g / jnp.sqrt(1.0 + EPS)) + b

def reference(x, edge_index, batch, W1, b1, W2, b2, bng, bnb, bn1g, bn1b, l1W, l1b, l2W, l2b, l3W, l3b):
    src, dst = edge_index[0], edge_index[1]
    loop = jnp.arange(N, dtype=edge_index.dtype)
    src_f = jnp.concatenate([src, loop])
    dst_f = jnp.concatenate([dst, loop])
    deg = jax.ops.segment_sum(jnp.ones((E + N,), dtype=jnp.float32), dst_f, num_segments=N)
    dinv = jnp.where(deg > 0, deg ** -0.5, 0.0)
    norm = dinv[src_f] * dinv[dst_f]
    h = _gcn_conv(x, W1, b1, src_f, dst_f, norm)
    h = jax.nn.relu(h)
    h = _gcn_conv(h, W2, b2, src_f, dst_f, norm)
    h = _bn_eval(h, bng, bnb)
    h = jax.nn.relu(h)
    # global mean pool over graphs
    sums = jax.ops.segment_sum(h, batch, num_segments=NGRAPH)
    cnts = jax.ops.segment_sum(jnp.ones((N,), dtype=jnp.float32), batch, num_segments=NGRAPH)
    xp = sums / jnp.maximum(cnts, 1.0)[:, None]
    # dropout is identity in eval mode
    out = _bn_eval(xp, bn1g, bn1b)
    out = jax.nn.relu(out @ l1W + l1b)
    out = jax.nn.relu(out @ l2W + l2b)
    out = jax.nn.relu(out @ l3W + l3b)
    out = jax.nn.softmax(out, axis=1)
    return (out, xp)

if __name__ == "__main__":
    import jax
    _d = setup_inputs()
    print(jax.jit(kernel)(*tuple(_d.values())))

</pallas_src>

<mosaic_0001>
#map = affine_map<(d0, d1) -> (0, 0)>
#map1 = affine_map<(d0, d1) -> (0, 0, 0)>
module attributes {stable_mosaic.version = 14 : i64} {
  func.func @k(%arg0: i32, %arg1: i32, %arg2: memref<10000x128xf32, #tpu.memory_space<hbm>>, %arg3: memref<32x125x80xi32, #tpu.memory_space<hbm>>, %arg4: memref<16x625x128xf32, #tpu.memory_space<hbm>>, %arg5: memref<2x10000x128xf32, #tpu.memory_space<hbm>>, %arg6: memref<125x80xi32, #tpu.memory_space<vmem>>, %arg7: memref<80xi32, #tpu.memory_space<vmem>>, %arg8: memref<80xi32, #tpu.memory_space<vmem>>, %arg9: memref<80xi32, #tpu.memory_space<vmem>>, %arg10: memref<80xi32, #tpu.memory_space<vmem>>, %arg11: memref<80x128xf32, #tpu.memory_space<vmem>>, %arg12: memref<80x128xf32, #tpu.memory_space<vmem>>, %arg13: memref<10000x128xf32, #tpu.memory_space<vmem_shared>>, %arg14: memref<!tpu.dma_semaphore, #tpu.memory_space<semaphore_mem>>, %arg15: memref<!tpu.dma_semaphore, #tpu.memory_space<semaphore_mem>>, %arg16: memref<!tpu.dma_semaphore, #tpu.memory_space<semaphore_mem>>, %arg17: memref<!tpu.dma_semaphore, #tpu.memory_space<semaphore_mem>>) attributes {dimension_semantics = [#tpu.dimension_semantics<core_parallel>, #tpu.dimension_semantics<subcore_parallel>], iteration_bounds = array<i64: 2, 16>, scalar_prefetch = 0 : i64, scratch_operands = 12 : i64, tpu.core_type = #tpu.core_type<sc_vector_subcore>, window_params = [{transform_indices = #map}, {transform_indices = #map1}, {transform_indices = #map1}, {transform_indices = #map1}]} {
    %mul3A = arith.constant 16 : i32
    %mul3A_0 = arith.muli %arg0, %mul3A : i32
    %add3A = arith.addi %mul3A_0, %arg1 : i32
    "tpu.region"() ({
      %run_scoped3A = tpu.sem_alloc : memref<!tpu.dma_semaphore, #tpu.memory_space<semaphore_mem>>
      %dma_start3A_123 = arith.constant 0 : i32
      %dma_start3A_124 = arith.constant 0 : i32
      %dma_start3A_125 = tpu.memref_slice %arg3[%add3A, %dma_start3A_123, %dma_start3A_124] : memref<32x125x80xi32, #tpu.memory_space<hbm>> -> memref<1x125x80xi32, #tpu.memory_space<hbm>>
      %dma_start3A_126 = tpu.memref_squeeze %dma_start3A_125 : memref<1x125x80xi32, #tpu.memory_space<hbm>> -> memref<125x80xi32, #tpu.memory_space<hbm>>
      %dma_start3A_127 = arith.constant 0 : i32
      %dma_start3A_128 = arith.constant 0 : i32
      %dma_start3A_129 = tpu.memref_slice %arg3[%add3A, %dma_start3A_127, %dma_start3A_128] : memref<32x125x80xi32, #tpu.memory_space<hbm>> -> memref<1x125x80xi32, #tpu.memory_space<hbm>>
      %dma_start3A_130 = tpu.memref_squeeze %dma_start3A_129 : memref<1x125x80xi32, #tpu.memory_space<hbm>> -> memref<125x80xi32, #tpu.memory_space<hbm>>
      tpu.enqueue_dma source(%dma_start3A_130 : memref<125x80xi32, #tpu.memory_space<hbm>>) target(%arg6 : memref<125x80xi32, #tpu.memory_space<vmem>>) target_semaphore(%run_scoped3A : memref<!tpu.dma_semaphore, #tpu.memory_space<semaphore_mem>>)
      %dma_wait3A_131 = arith.constant 0 : i32
      %dma_wait3A_132 = arith.constant 0 : i32
      %dma_wait3A_133 = tpu.memref_slice %arg3[%add3A, %dma_wait3A_131, %dma_wait3A_132] : memref<32x125x80xi32, #tpu.memory_space<hbm>> -> memref<1x125x80xi32, #tpu.memory_space<hbm>>
      %dma_wait3A_134 = tpu.memref_squeeze %dma_wait3A_133 : memref<1x125x80xi32, #tpu.memory_space<hbm>> -> memref<125x80xi32, #tpu.memory_space<hbm>>
      %dma_wait3A_135 = arith.constant 0 : i32
      %dma_wait3A_136 = arith.constant 0 : i32
      %dma_wait3A_137 = tpu.memref_slice %arg3[%add3A, %dma_wait3A_135, %dma_wait3A_136] : memref<32x125x80xi32, #tpu.memory_space<hbm>> -> memref<1x125x80xi32, #tpu.memory_space<hbm>>
      %dma_wait3A_138 = tpu.memref_squeeze %dma_wait3A_137 : memref<1x125x80xi32, #tpu.memory_space<hbm>> -> memref<125x80xi32, #tpu.memory_space<hbm>>
      tpu.wait_dma2 semaphore(%run_scoped3A : memref<!tpu.dma_semaphore, #tpu.memory_space<semaphore_mem>>) src(%dma_wait3A_138 : memref<125x80xi32, #tpu.memory_space<hbm>>) dst(%arg6 : memref<125x80xi32, #tpu.memory_space<vmem>>)
      tpu.yield
    }) : () -> ()
    %mul3A_1 = arith.constant 625 : i32
    %mul3A_2 = arith.muli %arg1, %mul3A_1 : i32
    "tpu.region"() ({
      %run_scoped3A = tpu.sem_alloc : memref<!tpu.dma_semaphore, #tpu.memory_space<semaphore_mem>>
      %dma_start3A_123 = arith.constant 0 : i32
      %dma_start3A_124 = tpu.memref_slice %arg13[%mul3A_2, %dma_start3A_123] : memref<10000x128xf32, #tpu.memory_space<vmem_shared>> -> memref<625x128xf32, #tpu.memory_space<vmem_shared>>
      %dma_start3A_125 = arith.constant 0 : i32
      %dma_start3A_126 = arith.constant 0 : i32
      %dma_start3A_127 = tpu.memref_slice %arg4[%arg1, %dma_start3A_125, %dma_start3A_126] : memref<16x625x128xf32, #tpu.memory_space<hbm>> -> memref<1x625x128xf32, #tpu.memory_space<hbm>>
      %dma_start3A_128 = tpu.memref_squeeze %dma_start3A_127 : memref<1x625x128xf32, #tpu.memory_space<hbm>> -> memref<625x128xf32, #tpu.memory_space<hbm>>
      tpu.enqueue_dma source(%dma_start3A_128 : memref<625x128xf32, #tpu.memory_space<hbm>>) target(%dma_start3A_124 : memref<625x128xf32, #tpu.memory_space<vmem_shared>>) target_semaphore(%run_scoped3A : memref<!tpu.dma_semaphore, #tpu.memory_space<semaphore_mem>>)
      %dma_wait3A_129 = arith.constant 0 : i32
      %dma_wait3A_130 = tpu.memref_slice %arg13[%mul3A_2, %dma_wait3A_129] : memref<10000x128xf32, #tpu.memory_space<vmem_shared>> -> memref<625x128xf32, #tpu.memory_space<vmem_shared>>
      %dma_wait3A_131 = arith.constant 0 : i32
      %dma_wait3A_132 = arith.constant 0 : i32
      %dma_wait3A_133 = tpu.memref_slice %arg4[%arg1, %dma_wait3A_131, %dma_wait3A_132] : memref<16x625x128xf32, #tpu.memory_space<hbm>> -> memref<1x625x128xf32, #tpu.memory_space<hbm>>
      %dma_wait3A_134 = tpu.memref_squeeze %dma_wait3A_133 : memref<1x625x128xf32, #tpu.memory_space<hbm>> -> memref<625x128xf32, #tpu.memory_space<hbm>>
      tpu.wait_dma2 semaphore(%run_scoped3A : memref<!tpu.dma_semaphore, #tpu.memory_space<semaphore_mem>>) src(%dma_wait3A_134 : memref<625x128xf32, #tpu.memory_space<hbm>>) dst(%dma_wait3A_130 : memref<625x128xf32, #tpu.memory_space<vmem_shared>>)
      tpu.yield
    }) : () -> ()
    %barrier3A = arith.constant 0 : index
    tpu.barrier barrier_id(%barrier3A)
    %scan3A = arith.constant 0 : i32
    %scan3A_3 = arith.constant 62 : i32
    %scan3A_4 = arith.addi %scan3A, %scan3A_3 : i32
    %scan3A_5 = arith.constant 1 : i32
    scf.for %scan3A_123 = %scan3A to %scan3A_4 step %scan3A_5  : i32 {
      %mul3A_124 = arith.constant 2 : i32
      %mul3A_125 = arith.muli %scan3A_123, %mul3A_124 : i32
      %add3A_126 = arith.constant 0 : i32
      %add3A_127 = arith.addi %add3A_126, %mul3A_125 : i32
      %ge3A = arith.constant 2 : i32
      %ge3A_128 = arith.cmpi sge, %add3A_127, %ge3A : i32
      %convert_element_type3A_129 = arith.extui %ge3A_128 : i1 to i32
      %cond3A_130 = arith.constant 0 : i32
      %cond3A_131 = arith.cmpi ne, %convert_element_type3A_129, %cond3A_130 : i32
      scf.if %cond3A_131 {
        %dma_wait3A_357 = arith.constant 0 : i32
        %dma_wait3A_358 = arith.constant 0 : i32
        %dma_wait3A_359 = tpu.memref_slice %arg13[%dma_wait3A_357, %dma_wait3A_358] : memref<10000x128xf32, #tpu.memory_space<vmem_shared>> -> memref<10000x128xf32, #tpu.memory_space<vmem_shared>>
        tpu.wait_indirect_dma semaphore(%arg14 : memref<!tpu.dma_semaphore, #tpu.memory_space<semaphore_mem>>) src(%arg11 : memref<80x128xf32, #tpu.memory_space<vmem>>) dst(%dma_wait3A_359 : memref<10000x128xf32, #tpu.memory_space<vmem_shared>>)
      } else {
      }
      %get3A_132 = arith.constant 0 : i32
      %get3A_133 = tpu.memref_slice %arg6[%add3A_127, %get3A_132] : memref<125x80xi32, #tpu.memory_space<vmem>> -> memref<1x80xi32, #tpu.memory_space<vmem>>
      %get3A_134 = tpu.memref_squeeze %get3A_133 : memref<1x80xi32, #tpu.memory_space<vmem>> -> memref<80xi32, #tpu.memory_space<vmem>>
      %get3A_135 = arith.constant 0 : index
      %get3A_136 = tpu.vector_load %get3A_134[%get3A_135] {strides = array<i32>} : memref<80xi32, #tpu.memory_space<vmem>>, vector<16xi32>,
      %get3A_137 = vector.shape_cast %get3A_136 : vector<16xi32> to vector<16xi32>
      %and3A_138 = arith.constant 65535 : i32
      %and3A_139 = vector.broadcast %and3A_138 : i32 to vector<16xi32>
      %and3A_140 = arith.andi %get3A_137, %and3A_139 : vector<16xi32>
      %swap3A_141 = arith.constant 0 : index
      %swap3A_142 = tpu.vector_load %arg7[%swap3A_141] {strides = array<i32>} : memref<80xi32, #tpu.memory_space<vmem>>, vector<16xi32>,
      %swap3A_143 = vector.shape_cast %swap3A_142 : vector<16xi32> to vector<16xi32>
      %swap3A_144 = vector.shape_cast %and3A_140 : vector<16xi32> to vector<16xi32>
      tpu.vector_store %arg7[%swap3A_141], %swap3A_144 {strides = array<i32>} : memref<80xi32, #tpu.memory_space<vmem>>, vector<16xi32>,
      %shift_right_logical3A_145 = arith.constant 16 : i32
      %shift_right_logical3A_146 = vector.broadcast %shift_right_logical3A_145 : i32 to vector<16xi32>
      %shift_right_logical3A_147 = arith.shrui %get3A_137, %shift_right_logical3A_146 : vector<16xi32>
      %swap3A_148 = arith.constant 0 : index
      %swap3A_149 = tpu.vector_load %arg8[%swap3A_148] {strides = array<i32>} : memref<80xi32, #tpu.memory_space<vmem>>, vector<16xi32>,
      %swap3A_150 = vector.shape_cast %swap3A_149 : vector<16xi32> to vector<16xi32>
      %swap3A_151 = vector.shape_cast %shift_right_logical3A_147 : vector<16xi32> to vector<16xi32>
      tpu.vector_store %arg8[%swap3A_148], %swap3A_151 {strides = array<i32>} : memref<80xi32, #tpu.memory_space<vmem>>, vector<16xi32>,
      %get3A_152 = arith.constant 0 : i32
      %get3A_153 = tpu.memref_slice %arg6[%add3A_127, %get3A_152] : memref<125x80xi32, #tpu.memory_space<vmem>> -> memref<1x80xi32, #tpu.memory_space<vmem>>
      %get3A_154 = tpu.memref_squeeze %get3A_153 : memref<1x80xi32, #tpu.memory_space<vmem>> -> memref<80xi32, #tpu.memory_space<vmem>>
      %get3A_155 = arith.constant 16 : index
      %get3A_156 = tpu.vector_load %get3A_154[%get3A_155] {strides = array<i32>} : memref<80xi32, #tpu.memory_space<vmem>>, vector<16xi32>,
      %get3A_157 = vector.shape_cast %get3A_156 : vector<16xi32> to vector<16xi32>
      %and3A_158 = arith.constant 65535 : i32
      %and3A_159 = vector.broadcast %and3A_158 : i32 to vector<16xi32>
      %and3A_160 = arith.andi %get3A_157, %and3A_159 : vector<16xi32>
      %swap3A_161 = arith.constant 16 : index
      %swap3A_162 = tpu.vector_load %arg7[%swap3A_161] {strides = array<i32>} : memref<80xi32, #tpu.memory_space<vmem>>, vector<16xi32>,
      %swap3A_163 = vector.shape_cast %swap3A_162 : vector<16xi32> to vector<16xi32>
      %swap3A_164 = vector.shape_cast %and3A_160 : vector<16xi32> to vector<16xi32>
      tpu.vector_store %arg7[%swap3A_161], %swap3A_164 {strides = array<i32>} : memref<80xi32, #tpu.memory_space<vmem>>, vector<16xi32>,
      %shift_right_logical3A_165 = arith.constant 16 : i32
      %shift_right_logical3A_166 = vector.broadcast %shift_right_logical3A_165 : i32 to vector<16xi32>
      %shift_right_logical3A_167 = arith.shrui %get3A_157, %shift_right_logical3A_166 : vector<16xi32>
      %swap3A_168 = arith.constant 16 : index
      %swap3A_169 = tpu.vector_load %arg8[%swap3A_168] {strides = array<i32>} : memref<80xi32, #tpu.memory_space<vmem>>, vector<16xi32>,
      %swap3A_170 = vector.shape_cast %swap3A_169 : vector<16xi32> to vector<16xi32>
      %swap3A_171 = vector.shape_cast %shift_right_logical3A_167 : vector<16xi32> to vector<16xi32>
      tpu.vector_store %arg8[%swap3A_168], %swap3A_171 {strides = array<i32>} : memref<80xi32, #tpu.memory_space<vmem>>, vector<16xi32>,
      %get3A_172 = arith.constant 0 : i32
      %get3A_173 = tpu.memref_slice %arg6[%add3A_127, %get3A_172] : memref<125x80xi32, #tpu.memory_space<vmem>> -> memref<1x80xi32, #tpu.memory_space<vmem>>
      %get3A_174 = tpu.memref_squeeze %get3A_173 : memref<1x80xi32, #tpu.memory_space<vmem>> -> memref<80xi32, #tpu.memory_space<vmem>>
      %get3A_175 = arith.constant 32 : index
      %get3A_176 = tpu.vector_load %get3A_174[%get3A_175] {strides = array<i32>} : memref<80xi32, #tpu.memory_space<vmem>>, vector<16xi32>,
      %get3A_177 = vector.shape_cast %get3A_176 : vector<16xi32> to vector<16xi32>
      %and3A_178 = arith.constant 65535 : i32
      %and3A_179 = vector.broadcast %and3A_178 : i32 to vector<16xi32>
      %and3A_180 = arith.andi %get3A_177, %and3A_179 : vector<16xi32>
      %swap3A_181 = arith.constant 32 : index
      %swap3A_182 = tpu.vector_load %arg7[%swap3A_181] {strides = array<i32>} : memref<80xi32, #tpu.memory_space<vmem>>, vector<16xi32>,
      %swap3A_183 = vector.shape_cast %swap3A_182 : vector<16xi32> to vector<16xi32>
      %swap3A_184 = vector.shape_cast %and3A_180 : vector<16xi32> to vector<16xi32>
      tpu.vector_store %arg7[%swap3A_181], %swap3A_184 {strides = array<i32>} : memref<80xi32, #tpu.memory_space<vmem>>, vector<16xi32>,
      %shift_right_logical3A_185 = arith.constant 16 : i32
      %shift_right_logical3A_186 = vector.broadcast %shift_right_logical3A_185 : i32 to vector<16xi32>
      %shift_right_logical3A_187 = arith.shrui %get3A_177, %shift_right_logical3A_186 : vector<16xi32>
      %swap3A_188 = arith.constant 32 : index
      %swap3A_189 = tpu.vector_load %arg8[%swap3A_188] {strides = array<i32>} : memref<80xi32, #tpu.memory_space<vmem>>, vector<16xi32>,
      %swap3A_190 = vector.shape_cast %swap3A_189 : vector<16xi32> to vector<16xi32>
      %swap3A_191 = vector.shape_cast %shift_right_logical3A_187 : vector<16xi32> to vector<16xi32>
      tpu.vector_store %arg8[%swap3A_188], %swap3A_191 {strides = array<i32>} : memref<80xi32, #tpu.memory_space<vmem>>, vector<16xi32>,
      %get3A_192 = arith.constant 0 : i32
      %get3A_193 = tpu.memref_slice %arg6[%add3A_127, %get3A_192] : memref<125x80xi32, #tpu.memory_space<vmem>> -> memref<1x80xi32, #tpu.memory_space<vmem>>
      %get3A_194 = tpu.memref_squeeze %get3A_193 : memref<1x80xi32, #tpu.memory_space<vmem>> -> memref<80xi32, #tpu.memory_space<vmem>>
      %get3A_195 = arith.constant 48 : index
      %get3A_196 = tpu.vector_load %get3A_194[%get3A_195] {strides = array<i32>} : memref<80xi32, #tpu.memory_space<vmem>>, vector<16xi32>,
      %get3A_197 = vector.shape_cast %get3A_196 : vector<16xi32> to vector<16xi32>
      %and3A_198 = arith.constant 65535 : i32
      %and3A_199 = vector.broadcast %and3A_198 : i32 to vector<16xi32>
      %and3A_200 = arith.andi %get3A_197, %and3A_199 : vector<16xi32>
      %swap3A_201 = arith.constant 48 : index
      %swap3A_202 = tpu.vector_load %arg7[%swap3A_201] {strides = array<i32>} : memref<80xi32, #tpu.memory_space<vmem>>, vector<16xi32>,
      %swap3A_203 = vector.shape_cast %swap3A_202 : vector<16xi32> to vector<16xi32>
      %swap3A_204 = vector.shape_cast %and3A_200 : vector<16xi32> to vector<16xi32>
      tpu.vector_store %arg7[%swap3A_201], %swap3A_204 {strides = array<i32>} : memref<80xi32, #tpu.memory_space<vmem>>, vector<16xi32>,
      %shift_right_logical3A_205 = arith.constant 16 : i32
      %shift_right_logical3A_206 = vector.broadcast %shift_right_logical3A_205 : i32 to vector<16xi32>
      %shift_right_logical3A_207 = arith.shrui %get3A_197, %shift_right_logical3A_206 : vector<16xi32>
      %swap3A_208 = arith.constant 48 : index
      %swap3A_209 = tpu.vector_load %arg8[%swap3A_208] {strides = array<i32>} : memref<80xi32, #tpu.memory_space<vmem>>, vector<16xi32>,
      %swap3A_210 = vector.shape_cast %swap3A_209 : vector<16xi32> to vector<16xi32>
      %swap3A_211 = vector.shape_cast %shift_right_logical3A_207 : vector<16xi32> to vector<16xi32>
      tpu.vector_store %arg8[%swap3A_208], %swap3A_211 {strides = array<i32>} : memref<80xi32, #tpu.memory_space<vmem>>, vector<16xi32>,
      %get3A_212 = arith.constant 0 : i32
      %get3A_213 = tpu.memref_slice %arg6[%add3A_127, %get3A_212] : memref<125x80xi32, #tpu.memory_space<vmem>> -> memref<1x80xi32, #tpu.memory_space<vmem>>
      %get3A_214 = tpu.memref_squeeze %get3A_213 : memref<1x80xi32, #tpu.memory_space<vmem>> -> memref<80xi32, #tpu.memory_space<vmem>>
      %get3A_215 = arith.constant 64 : index
      %get3A_216 = tpu.vector_load %get3A_214[%get3A_215] {strides = array<i32>} : memref<80xi32, #tpu.memory_space<vmem>>, vector<16xi32>,
      %get3A_217 = vector.shape_cast %get3A_216 : vector<16xi32> to vector<16xi32>
      %and3A_218 = arith.constant 65535 : i32
      %and3A_219 = vector.broadcast %and3A_218 : i32 to vector<16xi32>
      %and3A_220 = arith.andi %get3A_217, %and3A_219 : vector<16xi32>
      %swap3A_221 = arith.constant 64 : index
      %swap3A_222 = tpu.vector_load %arg7[%swap3A_221] {strides = array<i32>} : memref<80xi32, #tpu.memory_space<vmem>>, vector<16xi32>,
      %swap3A_223 = vector.shape_cast %swap3A_222 : vector<16xi32> to vector<16xi32>
      %swap3A_224 = vector.shape_cast %and3A_220 : vector<16xi32> to vector<16xi32>
      tpu.vector_store %arg7[%swap3A_221], %swap3A_224 {strides = array<i32>} : memref<80xi32, #tpu.memory_space<vmem>>, vector<16xi32>,
      %shift_right_logical3A_225 = arith.constant 16 : i32
      %shift_right_logical3A_226 = vector.broadcast %shift_right_logical3A_225 : i32 to vector<16xi32>
      %shift_right_logical3A_227 = arith.shrui %get3A_217, %shift_right_logical3A_226 : vector<16xi32>
      %swap3A_228 = arith.constant 64 : index
      %swap3A_229 = tpu.vector_load %arg8[%swap3A_228] {strides = array<i32>} : memref<80xi32, #tpu.memory_space<vmem>>, vector<16xi32>,
      %swap3A_230 = vector.shape_cast %swap3A_229 : vector<16xi32> to vector<16xi32>
      %swap3A_231 = vector.shape_cast %shift_right_logical3A_227 : vector<16xi32> to vector<16xi32>
      tpu.vector_store %arg8[%swap3A_228], %swap3A_231 {strides = array<i32>} : memref<80xi32, #tpu.memory_space<vmem>>, vector<16xi32>,
      %dma_start3A_232 = arith.constant 0 : i32
      %dma_start3A_233 = arith.constant 0 : i32
      %dma_start3A_234 = tpu.memref_slice %arg2[%dma_start3A_232, %dma_start3A_233] : memref<10000x128xf32, #tpu.memory_space<hbm>> -> memref<10000x128xf32, #tpu.memory_space<hbm>>
      tpu.enqueue_indirect_dma source(%dma_start3A_234 : memref<10000x128xf32, #tpu.memory_space<hbm>>) target(%arg11 : memref<80x128xf32, #tpu.memory_space<vmem>>) offsets(%arg7 : memref<80xi32, #tpu.memory_space<vmem>>) semaphore(%arg16 : memref<!tpu.dma_semaphore, #tpu.memory_space<semaphore_mem>>)
      %ge3A_235 = arith.constant 2 : i32
      %ge3A_236 = arith.cmpi sge, %add3A_127, %ge3A_235 : i32
      %convert_element_type3A_237 = arith.extui %ge3A_236 : i1 to i32
      %cond3A_238 = arith.constant 0 : i32
      %cond3A_239 = arith.cmpi ne, %convert_element_type3A_237, %cond3A_238 : i32
      scf.if %cond3A_239 {
        %dma_wait3A_357 = arith.constant 0 : i32
        %dma_wait3A_358 = arith.constant 0 : i32
        %dma_wait3A_359 = tpu.memref_slice %arg13[%dma_wait3A_357, %dma_wait3A_358] : memref<10000x128xf32, #tpu.memory_space<vmem_shared>> -> memref<10000x128xf32, #tpu.memory_space<vmem_shared>>
        tpu.wait_indirect_dma semaphore(%arg15 : memref<!tpu.dma_semaphore, #tpu.memory_space<semaphore_mem>>) src(%arg12 : memref<80x128xf32, #tpu.memory_space<vmem>>) dst(%dma_wait3A_359 : memref<10000x128xf32, #tpu.memory_space<vmem_shared>>)
      } else {
      }
      %add3A_240 = arith.constant 1 : i32
      %add3A_241 = arith.addi %add3A_127, %add3A_240 : i32
      %get3A_242 = arith.constant 0 : i32
      %get3A_243 = tpu.memref_slice %arg6[%add3A_241, %get3A_242] : memref<125x80xi32, #tpu.memory_space<vmem>> -> memref<1x80xi32, #tpu.memory_space<vmem>>
      %get3A_244 = tpu.memref_squeeze %get3A_243 : memref<1x80xi32, #tpu.memory_space<vmem>> -> memref<80xi32, #tpu.memory_space<vmem>>
      %get3A_245 = arith.constant 0 : index
      %get3A_246 = tpu.vector_load %get3A_244[%get3A_245] {strides = array<i32>} : memref<80xi32, #tpu.memory_space<vmem>>, vector<16xi32>,
      %get3A_247 = vector.shape_cast %get3A_246 : vector<16xi32> to vector<16xi32>
      %and3A_248 = arith.constant 65535 : i32
      %and3A_249 = vector.broadcast %and3A_248 : i32 to vector<16xi32>
      %and3A_250 = arith.andi %get3A_247, %and3A_249 : vector<16xi32>
      %swap3A_251 = arith.constant 0 : index
      %swap3A_252 = tpu.vector_load %arg9[%swap3A_251] {strides = array<i32>} : memref<80xi32, #tpu.memory_space<vmem>>, vector<16xi32>,
      %swap3A_253 = vector.shape_cast %swap3A_252 : vector<16xi32> to vector<16xi32>
      %swap3A_254 = vector.shape_cast %and3A_250 : vector<16xi32> to vector<16xi32>
      tpu.vector_store %arg9[%swap3A_251], %swap3A_254 {strides = array<i32>} : memref<80xi32, #tpu.memory_space<vmem>>, vector<16xi32>,
      %shift_right_logical3A_255 = arith.constant 16 : i32
      %shift_right_logical3A_256 = vector.broadcast %shift_right_logical3A_255 : i32 to vector<16xi32>
      %shift_right_logical3A_257 = arith.shrui %get3A_247, %shift_right_logical3A_256 : vector<16xi32>
      %swap3A_258 = arith.constant 0 : index
      %swap3A_259 = tpu.vector_load %arg10[%swap3A_258] {strides = array<i32>} : memref<80xi32, #tpu.memory_space<vmem>>, vector<16xi32>,
      %swap3A_260 = vector.shape_cast %swap3A_259 : vector<16xi32> to vector<16xi32>
      %swap3A_261 = vector.shape_cast %shift_right_logical3A_257 : vector<16xi32> to vector<16xi32>
      tpu.vector_store %arg10[%swap3A_258], %swap3A_261 {strides = array<i32>} : memref<80xi32, #tpu.memory_space<vmem>>, vector<16xi32>,
      %get3A_262 = arith.constant 0 : i32
      %get3A_263 = tpu.memref_slice %arg6[%add3A_241, %get3A_262] : memref<125x80xi32, #tpu.memory_space<vmem>> -> memref<1x80xi32, #tpu.memory_space<vmem>>
      %get3A_264 = tpu.memref_squeeze %get3A_263 : memref<1x80xi32, #tpu.memory_space<vmem>> -> memref<80xi32, #tpu.memory_space<vmem>>
      %get3A_265 = arith.constant 16 : index
      %get3A_266 = tpu.vector_load %get3A_264[%get3A_265] {strides = array<i32>} : memref<80xi32, #tpu.memory_space<vmem>>, vector<16xi32>,
      %get3A_267 = vector.shape_cast %get3A_266 : vector<16xi32> to vector<16xi32>
      %and3A_268 = arith.constant 65535 : i32
      %and3A_269 = vector.broadcast %and3A_268 : i32 to vector<16xi32>
      %and3A_270 = arith.andi %get3A_267, %and3A_269 : vector<16xi32>
      %swap3A_271 = arith.constant 16 : index
      %swap3A_272 = tpu.vector_load %arg9[%swap3A_271] {strides = array<i32>} : memref<80xi32, #tpu.memory_space<vmem>>, vector<16xi32>,
      %swap3A_273 = vector.shape_cast %swap3A_272 : vector<16xi32> to vector<16xi32>
      %swap3A_274 = vector.shape_cast %and3A_270 : vector<16xi32> to vector<16xi32>
      tpu.vector_store %arg9[%swap3A_271], %swap3A_274 {strides = array<i32>} : memref<80xi32, #tpu.memory_space<vmem>>, vector<16xi32>,
      %shift_right_logical3A_275 = arith.constant 16 : i32
      %shift_right_logical3A_276 = vector.broadcast %shift_right_logical3A_275 : i32 to vector<16xi32>
      %shift_right_logical3A_277 = arith.shrui %get3A_267, %shift_right_logical3A_276 : vector<16xi32>
      %swap3A_278 = arith.constant 16 : index
      %swap3A_279 = tpu.vector_load %arg10[%swap3A_278] {strides = array<i32>} : memref<80xi32, #tpu.memory_space<vmem>>, vector<16xi32>,
      %swap3A_280 = vector.shape_cast %swap3A_279 : vector<16xi32> to vector<16xi32>
      %swap3A_281 = vector.shape_cast %shift_right_logical3A_277 : vector<16xi32> to vector<16xi32>
      tpu.vector_store %arg10[%swap3A_278], %swap3A_281 {strides = array<i32>} : memref<80xi32, #tpu.memory_space<vmem>>, vector<16xi32>,
      %get3A_282 = arith.constant 0 : i32
      %get3A_283 = tpu.memref_slice %arg6[%add3A_241, %get3A_282] : memref<125x80xi32, #tpu.memory_space<vmem>> -> memref<1x80xi32, #tpu.memory_space<vmem>>
      %get3A_284 = tpu.memref_squeeze %get3A_283 : memref<1x80xi32, #tpu.memory_space<vmem>> -> memref<80xi32, #tpu.memory_space<vmem>>
      %get3A_285 = arith.constant 32 : index
      %get3A_286 = tpu.vector_load %get3A_284[%get3A_285] {strides = array<i32>} : memref<80xi32, #tpu.memory_space<vmem>>, vector<16xi32>,
      %get3A_287 = vector.shape_cast %get3A_286 : vector<16xi32> to vector<16xi32>
      %and3A_288 = arith.constant 65535 : i32
      %and3A_289 = vector.broadcast %and3A_288 : i32 to vector<16xi32>
      %and3A_290 = arith.andi %get3A_287, %and3A_289 : vector<16xi32>
      %swap3A_291 = arith.constant 32 : index
      %swap3A_292 = tpu.vector_load %arg9[%swap3A_291] {strides = array<i32>} : memref<80xi32, #tpu.memory_space<vmem>>, vector<16xi32>,
      %swap3A_293 = vector.shape_cast %swap3A_292 : vector<16xi32> to vector<16xi32>
      %swap3A_294 = vector.shape_cast %and3A_290 : vector<16xi32> to vector<16xi32>
      tpu.vector_store %arg9[%swap3A_291], %swap3A_294 {strides = array<i32>} : memref<80xi32, #tpu.memory_space<vmem>>, vector<16xi32>,
      %shift_right_logical3A_295 = arith.constant 16 : i32
      %shift_right_logical3A_296 = vector.broadcast %shift_right_logical3A_295 : i32 to vector<16xi32>
      %shift_right_logical3A_297 = arith.shrui %get3A_287, %shift_right_logical3A_296 : vector<16xi32>
      %swap3A_298 = arith.constant 32 : index
      %swap3A_299 = tpu.vector_load %arg10[%swap3A_298] {strides = array<i32>} : memref<80xi32, #tpu.memory_space<vmem>>, vector<16xi32>,
      %swap3A_300 = vector.shape_cast %swap3A_299 : vector<16xi32> to vector<16xi32>
      %swap3A_301 = vector.shape_cast %shift_right_logical3A_297 : vector<16xi32> to vector<16xi32>
      tpu.vector_store %arg10[%swap3A_298], %swap3A_301 {strides = array<i32>} : memref<80xi32, #tpu.memory_space<vmem>>, vector<16xi32>,
      %get3A_302 = arith.constant 0 : i32
      %get3A_303 = tpu.memref_slice %arg6[%add3A_241, %get3A_302] : memref<125x80xi32, #tpu.memory_space<vmem>> -> memref<1x80xi32, #tpu.memory_space<vmem>>
      %get3A_304 = tpu.memref_squeeze %get3A_303 : memref<1x80xi32, #tpu.memory_space<vmem>> -> memref<80xi32, #tpu.memory_space<vmem>>
      %get3A_305 = arith.constant 48 : index
      %get3A_306 = tpu.vector_load %get3A_304[%get3A_305] {strides = array<i32>} : memref<80xi32, #tpu.memory_space<vmem>>, vector<16xi32>,
      %get3A_307 = vector.shape_cast %get3A_306 : vector<16xi32> to vector<16xi32>
      %and3A_308 = arith.constant 65535 : i32
      %and3A_309 = vector.broadcast %and3A_308 : i32 to vector<16xi32>
      %and3A_310 = arith.andi %get3A_307, %and3A_309 : vector<16xi32>
      %swap3A_311 = arith.constant 48 : index
      %swap3A_312 = tpu.vector_load %arg9[%swap3A_311] {strides = array<i32>} : memref<80xi32, #tpu.memory_space<vmem>>, vector<16xi32>,
      %swap3A_313 = vector.shape_cast %swap3A_312 : vector<16xi32> to vector<16xi32>
      %swap3A_314 = vector.shape_cast %and3A_310 : vector<16xi32> to vector<16xi32>
      tpu.vector_store %arg9[%swap3A_311], %swap3A_314 {strides = array<i32>} : memref<80xi32, #tpu.memory_space<vmem>>, vector<16xi32>,
      %shift_right_logical3A_315 = arith.constant 16 : i32
      %shift_right_logical3A_316 = vector.broadcast %shift_right_logical3A_315 : i32 to vector<16xi32>
      %shift_right_logical3A_317 = arith.shrui %get3A_307, %shift_right_logical3A_316 : vector<16xi32>
      %swap3A_318 = arith.constant 48 : index
      %swap3A_319 = tpu.vector_load %arg10[%swap3A_318] {strides = array<i32>} : memref<80xi32, #tpu.memory_space<vmem>>, vector<16xi32>,
      %swap3A_320 = vector.shape_cast %swap3A_319 : vector<16xi32> to vector<16xi32>
      %swap3A_321 = vector.shape_cast %shift_right_logical3A_317 : vector<16xi32> to vector<16xi32>
      tpu.vector_store %arg10[%swap3A_318], %swap3A_321 {strides = array<i32>} : memref<80xi32, #tpu.memory_space<vmem>>, vector<16xi32>,
      %get3A_322 = arith.constant 0 : i32
      %get3A_323 = tpu.memref_slice %arg6[%add3A_241, %get3A_322] : memref<125x80xi32, #tpu.memory_space<vmem>> -> memref<1x80xi32, #tpu.memory_space<vmem>>
      %get3A_324 = tpu.memref_squeeze %get3A_323 : memref<1x80xi32, #tpu.memory_space<vmem>> -> memref<80xi32, #tpu.memory_space<vmem>>
      %get3A_325 = arith.constant 64 : index
      %get3A_326 = tpu.vector_load %get3A_324[%get3A_325] {strides = array<i32>} : memref<80xi32, #tpu.memory_space<vmem>>, vector<16xi32>,
      %get3A_327 = vector.shape_cast %get3A_326 : vector<16xi32> to vector<16xi32>
      %and3A_328 = arith.constant 65535 : i32
      %and3A_329 = vector.broadcast %and3A_328 : i32 to vector<16xi32>
      %and3A_330 = arith.andi %get3A_327, %and3A_329 : vector<16xi32>
      %swap3A_331 = arith.constant 64 : index
      %swap3A_332 = tpu.vector_load %arg9[%swap3A_331] {strides = array<i32>} : memref<80xi32, #tpu.memory_space<vmem>>, vector<16xi32>,
      %swap3A_333 = vector.shape_cast %swap3A_332 : vector<16xi32> to vector<16xi32>
      %swap3A_334 = vector.shape_cast %and3A_330 : vector<16xi32> to vector<16xi32>
      tpu.vector_store %arg9[%swap3A_331], %swap3A_334 {strides = array<i32>} : memref<80xi32, #tpu.memory_space<vmem>>, vector<16xi32>,
      %shift_right_logical3A_335 = arith.constant 16 : i32
      %shift_right_logical3A_336 = vector.broadcast %shift_right_logical3A_335 : i32 to vector<16xi32>
      %shift_right_logical3A_337 = arith.shrui %get3A_327, %shift_right_logical3A_336 : vector<16xi32>
      %swap3A_338 = arith.constant 64 : index
      %swap3A_339 = tpu.vector_load %arg10[%swap3A_338] {strides = array<i32>} : memref<80xi32, #tpu.memory_space<vmem>>, vector<16xi32>,
      %swap3A_340 = vector.shape_cast %swap3A_339 : vector<16xi32> to vector<16xi32>
      %swap3A_341 = vector.shape_cast %shift_right_logical3A_337 : vector<16xi32> to vector<16xi32>
      tpu.vector_store %arg10[%swap3A_338], %swap3A_341 {strides = array<i32>} : memref<80xi32, #tpu.memory_space<vmem>>, vector<16xi32>,
      %dma_start3A_342 = arith.constant 0 : i32
      %dma_start3A_343 = arith.constant 0 : i32
      %dma_start3A_344 = tpu.memref_slice %arg2[%dma_start3A_342, %dma_start3A_343] : memref<10000x128xf32, #tpu.memory_space<hbm>> -> memref<10000x128xf32, #tpu.memory_space<hbm>>
      tpu.enqueue_indirect_dma source(%dma_start3A_344 : memref<10000x128xf32, #tpu.memory_space<hbm>>) target(%arg12 : memref<80x128xf32, #tpu.memory_space<vmem>>) offsets(%arg9 : memref<80xi32, #tpu.memory_space<vmem>>) semaphore(%arg17 : memref<!tpu.dma_semaphore, #tpu.memory_space<semaphore_mem>>)
      %dma_wait3A_345 = arith.constant 0 : i32
      %dma_wait3A_346 = arith.constant 0 : i32
      %dma_wait3A_347 = tpu.memref_slice %arg2[%dma_wait3A_345, %dma_wait3A_346] : memref<10000x128xf32, #tpu.memory_space<hbm>> -> memref<10000x128xf32, #tpu.memory_space<hbm>>
      tpu.wait_indirect_dma semaphore(%arg16 : memref<!tpu.dma_semaphore, #tpu.memory_space<semaphore_mem>>) src(%dma_wait3A_347 : memref<10000x128xf32, #tpu.memory_space<hbm>>) dst(%arg11 : memref<80x128xf32, #tpu.memory_space<vmem>>)
      %dma_start3A_348 = arith.constant 0 : i32
      %dma_start3A_349 = arith.constant 0 : i32
      %dma_start3A_350 = tpu.memref_slice %arg13[%dma_start3A_348, %dma_start3A_349] : memref<10000x128xf32, #tpu.memory_space<vmem_shared>> -> memref<10000x128xf32, #tpu.memory_space<vmem_shared>>
      tpu.enqueue_indirect_dma source(%arg11 : memref<80x128xf32, #tpu.memory_space<vmem>>) target(%dma_start3A_350 : memref<10000x128xf32, #tpu.memory_space<vmem_shared>>) offsets(%arg8 : memref<80xi32, #tpu.memory_space<vmem>>) semaphore(%arg14 : memref<!tpu.dma_semaphore, #tpu.memory_space<semaphore_mem>>) {add = true}
      %dma_wait3A_351 = arith.constant 0 : i32
      %dma_wait3A_352 = arith.constant 0 : i32
      %dma_wait3A_353 = tpu.memref_slice %arg2[%dma_wait3A_351, %dma_wait3A_352] : memref<10000x128xf32, #tpu.memory_space<hbm>> -> memref<10000x128xf32, #tpu.memory_space<hbm>>
      tpu.wait_indirect_dma semaphore(%arg17 : memref<!tpu.dma_semaphore, #tpu.memory_space<semaphore_mem>>) src(%dma_wait3A_353 : memref<10000x128xf32, #tpu.memory_space<hbm>>) dst(%arg12 : memref<80x128xf32, #tpu.memory_space<vmem>>)
      %dma_start3A_354 = arith.constant 0 : i32
      %dma_start3A_355 = arith.constant 0 : i32
      %dma_start3A_356 = tpu.memref_slice %arg13[%dma_start3A_354, %dma_start3A_355] : memref<10000x128xf32, #tpu.memory_space<vmem_shared>> -> memref<10000x128xf32, #tpu.memory_space<vmem_shared>>
      tpu.enqueue_indirect_dma source(%arg12 : memref<80x128xf32, #tpu.memory_space<vmem>>) target(%dma_start3A_356 : memref<10000x128xf32, #tpu.memory_space<vmem_shared>>) offsets(%arg10 : memref<80xi32, #tpu.memory_space<vmem>>) semaphore(%arg15 : memref<!tpu.dma_semaphore, #tpu.memory_space<semaphore_mem>>) {add = true}
    }
    %scan3A_6 = arith.constant 62 : i32
    %dma_wait3A = arith.constant 0 : i32
    %dma_wait3A_7 = arith.constant 0 : i32
    %dma_wait3A_8 = tpu.memref_slice %arg13[%dma_wait3A, %dma_wait3A_7] : memref<10000x128xf32, #tpu.memory_space<vmem_shared>> -> memref<10000x128xf32, #tpu.memory_space<vmem_shared>>
    tpu.wait_indirect_dma semaphore(%arg14 : memref<!tpu.dma_semaphore, #tpu.memory_space<semaphore_mem>>) src(%arg11 : memref<80x128xf32, #tpu.memory_space<vmem>>) dst(%dma_wait3A_8 : memref<10000x128xf32, #tpu.memory_space<vmem_shared>>)
    %get3A = arith.constant 124 : i32
    %get3A_9 = arith.constant 0 : i32
    %get3A_10 = tpu.memref_slice %arg6[%get3A, %get3A_9] : memref<125x80xi32, #tpu.memory_space<vmem>> -> memref<1x80xi32, #tpu.memory_space<vmem>>
    %get3A_11 = tpu.memref_squeeze %get3A_10 : memref<1x80xi32, #tpu.memory_space<vmem>> -> memref<80xi32, #tpu.memory_space<vmem>>
    %get3A_12 = arith.constant 0 : index
    %get3A_13 = tpu.vector_load %get3A_11[%get3A_12] {strides = array<i32>} : memref<80xi32, #tpu.memory_space<vmem>>, vector<16xi32>,
    %get3A_14 = vector.shape_cast %get3A_13 : vector<16xi32> to vector<16xi32>
    %and3A = arith.constant 65535 : i32
    %and3A_15 = vector.broadcast %and3A : i32 to vector<16xi32>
    %and3A_16 = arith.andi %get3A_14, %and3A_15 : vector<16xi32>
    %swap3A = arith.constant 0 : index
    %swap3A_17 = tpu.vector_load %arg7[%swap3A] {strides = array<i32>} : memref<80xi32, #tpu.memory_space<vmem>>, vector<16xi32>,
    %swap3A_18 = vector.shape_cast %swap3A_17 : vector<16xi32> to vector<16xi32>
    %swap3A_19 = vector.shape_cast %and3A_16 : vector<16xi32> to vector<16xi32>
    tpu.vector_store %arg7[%swap3A], %swap3A_19 {strides = array<i32>} : memref<80xi32, #tpu.memory_space<vmem>>, vector<16xi32>,
    %shift_right_logical3A = arith.constant 16 : i32
    %shift_right_logical3A_20 = vector.broadcast %shift_right_logical3A : i32 to vector<16xi32>
    %shift_right_logical3A_21 = arith.shrui %get3A_14, %shift_right_logical3A_20 : vector<16xi32>
    %swap3A_22 = arith.constant 0 : index
    %swap3A_23 = tpu.vector_load %arg8[%swap3A_22] {strides = array<i32>} : memref<80xi32, #tpu.memory_space<vmem>>, vector<16xi32>,
    %swap3A_24 = vector.shape_cast %swap3A_23 : vector<16xi32> to vector<16xi32>
    %swap3A_25 = vector.shape_cast %shift_right_logical3A_21 : vector<16xi32> to vector<16xi32>
    tpu.vector_store %arg8[%swap3A_22], %swap3A_25 {strides = array<i32>} : memref<80xi32, #tpu.memory_space<vmem>>, vector<16xi32>,
    %get3A_26 = arith.constant 124 : i32
    %get3A_27 = arith.constant 0 : i32
    %get3A_28 = tpu.memref_slice %arg6[%get3A_26, %get3A_27] : memref<125x80xi32, #tpu.memory_space<vmem>> -> memref<1x80xi32, #tpu.memory_space<vmem>>
    %get3A_29 = tpu.memref_squeeze %get3A_28 : memref<1x80xi32, #tpu.memory_space<vmem>> -> memref<80xi32, #tpu.memory_space<vmem>>
    %get3A_30 = arith.constant 16 : index
    %get3A_31 = tpu.vector_load %get3A_29[%get3A_30] {strides = array<i32>} : memref<80xi32, #tpu.memory_space<vmem>>, vector<16xi32>,
    %get3A_32 = vector.shape_cast %get3A_31 : vector<16xi32> to vector<16xi32>
    %and3A_33 = arith.constant 65535 : i32
    %and3A_34 = vector.broadcast %and3A_33 : i32 to vector<16xi32>
    %and3A_35 = arith.andi %get3A_32, %and3A_34 : vector<16xi32>
    %swap3A_36 = arith.constant 16 : index
    %swap3A_37 = tpu.vector_load %arg7[%swap3A_36] {strides = array<i32>} : memref<80xi32, #tpu.memory_space<vmem>>, vector<16xi32>,
    %swap3A_38 = vector.shape_cast %swap3A_37 : vector<16xi32> to vector<16xi32>
    %swap3A_39 = vector.shape_cast %and3A_35 : vector<16xi32> to vector<16xi32>
    tpu.vector_store %arg7[%swap3A_36], %swap3A_39 {strides = array<i32>} : memref<80xi32, #tpu.memory_space<vmem>>, vector<16xi32>,
    %shift_right_logical3A_40 = arith.constant 16 : i32
    %shift_right_logical3A_41 = vector.broadcast %shift_right_logical3A_40 : i32 to vector<16xi32>
    %shift_right_logical3A_42 = arith.shrui %get3A_32, %shift_right_logical3A_41 : vector<16xi32>
    %swap3A_43 = arith.constant 16 : index
    %swap3A_44 = tpu.vector_load %arg8[%swap3A_43] {strides = array<i32>} : memref<80xi32, #tpu.memory_space<vmem>>, vector<16xi32>,
    %swap3A_45 = vector.shape_cast %swap3A_44 : vector<16xi32> to vector<16xi32>
    %swap3A_46 = vector.shape_cast %shift_right_logical3A_42 : vector<16xi32> to vector<16xi32>
    tpu.vector_store %arg8[%swap3A_43], %swap3A_46 {strides = array<i32>} : memref<80xi32, #tpu.memory_space<vmem>>, vector<16xi32>,
    %get3A_47 = arith.constant 124 : i32
    %get3A_48 = arith.constant 0 : i32
    %get3A_49 = tpu.memref_slice %arg6[%get3A_47, %get3A_48] : memref<125x80xi32, #tpu.memory_space<vmem>> -> memref<1x80xi32, #tpu.memory_space<vmem>>
    %get3A_50 = tpu.memref_squeeze %get3A_49 : memref<1x80xi32, #tpu.memory_space<vmem>> -> memref<80xi32, #tpu.memory_space<vmem>>
    %get3A_51 = arith.constant 32 : index
    %get3A_52 = tpu.vector_load %get3A_50[%get3A_51] {strides = array<i32>} : memref<80xi32, #tpu.memory_space<vmem>>, vector<16xi32>,
    %get3A_53 = vector.shape_cast %get3A_52 : vector<16xi32> to vector<16xi32>
    %and3A_54 = arith.constant 65535 : i32
    %and3A_55 = vector.broadcast %and3A_54 : i32 to vector<16xi32>
    %and3A_56 = arith.andi %get3A_53, %and3A_55 : vector<16xi32>
    %swap3A_57 = arith.constant 32 : index
    %swap3A_58 = tpu.vector_load %arg7[%swap3A_57] {strides = array<i32>} : memref<80xi32, #tpu.memory_space<vmem>>, vector<16xi32>,
    %swap3A_59 = vector.shape_cast %swap3A_58 : vector<16xi32> to vector<16xi32>
    %swap3A_60 = vector.shape_cast %and3A_56 : vector<16xi32> to vector<16xi32>
    tpu.vector_store %arg7[%swap3A_57], %swap3A_60 {strides = array<i32>} : memref<80xi32, #tpu.memory_space<vmem>>, vector<16xi32>,
    %shift_right_logical3A_61 = arith.constant 16 : i32
    %shift_right_logical3A_62 = vector.broadcast %shift_right_logical3A_61 : i32 to vector<16xi32>
    %shift_right_logical3A_63 = arith.shrui %get3A_53, %shift_right_logical3A_62 : vector<16xi32>
    %swap3A_64 = arith.constant 32 : index
    %swap3A_65 = tpu.vector_load %arg8[%swap3A_64] {strides = array<i32>} : memref<80xi32, #tpu.memory_space<vmem>>, vector<16xi32>,
    %swap3A_66 = vector.shape_cast %swap3A_65 : vector<16xi32> to vector<16xi32>
    %swap3A_67 = vector.shape_cast %shift_right_logical3A_63 : vector<16xi32> to vector<16xi32>
    tpu.vector_store %arg8[%swap3A_64], %swap3A_67 {strides = array<i32>} : memref<80xi32, #tpu.memory_space<vmem>>, vector<16xi32>,
    %get3A_68 = arith.constant 124 : i32
    %get3A_69 = arith.constant 0 : i32
    %get3A_70 = tpu.memref_slice %arg6[%get3A_68, %get3A_69] : memref<125x80xi32, #tpu.memory_space<vmem>> -> memref<1x80xi32, #tpu.memory_space<vmem>>
    %get3A_71 = tpu.memref_squeeze %get3A_70 : memref<1x80xi32, #tpu.memory_space<vmem>> -> memref<80xi32, #tpu.memory_space<vmem>>
    %get3A_72 = arith.constant 48 : index
    %get3A_73 = tpu.vector_load %get3A_71[%get3A_72] {strides = array<i32>} : memref<80xi32, #tpu.memory_space<vmem>>, vector<16xi32>,
    %get3A_74 = vector.shape_cast %get3A_73 : vector<16xi32> to vector<16xi32>
    %and3A_75 = arith.constant 65535 : i32
    %and3A_76 = vector.broadcast %and3A_75 : i32 to vector<16xi32>
    %and3A_77 = arith.andi %get3A_74, %and3A_76 : vector<16xi32>
    %swap3A_78 = arith.constant 48 : index
    %swap3A_79 = tpu.vector_load %arg7[%swap3A_78] {strides = array<i32>} : memref<80xi32, #tpu.memory_space<vmem>>, vector<16xi32>,
    %swap3A_80 = vector.shape_cast %swap3A_79 : vector<16xi32> to vector<16xi32>
    %swap3A_81 = vector.shape_cast %and3A_77 : vector<16xi32> to vector<16xi32>
    tpu.vector_store %arg7[%swap3A_78], %swap3A_81 {strides = array<i32>} : memref<80xi32, #tpu.memory_space<vmem>>, vector<16xi32>,
    %shift_right_logical3A_82 = arith.constant 16 : i32
    %shift_right_logical3A_83 = vector.broadcast %shift_right_logical3A_82 : i32 to vector<16xi32>
    %shift_right_logical3A_84 = arith.shrui %get3A_74, %shift_right_logical3A_83 : vector<16xi32>
    %swap3A_85 = arith.constant 48 : index
    %swap3A_86 = tpu.vector_load %arg8[%swap3A_85] {strides = array<i32>} : memref<80xi32, #tpu.memory_space<vmem>>, vector<16xi32>,
    %swap3A_87 = vector.shape_cast %swap3A_86 : vector<16xi32> to vector<16xi32>
    %swap3A_88 = vector.shape_cast %shift_right_logical3A_84 : vector<16xi32> to vector<16xi32>
    tpu.vector_store %arg8[%swap3A_85], %swap3A_88 {strides = array<i32>} : memref<80xi32, #tpu.memory_space<vmem>>, vector<16xi32>,
    %get3A_89 = arith.constant 124 : i32
    %get3A_90 = arith.constant 0 : i32
    %get3A_91 = tpu.memref_slice %arg6[%get3A_89, %get3A_90] : memref<125x80xi32, #tpu.memory_space<vmem>> -> memref<1x80xi32, #tpu.memory_space<vmem>>
    %get3A_92 = tpu.memref_squeeze %get3A_91 : memref<1x80xi32, #tpu.memory_space<vmem>> -> memref<80xi32, #tpu.memory_space<vmem>>
    %get3A_93 = arith.constant 64 : index
    %get3A_94 = tpu.vector_load %get3A_92[%get3A_93] {strides = array<i32>} : memref<80xi32, #tpu.memory_space<vmem>>, vector<16xi32>,
    %get3A_95 = vector.shape_cast %get3A_94 : vector<16xi32> to vector<16xi32>
    %and3A_96 = arith.constant 65535 : i32
    %and3A_97 = vector.broadcast %and3A_96 : i32 to vector<16xi32>
    %and3A_98 = arith.andi %get3A_95, %and3A_97 : vector<16xi32>
    %swap3A_99 = arith.constant 64 : index
    %swap3A_100 = tpu.vector_load %arg7[%swap3A_99] {strides = array<i32>} : memref<80xi32, #tpu.memory_space<vmem>>, vector<16xi32>,
    %swap3A_101 = vector.shape_cast %swap3A_100 : vector<16xi32> to vector<16xi32>
    %swap3A_102 = vector.shape_cast %and3A_98 : vector<16xi32> to vector<16xi32>
    tpu.vector_store %arg7[%swap3A_99], %swap3A_102 {strides = array<i32>} : memref<80xi32, #tpu.memory_space<vmem>>, vector<16xi32>,
    %shift_right_logical3A_103 = arith.constant 16 : i32
    %shift_right_logical3A_104 = vector.broadcast %shift_right_logical3A_103 : i32 to vector<16xi32>
    %shift_right_logical3A_105 = arith.shrui %get3A_95, %shift_right_logical3A_104 : vector<16xi32>
    %swap3A_106 = arith.constant 64 : index
    %swap3A_107 = tpu.vector_load %arg8[%swap3A_106] {strides = array<i32>} : memref<80xi32, #tpu.memory_space<vmem>>, vector<16xi32>,
    %swap3A_108 = vector.shape_cast %swap3A_107 : vector<16xi32> to vector<16xi32>
    %swap3A_109 = vector.shape_cast %shift_right_logical3A_105 : vector<16xi32> to vector<16xi32>
    tpu.vector_store %arg8[%swap3A_106], %swap3A_109 {strides = array<i32>} : memref<80xi32, #tpu.memory_space<vmem>>, vector<16xi32>,
    "tpu.region"() ({
      %run_scoped3A = tpu.sem_alloc : memref<!tpu.dma_semaphore, #tpu.memory_space<semaphore_mem>>
      %dma_start3A_123 = arith.constant 0 : i32
      %dma_start3A_124 = arith.constant 0 : i32
      %dma_start3A_125 = tpu.memref_slice %arg2[%dma_start3A_123, %dma_start3A_124] : memref<10000x128xf32, #tpu.memory_space<hbm>> -> memref<10000x128xf32, #tpu.memory_space<hbm>>
      tpu.enqueue_indirect_dma source(%dma_start3A_125 : memref<10000x128xf32, #tpu.memory_space<hbm>>) target(%arg11 : memref<80x128xf32, #tpu.memory_space<vmem>>) offsets(%arg7 : memref<80xi32, #tpu.memory_space<vmem>>) semaphore(%run_scoped3A : memref<!tpu.dma_semaphore, #tpu.memory_space<semaphore_mem>>)
      %dma_wait3A_126 = arith.constant 0 : i32
      %dma_wait3A_127 = arith.constant 0 : i32
      %dma_wait3A_128 = tpu.memref_slice %arg2[%dma_wait3A_126, %dma_wait3A_127] : memref<10000x128xf32, #tpu.memory_space<hbm>> -> memref<10000x128xf32, #tpu.memory_space<hbm>>
      tpu.wait_indirect_dma semaphore(%run_scoped3A : memref<!tpu.dma_semaphore, #tpu.memory_space<semaphore_mem>>) src(%dma_wait3A_128 : memref<10000x128xf32, #tpu.memory_space<hbm>>) dst(%arg11 : memref<80x128xf32, #tpu.memory_space<vmem>>)
      tpu.yield
    }) : () -> ()
    %dma_start3A = arith.constant 0 : i32
    %dma_start3A_110 = arith.constant 0 : i32
    %dma_start3A_111 = tpu.memref_slice %arg13[%dma_start3A, %dma_start3A_110] : memref<10000x128xf32, #tpu.memory_space<vmem_shared>> -> memref<10000x128xf32, #tpu.memory_space<vmem_shared>>
    tpu.enqueue_indirect_dma source(%arg11 : memref<80x128xf32, #tpu.memory_space<vmem>>) target(%dma_start3A_111 : memref<10000x128xf32, #tpu.memory_space<vmem_shared>>) offsets(%arg8 : memref<80xi32, #tpu.memory_space<vmem>>) semaphore(%arg14 : memref<!tpu.dma_semaphore, #tpu.memory_space<semaphore_mem>>) {add = true}
    %dma_wait3A_112 = arith.constant 0 : i32
    %dma_wait3A_113 = arith.constant 0 : i32
    %dma_wait3A_114 = tpu.memref_slice %arg13[%dma_wait3A_112, %dma_wait3A_113] : memref<10000x128xf32, #tpu.memory_space<vmem_shared>> -> memref<10000x128xf32, #tpu.memory_space<vmem_shared>>
    tpu.wait_indirect_dma semaphore(%arg14 : memref<!tpu.dma_semaphore, #tpu.memory_space<semaphore_mem>>) src(%arg11 : memref<80x128xf32, #tpu.memory_space<vmem>>) dst(%dma_wait3A_114 : memref<10000x128xf32, #tpu.memory_space<vmem_shared>>)
    %dma_wait3A_115 = arith.constant 0 : i32
    %dma_wait3A_116 = arith.constant 0 : i32
    %dma_wait3A_117 = tpu.memref_slice %arg13[%dma_wait3A_115, %dma_wait3A_116] : memref<10000x128xf32, #tpu.memory_space<vmem_shared>> -> memref<10000x128xf32, #tpu.memory_space<vmem_shared>>
    tpu.wait_indirect_dma semaphore(%arg15 : memref<!tpu.dma_semaphore, #tpu.memory_space<semaphore_mem>>) src(%arg12 : memref<80x128xf32, #tpu.memory_space<vmem>>) dst(%dma_wait3A_117 : memref<10000x128xf32, #tpu.memory_space<vmem_shared>>)
    %barrier3A_118 = arith.constant 0 : index
    tpu.barrier barrier_id(%barrier3A_118)
    %mul3A_119 = arith.constant 624 : i32
    %mul3A_120 = arith.muli %arg1, %mul3A_119 : i32
    "tpu.region"() ({
      %run_scoped3A = tpu.sem_alloc : memref<!tpu.dma_semaphore, #tpu.memory_space<semaphore_mem>>
      %dma_start3A_123 = arith.constant 0 : i32
      %dma_start3A_124 = tpu.memref_slice %arg5[%arg0, %mul3A_120, %dma_start3A_123] : memref<2x10000x128xf32, #tpu.memory_space<hbm>> -> memref<1x624x128xf32, #tpu.memory_space<hbm>>
      %dma_start3A_125 = tpu.memref_squeeze %dma_start3A_124 : memref<1x624x128xf32, #tpu.memory_space<hbm>> -> memref<624x128xf32, #tpu.memory_space<hbm>>
      %dma_start3A_126 = arith.constant 0 : i32
      %dma_start3A_127 = tpu.memref_slice %arg13[%mul3A_120, %dma_start3A_126] : memref<10000x128xf32, #tpu.memory_space<vmem_shared>> -> memref<624x128xf32, #tpu.memory_space<vmem_shared>>
      tpu.enqueue_dma source(%dma_start3A_127 : memref<624x128xf32, #tpu.memory_space<vmem_shared>>) target(%dma_start3A_125 : memref<624x128xf32, #tpu.memory_space<hbm>>) target_semaphore(%run_scoped3A : memref<!tpu.dma_semaphore, #tpu.memory_space<semaphore_mem>>)
      %dma_wait3A_128 = arith.constant 0 : i32
      %dma_wait3A_129 = tpu.memref_slice %arg5[%arg0, %mul3A_120, %dma_wait3A_128] : memref<2x10000x128xf32, #tpu.memory_space<hbm>> -> memref<1x624x128xf32, #tpu.memory_space<hbm>>
      %dma_wait3A_130 = tpu.memref_squeeze %dma_wait3A_129 : memref<1x624x128xf32, #tpu.memory_space<hbm>> -> memref<624x128xf32, #tpu.memory_space<hbm>>
      %dma_wait3A_131 = arith.constant 0 : i32
      %dma_wait3A_132 = tpu.memref_slice %arg13[%mul3A_120, %dma_wait3A_131] : memref<10000x128xf32, #tpu.memory_space<vmem_shared>> -> memref<624x128xf32, #tpu.memory_space<vmem_shared>>
      tpu.wait_dma2 semaphore(%run_scoped3A : memref<!tpu.dma_semaphore, #tpu.memory_space<semaphore_mem>>) src(%dma_wait3A_132 : memref<624x128xf32, #tpu.memory_space<vmem_shared>>) dst(%dma_wait3A_130 : memref<624x128xf32, #tpu.memory_space<hbm>>)
      tpu.yield
    }) : () -> ()
    %eq3A = arith.constant 15 : i32
    %eq3A_121 = arith.cmpi eq, %arg1, %eq3A : i32
    %convert_element_type3A = arith.extui %eq3A_121 : i1 to i32
    %cond3A = arith.constant 0 : i32
    %cond3A_122 = arith.cmpi ne, %convert_element_type3A, %cond3A : i32
    scf.if %cond3A_122 {
      "tpu.region"() ({
        %run_scoped3A = tpu.sem_alloc : memref<!tpu.dma_semaphore, #tpu.memory_space<semaphore_mem>>
        %dma_start3A_123 = arith.constant 9984 : i32
        %dma_start3A_124 = arith.constant 0 : i32
        %dma_start3A_125 = tpu.memref_slice %arg5[%arg0, %dma_start3A_123, %dma_start3A_124] : memref<2x10000x128xf32, #tpu.memory_space<hbm>> -> memref<1x16x128xf32, #tpu.memory_space<hbm>>
        %dma_start3A_126 = tpu.memref_squeeze %dma_start3A_125 : memref<1x16x128xf32, #tpu.memory_space<hbm>> -> memref<16x128xf32, #tpu.memory_space<hbm>>
        %dma_start3A_127 = arith.constant 9984 : i32
        %dma_start3A_128 = arith.constant 0 : i32
        %dma_start3A_129 = tpu.memref_slice %arg13[%dma_start3A_127, %dma_start3A_128] : memref<10000x128xf32, #tpu.memory_space<vmem_shared>> -> memref<16x128xf32, #tpu.memory_space<vmem_shared>>
        tpu.enqueue_dma source(%dma_start3A_129 : memref<16x128xf32, #tpu.memory_space<vmem_shared>>) target(%dma_start3A_126 : memref<16x128xf32, #tpu.memory_space<hbm>>) target_semaphore(%run_scoped3A : memref<!tpu.dma_semaphore, #tpu.memory_space<semaphore_mem>>)
        %dma_wait3A_130 = arith.constant 9984 : i32
        %dma_wait3A_131 = arith.constant 0 : i32
        %dma_wait3A_132 = tpu.memref_slice %arg5[%arg0, %dma_wait3A_130, %dma_wait3A_131] : memref<2x10000x128xf32, #tpu.memory_space<hbm>> -> memref<1x16x128xf32, #tpu.memory_space<hbm>>
        %dma_wait3A_133 = tpu.memref_squeeze %dma_wait3A_132 : memref<1x16x128xf32, #tpu.memory_space<hbm>> -> memref<16x128xf32, #tpu.memory_space<hbm>>
        %dma_wait3A_134 = arith.constant 9984 : i32
        %dma_wait3A_135 = arith.constant 0 : i32
        %dma_wait3A_136 = tpu.memref_slice %arg13[%dma_wait3A_134, %dma_wait3A_135] : memref<10000x128xf32, #tpu.memory_space<vmem_shared>> -> memref<16x128xf32, #tpu.memory_space<vmem_shared>>
        tpu.wait_dma2 semaphore(%run_scoped3A : memref<!tpu.dma_semaphore, #tpu.memory_space<semaphore_mem>>) src(%dma_wait3A_136 : memref<16x128xf32, #tpu.memory_space<vmem_shared>>) dst(%dma_wait3A_133 : memref<16x128xf32, #tpu.memory_space<hbm>>)
        tpu.yield
      }) : () -> ()
    } else {
    }
    return
  }
}

#map = affine_map<(d0, d1) -> (0, 0)>
#map1 = affine_map<(d0, d1) -> (0, 0, 0)>
module attributes {stable_mosaic.version = 14 : i64} {
  func.func @k(%arg0: i32, %arg1: i32, %arg2: memref<10000x128xf32, #tpu.memory_space<hbm>>, %arg3: memref<32x125x80xi32, #tpu.memory_space<hbm>>, %arg4: memref<16x625x128xf32, #tpu.memory_space<hbm>>, %arg5: memref<2x10000x128xf32, #tpu.memory_space<hbm>>, %arg6: memref<125x80xi32, #tpu.memory_space<vmem>>, %arg7: memref<80xi32, #tpu.memory_space<vmem>>, %arg8: memref<80xi32, #tpu.memory_space<vmem>>, %arg9: memref<80xi32, #tpu.memory_space<vmem>>, %arg10: memref<80xi32, #tpu.memory_space<vmem>>, %arg11: memref<80x128xf32, #tpu.memory_space<vmem>>, %arg12: memref<80x128xf32, #tpu.memory_space<vmem>>, %arg13: memref<10000x128xf32, #tpu.memory_space<vmem_shared>>, %arg14: memref<!tpu.dma_semaphore, #tpu.memory_space<semaphore_mem>>, %arg15: memref<!tpu.dma_semaphore, #tpu.memory_space<semaphore_mem>>, %arg16: memref<!tpu.dma_semaphore, #tpu.memory_space<semaphore_mem>>, %arg17: memref<!tpu.dma_semaphore, #tpu.memory_space<semaphore_mem>>) attributes {dimension_semantics = [#tpu.dimension_semantics<core_parallel>, #tpu.dimension_semantics<subcore_parallel>], iteration_bounds = array<i64: 2, 16>, scalar_prefetch = 0 : i64, scratch_operands = 12 : i64, tpu.core_type = #tpu.core_type<sc_vector_subcore>, window_params = [{transform_indices = #map}, {transform_indices = #map1}, {transform_indices = #map1}, {transform_indices = #map1}]} {
    %mul3A = arith.constant 16 : i32
    %mul3A_0 = arith.muli %arg0, %mul3A : i32
    %add3A = arith.addi %mul3A_0, %arg1 : i32
    "tpu.region"() ({
      %run_scoped3A = tpu.sem_alloc : memref<!tpu.dma_semaphore, #tpu.memory_space<semaphore_mem>>
      %dma_start3A_123 = arith.constant 0 : i32
      %dma_start3A_124 = arith.constant 0 : i32
      %dma_start3A_125 = tpu.memref_slice %arg3[%add3A, %dma_start3A_123, %dma_start3A_124] : memref<32x125x80xi32, #tpu.memory_space<hbm>> -> memref<1x125x80xi32, #tpu.memory_space<hbm>>
      %dma_start3A_126 = tpu.memref_squeeze %dma_start3A_125 : memref<1x125x80xi32, #tpu.memory_space<hbm>> -> memref<125x80xi32, #tpu.memory_space<hbm>>
      %dma_start3A_127 = arith.constant 0 : i32
      %dma_start3A_128 = arith.constant 0 : i32
      %dma_start3A_129 = tpu.memref_slice %arg3[%add3A, %dma_start3A_127, %dma_start3A_128] : memref<32x125x80xi32, #tpu.memory_space<hbm>> -> memref<1x125x80xi32, #tpu.memory_space<hbm>>
      %dma_start3A_130 = tpu.memref_squeeze %dma_start3A_129 : memref<1x125x80xi32, #tpu.memory_space<hbm>> -> memref<125x80xi32, #tpu.memory_space<hbm>>
      tpu.enqueue_dma source(%dma_start3A_130 : memref<125x80xi32, #tpu.memory_space<hbm>>) target(%arg6 : memref<125x80xi32, #tpu.memory_space<vmem>>) target_semaphore(%run_scoped3A : memref<!tpu.dma_semaphore, #tpu.memory_space<semaphore_mem>>)
      %dma_wait3A_131 = arith.constant 0 : i32
      %dma_wait3A_132 = arith.constant 0 : i32
      %dma_wait3A_133 = tpu.memref_slice %arg3[%add3A, %dma_wait3A_131, %dma_wait3A_132] : memref<32x125x80xi32, #tpu.memory_space<hbm>> -> memref<1x125x80xi32, #tpu.memory_space<hbm>>
      %dma_wait3A_134 = tpu.memref_squeeze %dma_wait3A_133 : memref<1x125x80xi32, #tpu.memory_space<hbm>> -> memref<125x80xi32, #tpu.memory_space<hbm>>
      %dma_wait3A_135 = arith.constant 0 : i32
      %dma_wait3A_136 = arith.constant 0 : i32
      %dma_wait3A_137 = tpu.memref_slice %arg3[%add3A, %dma_wait3A_135, %dma_wait3A_136] : memref<32x125x80xi32, #tpu.memory_space<hbm>> -> memref<1x125x80xi32, #tpu.memory_space<hbm>>
      %dma_wait3A_138 = tpu.memref_squeeze %dma_wait3A_137 : memref<1x125x80xi32, #tpu.memory_space<hbm>> -> memref<125x80xi32, #tpu.memory_space<hbm>>
      tpu.wait_dma2 semaphore(%run_scoped3A : memref<!tpu.dma_semaphore, #tpu.memory_space<semaphore_mem>>) src(%dma_wait3A_138 : memref<125x80xi32, #tpu.memory_space<hbm>>) dst(%arg6 : memref<125x80xi32, #tpu.memory_space<vmem>>)
      tpu.yield
    }) : () -> ()
    %mul3A_1 = arith.constant 625 : i32
    %mul3A_2 = arith.muli %arg1, %mul3A_1 : i32
    "tpu.region"() ({
      %run_scoped3A = tpu.sem_alloc : memref<!tpu.dma_semaphore, #tpu.memory_space<semaphore_mem>>
      %dma_start3A_123 = arith.constant 0 : i32
      %dma_start3A_124 = tpu.memref_slice %arg13[%mul3A_2, %dma_start3A_123] : memref<10000x128xf32, #tpu.memory_space<vmem_shared>> -> memref<625x128xf32, #tpu.memory_space<vmem_shared>>
      %dma_start3A_125 = arith.constant 0 : i32
      %dma_start3A_126 = arith.constant 0 : i32
      %dma_start3A_127 = tpu.memref_slice %arg4[%arg1, %dma_start3A_125, %dma_start3A_126] : memref<16x625x128xf32, #tpu.memory_space<hbm>> -> memref<1x625x128xf32, #tpu.memory_space<hbm>>
      %dma_start3A_128 = tpu.memref_squeeze %dma_start3A_127 : memref<1x625x128xf32, #tpu.memory_space<hbm>> -> memref<625x128xf32, #tpu.memory_space<hbm>>
      tpu.enqueue_dma source(%dma_start3A_128 : memref<625x128xf32, #tpu.memory_space<hbm>>) target(%dma_start3A_124 : memref<625x128xf32, #tpu.memory_space<vmem_shared>>) target_semaphore(%run_scoped3A : memref<!tpu.dma_semaphore, #tpu.memory_space<semaphore_mem>>)
      %dma_wait3A_129 = arith.constant 0 : i32
      %dma_wait3A_130 = tpu.memref_slice %arg13[%mul3A_2, %dma_wait3A_129] : memref<10000x128xf32, #tpu.memory_space<vmem_shared>> -> memref<625x128xf32, #tpu.memory_space<vmem_shared>>
      %dma_wait3A_131 = arith.constant 0 : i32
      %dma_wait3A_132 = arith.constant 0 : i32
      %dma_wait3A_133 = tpu.memref_slice %arg4[%arg1, %dma_wait3A_131, %dma_wait3A_132] : memref<16x625x128xf32, #tpu.memory_space<hbm>> -> memref<1x625x128xf32, #tpu.memory_space<hbm>>
      %dma_wait3A_134 = tpu.memref_squeeze %dma_wait3A_133 : memref<1x625x128xf32, #tpu.memory_space<hbm>> -> memref<625x128xf32, #tpu.memory_space<hbm>>
      tpu.wait_dma2 semaphore(%run_scoped3A : memref<!tpu.dma_semaphore, #tpu.memory_space<semaphore_mem>>) src(%dma_wait3A_134 : memref<625x128xf32, #tpu.memory_space<hbm>>) dst(%dma_wait3A_130 : memref<625x128xf32, #tpu.memory_space<vmem_shared>>)
      tpu.yield
    }) : () -> ()
    %barrier3A = arith.constant 0 : index
    tpu.barrier barrier_id(%barrier3A)
    %scan3A = arith.constant 0 : i32
    %scan3A_3 = arith.constant 62 : i32
    %scan3A_4 = arith.addi %scan3A, %scan3A_3 : i32
    %scan3A_5 = arith.constant 1 : i32
    scf.for %scan3A_123 = %scan3A to %scan3A_4 step %scan3A_5  : i32 {
      %mul3A_124 = arith.constant 2 : i32
      %mul3A_125 = arith.muli %scan3A_123, %mul3A_124 : i32
      %add3A_126 = arith.constant 0 : i32
      %add3A_127 = arith.addi %add3A_126, %mul3A_125 : i32
      %ge3A = arith.constant 2 : i32
      %ge3A_128 = arith.cmpi sge, %add3A_127, %ge3A : i32
      %convert_element_type3A_129 = arith.extui %ge3A_128 : i1 to i32
      %cond3A_130 = arith.constant 0 : i32
      %cond3A_131 = arith.cmpi ne, %convert_element_type3A_129, %cond3A_130 : i32
      scf.if %cond3A_131 {
        %dma_wait3A_357 = arith.constant 0 : i32
        %dma_wait3A_358 = arith.constant 0 : i32
        %dma_wait3A_359 = tpu.memref_slice %arg13[%dma_wait3A_357, %dma_wait3A_358] : memref<10000x128xf32, #tpu.memory_space<vmem_shared>> -> memref<10000x128xf32, #tpu.memory_space<vmem_shared>>
        tpu.wait_indirect_dma semaphore(%arg14 : memref<!tpu.dma_semaphore, #tpu.memory_space<semaphore_mem>>) src(%arg11 : memref<80x128xf32, #tpu.memory_space<vmem>>) dst(%dma_wait3A_359 : memref<10000x128xf32, #tpu.memory_space<vmem_shared>>)
      } else {
      }
      %get3A_132 = arith.constant 0 : i32
      %get3A_133 = tpu.memref_slice %arg6[%add3A_127, %get3A_132] : memref<125x80xi32, #tpu.memory_space<vmem>> -> memref<1x80xi32, #tpu.memory_space<vmem>>
      %get3A_134 = tpu.memref_squeeze %get3A_133 : memref<1x80xi32, #tpu.memory_space<vmem>> -> memref<80xi32, #tpu.memory_space<vmem>>
      %get3A_135 = arith.constant 0 : index
      %get3A_136 = tpu.vector_load %get3A_134[%get3A_135] {strides = array<i32>} : memref<80xi32, #tpu.memory_space<vmem>>, vector<16xi32>,
      %get3A_137 = vector.shape_cast %get3A_136 : vector<16xi32> to vector<16xi32>
      %and3A_138 = arith.constant 65535 : i32
      %and3A_139 = vector.broadcast %and3A_138 : i32 to vector<16xi32>
      %and3A_140 = arith.andi %get3A_137, %and3A_139 : vector<16xi32>
      %swap3A_141 = arith.constant 0 : index
      %swap3A_142 = tpu.vector_load %arg7[%swap3A_141] {strides = array<i32>} : memref<80xi32, #tpu.memory_space<vmem>>, vector<16xi32>,
      %swap3A_143 = vector.shape_cast %swap3A_142 : vector<16xi32> to vector<16xi32>
      %swap3A_144 = vector.shape_cast %and3A_140 : vector<16xi32> to vector<16xi32>
      tpu.vector_store %arg7[%swap3A_141], %swap3A_144 {strides = array<i32>} : memref<80xi32, #tpu.memory_space<vmem>>, vector<16xi32>,
      %shift_right_logical3A_145 = arith.constant 16 : i32
      %shift_right_logical3A_146 = vector.broadcast %shift_right_logical3A_145 : i32 to vector<16xi32>
      %shift_right_logical3A_147 = arith.shrui %get3A_137, %shift_right_logical3A_146 : vector<16xi32>
      %swap3A_148 = arith.constant 0 : index
      %swap3A_149 = tpu.vector_load %arg8[%swap3A_148] {strides = array<i32>} : memref<80xi32, #tpu.memory_space<vmem>>, vector<16xi32>,
      %swap3A_150 = vector.shape_cast %swap3A_149 : vector<16xi32> to vector<16xi32>
      %swap3A_151 = vector.shape_cast %shift_right_logical3A_147 : vector<16xi32> to vector<16xi32>
      tpu.vector_store %arg8[%swap3A_148], %swap3A_151 {strides = array<i32>} : memref<80xi32, #tpu.memory_space<vmem>>, vector<16xi32>,
      %get3A_152 = arith.constant 0 : i32
      %get3A_153 = tpu.memref_slice %arg6[%add3A_127, %get3A_152] : memref<125x80xi32, #tpu.memory_space<vmem>> -> memref<1x80xi32, #tpu.memory_space<vmem>>
      %get3A_154 = tpu.memref_squeeze %get3A_153 : memref<1x80xi32, #tpu.memory_space<vmem>> -> memref<80xi32, #tpu.memory_space<vmem>>
      %get3A_155 = arith.constant 16 : index
      %get3A_156 = tpu.vector_load %get3A_154[%get3A_155] {strides = array<i32>} : memref<80xi32, #tpu.memory_space<vmem>>, vector<16xi32>,
      %get3A_157 = vector.shape_cast %get3A_156 : vector<16xi32> to vector<16xi32>
      %and3A_158 = arith.constant 65535 : i32
      %and3A_159 = vector.broadcast %and3A_158 : i32 to vector<16xi32>
      %and3A_160 = arith.andi %get3A_157, %and3A_159 : vector<16xi32>
      %swap3A_161 = arith.constant 16 : index
      %swap3A_162 = tpu.vector_load %arg7[%swap3A_161] {strides = array<i32>} : memref<80xi32, #tpu.memory_space<vmem>>, vector<16xi32>,
      %swap3A_163 = vector.shape_cast %swap3A_162 : vector<16xi32> to vector<16xi32>
      %swap3A_164 = vector.shape_cast %and3A_160 : vector<16xi32> to vector<16xi32>
      tpu.vector_store %arg7[%swap3A_161], %swap3A_164 {strides = array<i32>} : memref<80xi32, #tpu.memory_space<vmem>>, vector<16xi32>,
      %shift_right_logical3A_165 = arith.constant 16 : i32
      %shift_right_logical3A_166 = vector.broadcast %shift_right_logical3A_165 : i32 to vector<16xi32>
      %shift_right_logical3A_167 = arith.shrui %get3A_157, %shift_right_logical3A_166 : vector<16xi32>
      %swap3A_168 = arith.constant 16 : index
      %swap3A_169 = tpu.vector_load %arg8[%swap3A_168] {strides = array<i32>} : memref<80xi32, #tpu.memory_space<vmem>>, vector<16xi32>,
      %swap3A_170 = vector.shape_cast %swap3A_169 : vector<16xi32> to vector<16xi32>
      %swap3A_171 = vector.shape_cast %shift_right_logical3A_167 : vector<16xi32> to vector<16xi32>
      tpu.vector_store %arg8[%swap3A_168], %swap3A_171 {strides = array<i32>} : memref<80xi32, #tpu.memory_space<vmem>>, vector<16xi32>,
      %get3A_172 = arith.constant 0 : i32
      %get3A_173 = tpu.memref_slice %arg6[%add3A_127, %get3A_172] : memref<125x80xi32, #tpu.memory_space<vmem>> -> memref<1x80xi32, #tpu.memory_space<vmem>>
      %get3A_174 = tpu.memref_squeeze %get3A_173 : memref<1x80xi32, #tpu.memory_space<vmem>> -> memref<80xi32, #tpu.memory_space<vmem>>
      %get3A_175 = arith.constant 32 : index
      %get3A_176 = tpu.vector_load %get3A_174[%get3A_175] {strides = array<i32>} : memref<80xi32, #tpu.memory_space<vmem>>, vector<16xi32>,
      %get3A_177 = vector.shape_cast %get3A_176 : vector<16xi32> to vector<16xi32>
      %and3A_178 = arith.constant 65535 : i32
      %and3A_179 = vector.broadcast %and3A_178 : i32 to vector<16xi32>
      %and3A_180 = arith.andi %get3A_177, %and3A_179 : vector<16xi32>
      %swap3A_181 = arith.constant 32 : index
      %swap3A_182 = tpu.vector_load %arg7[%swap3A_181] {strides = array<i32>} : memref<80xi32, #tpu.memory_space<vmem>>, vector<16xi32>,
      %swap3A_183 = vector.shape_cast %swap3A_182 : vector<16xi32> to vector<16xi32>
      %swap3A_184 = vector.shape_cast %and3A_180 : vector<16xi32> to vector<16xi32>
      tpu.vector_store %arg7[%swap3A_181], %swap3A_184 {strides = array<i32>} : memref<80xi32, #tpu.memory_space<vmem>>, vector<16xi32>,
      %shift_right_logical3A_185 = arith.constant 16 : i32
      %shift_right_logical3A_186 = vector.broadcast %shift_right_logical3A_185 : i32 to vector<16xi32>
      %shift_right_logical3A_187 = arith.shrui %get3A_177, %shift_right_logical3A_186 : vector<16xi32>
      %swap3A_188 = arith.constant 32 : index
      %swap3A_189 = tpu.vector_load %arg8[%swap3A_188] {strides = array<i32>} : memref<80xi32, #tpu.memory_space<vmem>>, vector<16xi32>,
      %swap3A_190 = vector.shape_cast %swap3A_189 : vector<16xi32> to vector<16xi32>
      %swap3A_191 = vector.shape_cast %shift_right_logical3A_187 : vector<16xi32> to vector<16xi32>
      tpu.vector_store %arg8[%swap3A_188], %swap3A_191 {strides = array<i32>} : memref<80xi32, #tpu.memory_space<vmem>>, vector<16xi32>,
      %get3A_192 = arith.constant 0 : i32
      %get3A_193 = tpu.memref_slice %arg6[%add3A_127, %get3A_192] : memref<125x80xi32, #tpu.memory_space<vmem>> -> memref<1x80xi32, #tpu.memory_space<vmem>>
      %get3A_194 = tpu.memref_squeeze %get3A_193 : memref<1x80xi32, #tpu.memory_space<vmem>> -> memref<80xi32, #tpu.memory_space<vmem>>
      %get3A_195 = arith.constant 48 : index
      %get3A_196 = tpu.vector_load %get3A_194[%get3A_195] {strides = array<i32>} : memref<80xi32, #tpu.memory_space<vmem>>, vector<16xi32>,
      %get3A_197 = vector.shape_cast %get3A_196 : vector<16xi32> to vector<16xi32>
      %and3A_198 = arith.constant 65535 : i32
      %and3A_199 = vector.broadcast %and3A_198 : i32 to vector<16xi32>
      %and3A_200 = arith.andi %get3A_197, %and3A_199 : vector<16xi32>
      %swap3A_201 = arith.constant 48 : index
      %swap3A_202 = tpu.vector_load %arg7[%swap3A_201] {strides = array<i32>} : memref<80xi32, #tpu.memory_space<vmem>>, vector<16xi32>,
      %swap3A_203 = vector.shape_cast %swap3A_202 : vector<16xi32> to vector<16xi32>
      %swap3A_204 = vector.shape_cast %and3A_200 : vector<16xi32> to vector<16xi32>
      tpu.vector_store %arg7[%swap3A_201], %swap3A_204 {strides = array<i32>} : memref<80xi32, #tpu.memory_space<vmem>>, vector<16xi32>,
      %shift_right_logical3A_205 = arith.constant 16 : i32
      %shift_right_logical3A_206 = vector.broadcast %shift_right_logical3A_205 : i32 to vector<16xi32>
      %shift_right_logical3A_207 = arith.shrui %get3A_197, %shift_right_logical3A_206 : vector<16xi32>
      %swap3A_208 = arith.constant 48 : index
      %swap3A_209 = tpu.vector_load %arg8[%swap3A_208] {strides = array<i32>} : memref<80xi32, #tpu.memory_space<vmem>>, vector<16xi32>,
      %swap3A_210 = vector.shape_cast %swap3A_209 : vector<16xi32> to vector<16xi32>
      %swap3A_211 = vector.shape_cast %shift_right_logical3A_207 : vector<16xi32> to vector<16xi32>
      tpu.vector_store %arg8[%swap3A_208], %swap3A_211 {strides = array<i32>} : memref<80xi32, #tpu.memory_space<vmem>>, vector<16xi32>,
      %get3A_212 = arith.constant 0 : i32
      %get3A_213 = tpu.memref_slice %arg6[%add3A_127, %get3A_212] : memref<125x80xi32, #tpu.memory_space<vmem>> -> memref<1x80xi32, #tpu.memory_space<vmem>>
      %get3A_214 = tpu.memref_squeeze %get3A_213 : memref<1x80xi32, #tpu.memory_space<vmem>> -> memref<80xi32, #tpu.memory_space<vmem>>
      %get3A_215 = arith.constant 64 : index
      %get3A_216 = tpu.vector_load %get3A_214[%get3A_215] {strides = array<i32>} : memref<80xi32, #tpu.memory_space<vmem>>, vector<16xi32>,
      %get3A_217 = vector.shape_cast %get3A_216 : vector<16xi32> to vector<16xi32>
      %and3A_218 = arith.constant 65535 : i32
      %and3A_219 = vector.broadcast %and3A_218 : i32 to vector<16xi32>
      %and3A_220 = arith.andi %get3A_217, %and3A_219 : vector<16xi32>
      %swap3A_221 = arith.constant 64 : index
      %swap3A_222 = tpu.vector_load %arg7[%swap3A_221] {strides = array<i32>} : memref<80xi32, #tpu.memory_space<vmem>>, vector<16xi32>,
      %swap3A_223 = vector.shape_cast %swap3A_222 : vector<16xi32> to vector<16xi32>
      %swap3A_224 = vector.shape_cast %and3A_220 : vector<16xi32> to vector<16xi32>
      tpu.vector_store %arg7[%swap3A_221], %swap3A_224 {strides = array<i32>} : memref<80xi32, #tpu.memory_space<vmem>>, vector<16xi32>,
      %shift_right_logical3A_225 = arith.constant 16 : i32
      %shift_right_logical3A_226 = vector.broadcast %shift_right_logical3A_225 : i32 to vector<16xi32>
      %shift_right_logical3A_227 = arith.shrui %get3A_217, %shift_right_logical3A_226 : vector<16xi32>
      %swap3A_228 = arith.constant 64 : index
      %swap3A_229 = tpu.vector_load %arg8[%swap3A_228] {strides = array<i32>} : memref<80xi32, #tpu.memory_space<vmem>>, vector<16xi32>,
      %swap3A_230 = vector.shape_cast %swap3A_229 : vector<16xi32> to vector<16xi32>
      %swap3A_231 = vector.shape_cast %shift_right_logical3A_227 : vector<16xi32> to vector<16xi32>
      tpu.vector_store %arg8[%swap3A_228], %swap3A_231 {strides = array<i32>} : memref<80xi32, #tpu.memory_space<vmem>>, vector<16xi32>,
      %dma_start3A_232 = arith.constant 0 : i32
      %dma_start3A_233 = arith.constant 0 : i32
      %dma_start3A_234 = tpu.memref_slice %arg2[%dma_start3A_232, %dma_start3A_233] : memref<10000x128xf32, #tpu.memory_space<hbm>> -> memref<10000x128xf32, #tpu.memory_space<hbm>>
      tpu.enqueue_indirect_dma source(%dma_start3A_234 : memref<10000x128xf32, #tpu.memory_space<hbm>>) target(%arg11 : memref<80x128xf32, #tpu.memory_space<vmem>>) offsets(%arg7 : memref<80xi32, #tpu.memory_space<vmem>>) semaphore(%arg16 : memref<!tpu.dma_semaphore, #tpu.memory_space<semaphore_mem>>)
      %ge3A_235 = arith.constant 2 : i32
      %ge3A_236 = arith.cmpi sge, %add3A_127, %ge3A_235 : i32
      %convert_element_type3A_237 = arith.extui %ge3A_236 : i1 to i32
      %cond3A_238 = arith.constant 0 : i32
      %cond3A_239 = arith.cmpi ne, %convert_element_type3A_237, %cond3A_238 : i32
      scf.if %cond3A_239 {
        %dma_wait3A_357 = arith.constant 0 : i32
        %dma_wait3A_358 = arith.constant 0 : i32
        %dma_wait3A_359 = tpu.memref_slice %arg13[%dma_wait3A_357, %dma_wait3A_358] : memref<10000x128xf32, #tpu.memory_space<vmem_shared>> -> memref<10000x128xf32, #tpu.memory_space<vmem_shared>>
        tpu.wait_indirect_dma semaphore(%arg15 : memref<!tpu.dma_semaphore, #tpu.memory_space<semaphore_mem>>) src(%arg12 : memref<80x128xf32, #tpu.memory_space<vmem>>) dst(%dma_wait3A_359 : memref<10000x128xf32, #tpu.memory_space<vmem_shared>>)
      } else {
      }
      %add3A_240 = arith.constant 1 : i32
      %add3A_241 = arith.addi %add3A_127, %add3A_240 : i32
      %get3A_242 = arith.constant 0 : i32
      %get3A_243 = tpu.memref_slice %arg6[%add3A_241, %get3A_242] : memref<125x80xi32, #tpu.memory_space<vmem>> -> memref<1x80xi32, #tpu.memory_space<vmem>>
      %get3A_244 = tpu.memref_squeeze %get3A_243 : memref<1x80xi32, #tpu.memory_space<vmem>> -> memref<80xi32, #tpu.memory_space<vmem>>
      %get3A_245 = arith.constant 0 : index
      %get3A_246 = tpu.vector_load %get3A_244[%get3A_245] {strides = array<i32>} : memref<80xi32, #tpu.memory_space<vmem>>, vector<16xi32>,
      %get3A_247 = vector.shape_cast %get3A_246 : vector<16xi32> to vector<16xi32>
      %and3A_248 = arith.constant 65535 : i32
      %and3A_249 = vector.broadcast %and3A_248 : i32 to vector<16xi32>
      %and3A_250 = arith.andi %get3A_247, %and3A_249 : vector<16xi32>
      %swap3A_251 = arith.constant 0 : index
      %swap3A_252 = tpu.vector_load %arg9[%swap3A_251] {strides = array<i32>} : memref<80xi32, #tpu.memory_space<vmem>>, vector<16xi32>,
      %swap3A_253 = vector.shape_cast %swap3A_252 : vector<16xi32> to vector<16xi32>
      %swap3A_254 = vector.shape_cast %and3A_250 : vector<16xi32> to vector<16xi32>
      tpu.vector_store %arg9[%swap3A_251], %swap3A_254 {strides = array<i32>} : memref<80xi32, #tpu.memory_space<vmem>>, vector<16xi32>,
      %shift_right_logical3A_255 = arith.constant 16 : i32
      %shift_right_logical3A_256 = vector.broadcast %shift_right_logical3A_255 : i32 to vector<16xi32>
      %shift_right_logical3A_257 = arith.shrui %get3A_247, %shift_right_logical3A_256 : vector<16xi32>
      %swap3A_258 = arith.constant 0 : index
      %swap3A_259 = tpu.vector_load %arg10[%swap3A_258] {strides = array<i32>} : memref<80xi32, #tpu.memory_space<vmem>>, vector<16xi32>,
      %swap3A_260 = vector.shape_cast %swap3A_259 : vector<16xi32> to vector<16xi32>
      %swap3A_261 = vector.shape_cast %shift_right_logical3A_257 : vector<16xi32> to vector<16xi32>
      tpu.vector_store %arg10[%swap3A_258], %swap3A_261 {strides = array<i32>} : memref<80xi32, #tpu.memory_space<vmem>>, vector<16xi32>,
      %get3A_262 = arith.constant 0 : i32
      %get3A_263 = tpu.memref_slice %arg6[%add3A_241, %get3A_262] : memref<125x80xi32, #tpu.memory_space<vmem>> -> memref<1x80xi32, #tpu.memory_space<vmem>>
      %get3A_264 = tpu.memref_squeeze %get3A_263 : memref<1x80xi32, #tpu.memory_space<vmem>> -> memref<80xi32, #tpu.memory_space<vmem>>
      %get3A_265 = arith.constant 16 : index
      %get3A_266 = tpu.vector_load %get3A_264[%get3A_265] {strides = array<i32>} : memref<80xi32, #tpu.memory_space<vmem>>, vector<16xi32>,
      %get3A_267 = vector.shape_cast %get3A_266 : vector<16xi32> to vector<16xi32>
      %and3A_268 = arith.constant 65535 : i32
      %and3A_269 = vector.broadcast %and3A_268 : i32 to vector<16xi32>
      %and3A_270 = arith.andi %get3A_267, %and3A_269 : vector<16xi32>
      %swap3A_271 = arith.constant 16 : index
      %swap3A_272 = tpu.vector_load %arg9[%swap3A_271] {strides = array<i32>} : memref<80xi32, #tpu.memory_space<vmem>>, vector<16xi32>,
      %swap3A_273 = vector.shape_cast %swap3A_272 : vector<16xi32> to vector<16xi32>
      %swap3A_274 = vector.shape_cast %and3A_270 : vector<16xi32> to vector<16xi32>
      tpu.vector_store %arg9[%swap3A_271], %swap3A_274 {strides = array<i32>} : memref<80xi32, #tpu.memory_space<vmem>>, vector<16xi32>,
      %shift_right_logical3A_275 = arith.constant 16 : i32
      %shift_right_logical3A_276 = vector.broadcast %shift_right_logical3A_275 : i32 to vector<16xi32>
      %shift_right_logical3A_277 = arith.shrui %get3A_267, %shift_right_logical3A_276 : vector<16xi32>
      %swap3A_278 = arith.constant 16 : index
      %swap3A_279 = tpu.vector_load %arg10[%swap3A_278] {strides = array<i32>} : memref<80xi32, #tpu.memory_space<vmem>>, vector<16xi32>,
      %swap3A_280 = vector.shape_cast %swap3A_279 : vector<16xi32> to vector<16xi32>
      %swap3A_281 = vector.shape_cast %shift_right_logical3A_277 : vector<16xi32> to vector<16xi32>
      tpu.vector_store %arg10[%swap3A_278], %swap3A_281 {strides = array<i32>} : memref<80xi32, #tpu.memory_space<vmem>>, vector<16xi32>,
      %get3A_282 = arith.constant 0 : i32
      %get3A_283 = tpu.memref_slice %arg6[%add3A_241, %get3A_282] : memref<125x80xi32, #tpu.memory_space<vmem>> -> memref<1x80xi32, #tpu.memory_space<vmem>>
      %get3A_284 = tpu.memref_squeeze %get3A_283 : memref<1x80xi32, #tpu.memory_space<vmem>> -> memref<80xi32, #tpu.memory_space<vmem>>
      %get3A_285 = arith.constant 32 : index
      %get3A_286 = tpu.vector_load %get3A_284[%get3A_285] {strides = array<i32>} : memref<80xi32, #tpu.memory_space<vmem>>, vector<16xi32>,
      %get3A_287 = vector.shape_cast %get3A_286 : vector<16xi32> to vector<16xi32>
      %and3A_288 = arith.constant 65535 : i32
      %and3A_289 = vector.broadcast %and3A_288 : i32 to vector<16xi32>
      %and3A_290 = arith.andi %get3A_287, %and3A_289 : vector<16xi32>
      %swap3A_291 = arith.constant 32 : index
      %swap3A_292 = tpu.vector_load %arg9[%swap3A_291] {strides = array<i32>} : memref<80xi32, #tpu.memory_space<vmem>>, vector<16xi32>,
      %swap3A_293 = vector.shape_cast %swap3A_292 : vector<16xi32> to vector<16xi32>
      %swap3A_294 = vector.shape_cast %and3A_290 : vector<16xi32> to vector<16xi32>
      tpu.vector_store %arg9[%swap3A_291], %swap3A_294 {strides = array<i32>} : memref<80xi32, #tpu.memory_space<vmem>>, vector<16xi32>,
      %shift_right_logical3A_295 = arith.constant 16 : i32
      %shift_right_logical3A_296 = vector.broadcast %shift_right_logical3A_295 : i32 to vector<16xi32>
      %shift_right_logical3A_297 = arith.shrui %get3A_287, %shift_right_logical3A_296 : vector<16xi32>
      %swap3A_298 = arith.constant 32 : index
      %swap3A_299 = tpu.vector_load %arg10[%swap3A_298] {strides = array<i32>} : memref<80xi32, #tpu.memory_space<vmem>>, vector<16xi32>,
      %swap3A_300 = vector.shape_cast %swap3A_299 : vector<16xi32> to vector<16xi32>
      %swap3A_301 = vector.shape_cast %shift_right_logical3A_297 : vector<16xi32> to vector<16xi32>
      tpu.vector_store %arg10[%swap3A_298], %swap3A_301 {strides = array<i32>} : memref<80xi32, #tpu.memory_space<vmem>>, vector<16xi32>,
      %get3A_302 = arith.constant 0 : i32
      %get3A_303 = tpu.memref_slice %arg6[%add3A_241, %get3A_302] : memref<125x80xi32, #tpu.memory_space<vmem>> -> memref<1x80xi32, #tpu.memory_space<vmem>>
      %get3A_304 = tpu.memref_squeeze %get3A_303 : memref<1x80xi32, #tpu.memory_space<vmem>> -> memref<80xi32, #tpu.memory_space<vmem>>
      %get3A_305 = arith.constant 48 : index
      %get3A_306 = tpu.vector_load %get3A_304[%get3A_305] {strides = array<i32>} : memref<80xi32, #tpu.memory_space<vmem>>, vector<16xi32>,
      %get3A_307 = vector.shape_cast %get3A_306 : vector<16xi32> to vector<16xi32>
      %and3A_308 = arith.constant 65535 : i32
      %and3A_309 = vector.broadcast %and3A_308 : i32 to vector<16xi32>
      %and3A_310 = arith.andi %get3A_307, %and3A_309 : vector<16xi32>
      %swap3A_311 = arith.constant 48 : index
      %swap3A_312 = tpu.vector_load %arg9[%swap3A_311] {strides = array<i32>} : memref<80xi32, #tpu.memory_space<vmem>>, vector<16xi32>,
      %swap3A_313 = vector.shape_cast %swap3A_312 : vector<16xi32> to vector<16xi32>
      %swap3A_314 = vector.shape_cast %and3A_310 : vector<16xi32> to vector<16xi32>
      tpu.vector_store %arg9[%swap3A_311], %swap3A_314 {strides = array<i32>} : memref<80xi32, #tpu.memory_space<vmem>>, vector<16xi32>,
      %shift_right_logical3A_315 = arith.constant 16 : i32
      %shift_right_logical3A_316 = vector.broadcast %shift_right_logical3A_315 : i32 to vector<16xi32>
      %shift_right_logical3A_317 = arith.shrui %get3A_307, %shift_right_logical3A_316 : vector<16xi32>
      %swap3A_318 = arith.constant 48 : index
      %swap3A_319 = tpu.vector_load %arg10[%swap3A_318] {strides = array<i32>} : memref<80xi32, #tpu.memory_space<vmem>>, vector<16xi32>,
      %swap3A_320 = vector.shape_cast %swap3A_319 : vector<16xi32> to vector<16xi32>
      %swap3A_321 = vector.shape_cast %shift_right_logical3A_317 : vector<16xi32> to vector<16xi32>
      tpu.vector_store %arg10[%swap3A_318], %swap3A_321 {strides = array<i32>} : memref<80xi32, #tpu.memory_space<vmem>>, vector<16xi32>,
      %get3A_322 = arith.constant 0 : i32
      %get3A_323 = tpu.memref_slice %arg6[%add3A_241, %get3A_322] : memref<125x80xi32, #tpu.memory_space<vmem>> -> memref<1x80xi32, #tpu.memory_space<vmem>>
      %get3A_324 = tpu.memref_squeeze %get3A_323 : memref<1x80xi32, #tpu.memory_space<vmem>> -> memref<80xi32, #tpu.memory_space<vmem>>
      %get3A_325 = arith.constant 64 : index
      %get3A_326 = tpu.vector_load %get3A_324[%get3A_325] {strides = array<i32>} : memref<80xi32, #tpu.memory_space<vmem>>, vector<16xi32>,
      %get3A_327 = vector.shape_cast %get3A_326 : vector<16xi32> to vector<16xi32>
      %and3A_328 = arith.constant 65535 : i32
      %and3A_329 = vector.broadcast %and3A_328 : i32 to vector<16xi32>
      %and3A_330 = arith.andi %get3A_327, %and3A_329 : vector<16xi32>
      %swap3A_331 = arith.constant 64 : index
      %swap3A_332 = tpu.vector_load %arg9[%swap3A_331] {strides = array<i32>} : memref<80xi32, #tpu.memory_space<vmem>>, vector<16xi32>,
      %swap3A_333 = vector.shape_cast %swap3A_332 : vector<16xi32> to vector<16xi32>
      %swap3A_334 = vector.shape_cast %and3A_330 : vector<16xi32> to vector<16xi32>
      tpu.vector_store %arg9[%swap3A_331], %swap3A_334 {strides = array<i32>} : memref<80xi32, #tpu.memory_space<vmem>>, vector<16xi32>,
      %shift_right_logical3A_335 = arith.constant 16 : i32
      %shift_right_logical3A_336 = vector.broadcast %shift_right_logical3A_335 : i32 to vector<16xi32>
      %shift_right_logical3A_337 = arith.shrui %get3A_327, %shift_right_logical3A_336 : vector<16xi32>
      %swap3A_338 = arith.constant 64 : index
      %swap3A_339 = tpu.vector_load %arg10[%swap3A_338] {strides = array<i32>} : memref<80xi32, #tpu.memory_space<vmem>>, vector<16xi32>,
      %swap3A_340 = vector.shape_cast %swap3A_339 : vector<16xi32> to vector<16xi32>
      %swap3A_341 = vector.shape_cast %shift_right_logical3A_337 : vector<16xi32> to vector<16xi32>
      tpu.vector_store %arg10[%swap3A_338], %swap3A_341 {strides = array<i32>} : memref<80xi32, #tpu.memory_space<vmem>>, vector<16xi32>,
      %dma_start3A_342 = arith.constant 0 : i32
      %dma_start3A_343 = arith.constant 0 : i32
      %dma_start3A_344 = tpu.memref_slice %arg2[%dma_start3A_342, %dma_start3A_343] : memref<10000x128xf32, #tpu.memory_space<hbm>> -> memref<10000x128xf32, #tpu.memory_space<hbm>>
      tpu.enqueue_indirect_dma source(%dma_start3A_344 : memref<10000x128xf32, #tpu.memory_space<hbm>>) target(%arg12 : memref<80x128xf32, #tpu.memory_space<vmem>>) offsets(%arg9 : memref<80xi32, #tpu.memory_space<vmem>>) semaphore(%arg17 : memref<!tpu.dma_semaphore, #tpu.memory_space<semaphore_mem>>)
      %dma_wait3A_345 = arith.constant 0 : i32
      %dma_wait3A_346 = arith.constant 0 : i32
      %dma_wait3A_347 = tpu.memref_slice %arg2[%dma_wait3A_345, %dma_wait3A_346] : memref<10000x128xf32, #tpu.memory_space<hbm>> -> memref<10000x128xf32, #tpu.memory_space<hbm>>
      tpu.wait_indirect_dma semaphore(%arg16 : memref<!tpu.dma_semaphore, #tpu.memory_space<semaphore_mem>>) src(%dma_wait3A_347 : memref<10000x128xf32, #tpu.memory_space<hbm>>) dst(%arg11 : memref<80x128xf32, #tpu.memory_space<vmem>>)
      %dma_start3A_348 = arith.constant 0 : i32
      %dma_start3A_349 = arith.constant 0 : i32
      %dma_start3A_350 = tpu.memref_slice %arg13[%dma_start3A_348, %dma_start3A_349] : memref<10000x128xf32, #tpu.memory_space<vmem_shared>> -> memref<10000x128xf32, #tpu.memory_space<vmem_shared>>
      tpu.enqueue_indirect_dma source(%arg11 : memref<80x128xf32, #tpu.memory_space<vmem>>) target(%dma_start3A_350 : memref<10000x128xf32, #tpu.memory_space<vmem_shared>>) offsets(%arg8 : memref<80xi32, #tpu.memory_space<vmem>>) semaphore(%arg14 : memref<!tpu.dma_semaphore, #tpu.memory_space<semaphore_mem>>) {add = true}
      %dma_wait3A_351 = arith.constant 0 : i32
      %dma_wait3A_352 = arith.constant 0 : i32
      %dma_wait3A_353 = tpu.memref_slice %arg2[%dma_wait3A_351, %dma_wait3A_352] : memref<10000x128xf32, #tpu.memory_space<hbm>> -> memref<10000x128xf32, #tpu.memory_space<hbm>>
      tpu.wait_indirect_dma semaphore(%arg17 : memref<!tpu.dma_semaphore, #tpu.memory_space<semaphore_mem>>) src(%dma_wait3A_353 : memref<10000x128xf32, #tpu.memory_space<hbm>>) dst(%arg12 : memref<80x128xf32, #tpu.memory_space<vmem>>)
      %dma_start3A_354 = arith.constant 0 : i32
      %dma_start3A_355 = arith.constant 0 : i32
      %dma_start3A_356 = tpu.memref_slice %arg13[%dma_start3A_354, %dma_start3A_355] : memref<10000x128xf32, #tpu.memory_space<vmem_shared>> -> memref<10000x128xf32, #tpu.memory_space<vmem_shared>>
      tpu.enqueue_indirect_dma source(%arg12 : memref<80x128xf32, #tpu.memory_space<vmem>>) target(%dma_start3A_356 : memref<10000x128xf32, #tpu.memory_space<vmem_shared>>) offsets(%arg10 : memref<80xi32, #tpu.memory_space<vmem>>) semaphore(%arg15 : memref<!tpu.dma_semaphore, #tpu.memory_space<semaphore_mem>>) {add = true}
    }
    %scan3A_6 = arith.constant 62 : i32
    %dma_wait3A = arith.constant 0 : i32
    %dma_wait3A_7 = arith.constant 0 : i32
    %dma_wait3A_8 = tpu.memref_slice %arg13[%dma_wait3A, %dma_wait3A_7] : memref<10000x128xf32, #tpu.memory_space<vmem_shared>> -> memref<10000x128xf32, #tpu.memory_space<vmem_shared>>
    tpu.wait_indirect_dma semaphore(%arg14 : memref<!tpu.dma_semaphore, #tpu.memory_space<semaphore_mem>>) src(%arg11 : memref<80x128xf32, #tpu.memory_space<vmem>>) dst(%dma_wait3A_8 : memref<10000x128xf32, #tpu.memory_space<vmem_shared>>)
    %get3A = arith.constant 124 : i32
    %get3A_9 = arith.constant 0 : i32
    %get3A_10 = tpu.memref_slice %arg6[%get3A, %get3A_9] : memref<125x80xi32, #tpu.memory_space<vmem>> -> memref<1x80xi32, #tpu.memory_space<vmem>>
    %get3A_11 = tpu.memref_squeeze %get3A_10 : memref<1x80xi32, #tpu.memory_space<vmem>> -> memref<80xi32, #tpu.memory_space<vmem>>
    %get3A_12 = arith.constant 0 : index
    %get3A_13 = tpu.vector_load %get3A_11[%get3A_12] {strides = array<i32>} : memref<80xi32, #tpu.memory_space<vmem>>, vector<16xi32>,
    %get3A_14 = vector.shape_cast %get3A_13 : vector<16xi32> to vector<16xi32>
    %and3A = arith.constant 65535 : i32
    %and3A_15 = vector.broadcast %and3A : i32 to vector<16xi32>
    %and3A_16 = arith.andi %get3A_14, %and3A_15 : vector<16xi32>
    %swap3A = arith.constant 0 : index
    %swap3A_17 = tpu.vector_load %arg7[%swap3A] {strides = array<i32>} : memref<80xi32, #tpu.memory_space<vmem>>, vector<16xi32>,
    %swap3A_18 = vector.shape_cast %swap3A_17 : vector<16xi32> to vector<16xi32>
    %swap3A_19 = vector.shape_cast %and3A_16 : vector<16xi32> to vector<16xi32>
    tpu.vector_store %arg7[%swap3A], %swap3A_19 {strides = array<i32>} : memref<80xi32, #tpu.memory_space<vmem>>, vector<16xi32>,
    %shift_right_logical3A = arith.constant 16 : i32
    %shift_right_logical3A_20 = vector.broadcast %shift_right_logical3A : i32 to vector<16xi32>
    %shift_right_logical3A_21 = arith.shrui %get3A_14, %shift_right_logical3A_20 : vector<16xi32>
    %swap3A_22 = arith.constant 0 : index
    %swap3A_23 = tpu.vector_load %arg8[%swap3A_22] {strides = array<i32>} : memref<80xi32, #tpu.memory_space<vmem>>, vector<16xi32>,
    %swap3A_24 = vector.shape_cast %swap3A_23 : vector<16xi32> to vector<16xi32>
    %swap3A_25 = vector.shape_cast %shift_right_logical3A_21 : vector<16xi32> to vector<16xi32>
    tpu.vector_store %arg8[%swap3A_22], %swap3A_25 {strides = array<i32>} : memref<80xi32, #tpu.memory_space<vmem>>, vector<16xi32>,
    %get3A_26 = arith.constant 124 : i32
    %get3A_27 = arith.constant 0 : i32
    %get3A_28 = tpu.memref_slice %arg6[%get3A_26, %get3A_27] : memref<125x80xi32, #tpu.memory_space<vmem>> -> memref<1x80xi32, #tpu.memory_space<vmem>>
    %get3A_29 = tpu.memref_squeeze %get3A_28 : memref<1x80xi32, #tpu.memory_space<vmem>> -> memref<80xi32, #tpu.memory_space<vmem>>
    %get3A_30 = arith.constant 16 : index
    %get3A_31 = tpu.vector_load %get3A_29[%get3A_30] {strides = array<i32>} : memref<80xi32, #tpu.memory_space<vmem>>, vector<16xi32>,
    %get3A_32 = vector.shape_cast %get3A_31 : vector<16xi32> to vector<16xi32>
    %and3A_33 = arith.constant 65535 : i32
    %and3A_34 = vector.broadcast %and3A_33 : i32 to vector<16xi32>
    %and3A_35 = arith.andi %get3A_32, %and3A_34 : vector<16xi32>
    %swap3A_36 = arith.constant 16 : index
    %swap3A_37 = tpu.vector_load %arg7[%swap3A_36] {strides = array<i32>} : memref<80xi32, #tpu.memory_space<vmem>>, vector<16xi32>,
    %swap3A_38 = vector.shape_cast %swap3A_37 : vector<16xi32> to vector<16xi32>
    %swap3A_39 = vector.shape_cast %and3A_35 : vector<16xi32> to vector<16xi32>
    tpu.vector_store %arg7[%swap3A_36], %swap3A_39 {strides = array<i32>} : memref<80xi32, #tpu.memory_space<vmem>>, vector<16xi32>,
    %shift_right_logical3A_40 = arith.constant 16 : i32
    %shift_right_logical3A_41 = vector.broadcast %shift_right_logical3A_40 : i32 to vector<16xi32>
    %shift_right_logical3A_42 = arith.shrui %get3A_32, %shift_right_logical3A_41 : vector<16xi32>
    %swap3A_43 = arith.constant 16 : index
    %swap3A_44 = tpu.vector_load %arg8[%swap3A_43] {strides = array<i32>} : memref<80xi32, #tpu.memory_space<vmem>>, vector<16xi32>,
    %swap3A_45 = vector.shape_cast %swap3A_44 : vector<16xi32> to vector<16xi32>
    %swap3A_46 = vector.shape_cast %shift_right_logical3A_42 : vector<16xi32> to vector<16xi32>
    tpu.vector_store %arg8[%swap3A_43], %swap3A_46 {strides = array<i32>} : memref<80xi32, #tpu.memory_space<vmem>>, vector<16xi32>,
    %get3A_47 = arith.constant 124 : i32
    %get3A_48 = arith.constant 0 : i32
    %get3A_49 = tpu.memref_slice %arg6[%get3A_47, %get3A_48] : memref<125x80xi32, #tpu.memory_space<vmem>> -> memref<1x80xi32, #tpu.memory_space<vmem>>
    %get3A_50 = tpu.memref_squeeze %get3A_49 : memref<1x80xi32, #tpu.memory_space<vmem>> -> memref<80xi32, #tpu.memory_space<vmem>>
    %get3A_51 = arith.constant 32 : index
    %get3A_52 = tpu.vector_load %get3A_50[%get3A_51] {strides = array<i32>} : memref<80xi32, #tpu.memory_space<vmem>>, vector<16xi32>,
    %get3A_53 = vector.shape_cast %get3A_52 : vector<16xi32> to vector<16xi32>
    %and3A_54 = arith.constant 65535 : i32
    %and3A_55 = vector.broadcast %and3A_54 : i32 to vector<16xi32>
    %and3A_56 = arith.andi %get3A_53, %and3A_55 : vector<16xi32>
    %swap3A_57 = arith.constant 32 : index
    %swap3A_58 = tpu.vector_load %arg7[%swap3A_57] {strides = array<i32>} : memref<80xi32, #tpu.memory_space<vmem>>, vector<16xi32>,
    %swap3A_59 = vector.shape_cast %swap3A_58 : vector<16xi32> to vector<16xi32>
    %swap3A_60 = vector.shape_cast %and3A_56 : vector<16xi32> to vector<16xi32>
    tpu.vector_store %arg7[%swap3A_57], %swap3A_60 {strides = array<i32>} : memref<80xi32, #tpu.memory_space<vmem>>, vector<16xi32>,
    %shift_right_logical3A_61 = arith.constant 16 : i32
    %shift_right_logical3A_62 = vector.broadcast %shift_right_logical3A_61 : i32 to vector<16xi32>
    %shift_right_logical3A_63 = arith.shrui %get3A_53, %shift_right_logical3A_62 : vector<16xi32>
    %swap3A_64 = arith.constant 32 : index
    %swap3A_65 = tpu.vector_load %arg8[%swap3A_64] {strides = array<i32>} : memref<80xi32, #tpu.memory_space<vmem>>, vector<16xi32>,
    %swap3A_66 = vector.shape_cast %swap3A_65 : vector<16xi32> to vector<16xi32>
    %swap3A_67 = vector.shape_cast %shift_right_logical3A_63 : vector<16xi32> to vector<16xi32>
    tpu.vector_store %arg8[%swap3A_64], %swap3A_67 {strides = array<i32>} : memref<80xi32, #tpu.memory_space<vmem>>, vector<16xi32>,
    %get3A_68 = arith.constant 124 : i32
    %get3A_69 = arith.constant 0 : i32
    %get3A_70 = tpu.memref_slice %arg6[%get3A_68, %get3A_69] : memref<125x80xi32, #tpu.memory_space<vmem>> -> memref<1x80xi32, #tpu.memory_space<vmem>>
    %get3A_71 = tpu.memref_squeeze %get3A_70 : memref<1x80xi32, #tpu.memory_space<vmem>> -> memref<80xi32, #tpu.memory_space<vmem>>
    %get3A_72 = arith.constant 48 : index
    %get3A_73 = tpu.vector_load %get3A_71[%get3A_72] {strides = array<i32>} : memref<80xi32, #tpu.memory_space<vmem>>, vector<16xi32>,
    %get3A_74 = vector.shape_cast %get3A_73 : vector<16xi32> to vector<16xi32>
    %and3A_75 = arith.constant 65535 : i32
    %and3A_76 = vector.broadcast %and3A_75 : i32 to vector<16xi32>
    %and3A_77 = arith.andi %get3A_74, %and3A_76 : vector<16xi32>
    %swap3A_78 = arith.constant 48 : index
    %swap3A_79 = tpu.vector_load %arg7[%swap3A_78] {strides = array<i32>} : memref<80xi32, #tpu.memory_space<vmem>>, vector<16xi32>,
    %swap3A_80 = vector.shape_cast %swap3A_79 : vector<16xi32> to vector<16xi32>
    %swap3A_81 = vector.shape_cast %and3A_77 : vector<16xi32> to vector<16xi32>
    tpu.vector_store %arg7[%swap3A_78], %swap3A_81 {strides = array<i32>} : memref<80xi32, #tpu.memory_space<vmem>>, vector<16xi32>,
    %shift_right_logical3A_82 = arith.constant 16 : i32
    %shift_right_logical3A_83 = vector.broadcast %shift_right_logical3A_82 : i32 to vector<16xi32>
    %shift_right_logical3A_84 = arith.shrui %get3A_74, %shift_right_logical3A_83 : vector<16xi32>
    %swap3A_85 = arith.constant 48 : index
    %swap3A_86 = tpu.vector_load %arg8[%swap3A_85] {strides = array<i32>} : memref<80xi32, #tpu.memory_space<vmem>>, vector<16xi32>,
    %swap3A_87 = vector.shape_cast %swap3A_86 : vector<16xi32> to vector<16xi32>
    %swap3A_88 = vector.shape_cast %shift_right_logical3A_84 : vector<16xi32> to vector<16xi32>
    tpu.vector_store %arg8[%swap3A_85], %swap3A_88 {strides = array<i32>} : memref<80xi32, #tpu.memory_space<vmem>>, vector<16xi32>,
    %get3A_89 = arith.constant 124 : i32
    %get3A_90 = arith.constant 0 : i32
    %get3A_91 = tpu.memref_slice %arg6[%get3A_89, %get3A_90] : memref<125x80xi32, #tpu.memory_space<vmem>> -> memref<1x80xi32, #tpu.memory_space<vmem>>
    %get3A_92 = tpu.memref_squeeze %get3A_91 : memref<1x80xi32, #tpu.memory_space<vmem>> -> memref<80xi32, #tpu.memory_space<vmem>>
    %get3A_93 = arith.constant 64 : index
    %get3A_94 = tpu.vector_load %get3A_92[%get3A_93] {strides = array<i32>} : memref<80xi32, #tpu.memory_space<vmem>>, vector<16xi32>,
    %get3A_95 = vector.shape_cast %get3A_94 : vector<16xi32> to vector<16xi32>
    %and3A_96 = arith.constant 65535 : i32
    %and3A_97 = vector.broadcast %and3A_96 : i32 to vector<16xi32>
    %and3A_98 = arith.andi %get3A_95, %and3A_97 : vector<16xi32>
    %swap3A_99 = arith.constant 64 : index
    %swap3A_100 = tpu.vector_load %arg7[%swap3A_99] {strides = array<i32>} : memref<80xi32, #tpu.memory_space<vmem>>, vector<16xi32>,
    %swap3A_101 = vector.shape_cast %swap3A_100 : vector<16xi32> to vector<16xi32>
    %swap3A_102 = vector.shape_cast %and3A_98 : vector<16xi32> to vector<16xi32>
    tpu.vector_store %arg7[%swap3A_99], %swap3A_102 {strides = array<i32>} : memref<80xi32, #tpu.memory_space<vmem>>, vector<16xi32>,
    %shift_right_logical3A_103 = arith.constant 16 : i32
    %shift_right_logical3A_104 = vector.broadcast %shift_right_logical3A_103 : i32 to vector<16xi32>
    %shift_right_logical3A_105 = arith.shrui %get3A_95, %shift_right_logical3A_104 : vector<16xi32>
    %swap3A_106 = arith.constant 64 : index
    %swap3A_107 = tpu.vector_load %arg8[%swap3A_106] {strides = array<i32>} : memref<80xi32, #tpu.memory_space<vmem>>, vector<16xi32>,
    %swap3A_108 = vector.shape_cast %swap3A_107 : vector<16xi32> to vector<16xi32>
    %swap3A_109 = vector.shape_cast %shift_right_logical3A_105 : vector<16xi32> to vector<16xi32>
    tpu.vector_store %arg8[%swap3A_106], %swap3A_109 {strides = array<i32>} : memref<80xi32, #tpu.memory_space<vmem>>, vector<16xi32>,
    "tpu.region"() ({
      %run_scoped3A = tpu.sem_alloc : memref<!tpu.dma_semaphore, #tpu.memory_space<semaphore_mem>>
      %dma_start3A_123 = arith.constant 0 : i32
      %dma_start3A_124 = arith.constant 0 : i32
      %dma_start3A_125 = tpu.memref_slice %arg2[%dma_start3A_123, %dma_start3A_124] : memref<10000x128xf32, #tpu.memory_space<hbm>> -> memref<10000x128xf32, #tpu.memory_space<hbm>>
      tpu.enqueue_indirect_dma source(%dma_start3A_125 : memref<10000x128xf32, #tpu.memory_space<hbm>>) target(%arg11 : memref<80x128xf32, #tpu.memory_space<vmem>>) offsets(%arg7 : memref<80xi32, #tpu.memory_space<vmem>>) semaphore(%run_scoped3A : memref<!tpu.dma_semaphore, #tpu.memory_space<semaphore_mem>>)
      %dma_wait3A_126 = arith.constant 0 : i32
      %dma_wait3A_127 = arith.constant 0 : i32
      %dma_wait3A_128 = tpu.memref_slice %arg2[%dma_wait3A_126, %dma_wait3A_127] : memref<10000x128xf32, #tpu.memory_space<hbm>> -> memref<10000x128xf32, #tpu.memory_space<hbm>>
      tpu.wait_indirect_dma semaphore(%run_scoped3A : memref<!tpu.dma_semaphore, #tpu.memory_space<semaphore_mem>>) src(%dma_wait3A_128 : memref<10000x128xf32, #tpu.memory_space<hbm>>) dst(%arg11 : memref<80x128xf32, #tpu.memory_space<vmem>>)
      tpu.yield
    }) : () -> ()
    %dma_start3A = arith.constant 0 : i32
    %dma_start3A_110 = arith.constant 0 : i32
    %dma_start3A_111 = tpu.memref_slice %arg13[%dma_start3A, %dma_start3A_110] : memref<10000x128xf32, #tpu.memory_space<vmem_shared>> -> memref<10000x128xf32, #tpu.memory_space<vmem_shared>>
    tpu.enqueue_indirect_dma source(%arg11 : memref<80x128xf32, #tpu.memory_space<vmem>>) target(%dma_start3A_111 : memref<10000x128xf32, #tpu.memory_space<vmem_shared>>) offsets(%arg8 : memref<80xi32, #tpu.memory_space<vmem>>) semaphore(%arg14 : memref<!tpu.dma_semaphore, #tpu.memory_space<semaphore_mem>>) {add = true}
    %dma_wait3A_112 = arith.constant 0 : i32
    %dma_wait3A_113 = arith.constant 0 : i32
    %dma_wait3A_114 = tpu.memref_slice %arg13[%dma_wait3A_112, %dma_wait3A_113] : memref<10000x128xf32, #tpu.memory_space<vmem_shared>> -> memref<10000x128xf32, #tpu.memory_space<vmem_shared>>
    tpu.wait_indirect_dma semaphore(%arg14 : memref<!tpu.dma_semaphore, #tpu.memory_space<semaphore_mem>>) src(%arg11 : memref<80x128xf32, #tpu.memory_space<vmem>>) dst(%dma_wait3A_114 : memref<10000x128xf32, #tpu.memory_space<vmem_shared>>)
    %dma_wait3A_115 = arith.constant 0 : i32
    %dma_wait3A_116 = arith.constant 0 : i32
    %dma_wait3A_117 = tpu.memref_slice %arg13[%dma_wait3A_115, %dma_wait3A_116] : memref<10000x128xf32, #tpu.memory_space<vmem_shared>> -> memref<10000x128xf32, #tpu.memory_space<vmem_shared>>
    tpu.wait_indirect_dma semaphore(%arg15 : memref<!tpu.dma_semaphore, #tpu.memory_space<semaphore_mem>>) src(%arg12 : memref<80x128xf32, #tpu.memory_space<vmem>>) dst(%dma_wait3A_117 : memref<10000x128xf32, #tpu.memory_space<vmem_shared>>)
    %barrier3A_118 = arith.constant 0 : index
    tpu.barrier barrier_id(%barrier3A_118)
    %mul3A_119 = arith.constant 624 : i32
    %mul3A_120 = arith.muli %arg1, %mul3A_119 : i32
    "tpu.region"() ({
      %run_scoped3A = tpu.sem_alloc : memref<!tpu.dma_semaphore, #tpu.memory_space<semaphore_mem>>
      %dma_start3A_123 = arith.constant 0 : i32
      %dma_start3A_124 = tpu.memref_slice %arg5[%arg0, %mul3A_120, %dma_start3A_123] : memref<2x10000x128xf32, #tpu.memory_space<hbm>> -> memref<1x624x128xf32, #tpu.memory_space<hbm>>
      %dma_start3A_125 = tpu.memref_squeeze %dma_start3A_124 : memref<1x624x128xf32, #tpu.memory_space<hbm>> -> memref<624x128xf32, #tpu.memory_space<hbm>>
      %dma_start3A_126 = arith.constant 0 : i32
      %dma_start3A_127 = tpu.memref_slice %arg13[%mul3A_120, %dma_start3A_126] : memref<10000x128xf32, #tpu.memory_space<vmem_shared>> -> memref<624x128xf32, #tpu.memory_space<vmem_shared>>
      tpu.enqueue_dma source(%dma_start3A_127 : memref<624x128xf32, #tpu.memory_space<vmem_shared>>) target(%dma_start3A_125 : memref<624x128xf32, #tpu.memory_space<hbm>>) target_semaphore(%run_scoped3A : memref<!tpu.dma_semaphore, #tpu.memory_space<semaphore_mem>>)
      %dma_wait3A_128 = arith.constant 0 : i32
      %dma_wait3A_129 = tpu.memref_slice %arg5[%arg0, %mul3A_120, %dma_wait3A_128] : memref<2x10000x128xf32, #tpu.memory_space<hbm>> -> memref<1x624x128xf32, #tpu.memory_space<hbm>>
      %dma_wait3A_130 = tpu.memref_squeeze %dma_wait3A_129 : memref<1x624x128xf32, #tpu.memory_space<hbm>> -> memref<624x128xf32, #tpu.memory_space<hbm>>
      %dma_wait3A_131 = arith.constant 0 : i32
      %dma_wait3A_132 = tpu.memref_slice %arg13[%mul3A_120, %dma_wait3A_131] : memref<10000x128xf32, #tpu.memory_space<vmem_shared>> -> memref<624x128xf32, #tpu.memory_space<vmem_shared>>
      tpu.wait_dma2 semaphore(%run_scoped3A : memref<!tpu.dma_semaphore, #tpu.memory_space<semaphore_mem>>) src(%dma_wait3A_132 : memref<624x128xf32, #tpu.memory_space<vmem_shared>>) dst(%dma_wait3A_130 : memref<624x128xf32, #tpu.memory_space<hbm>>)
      tpu.yield
    }) : () -> ()
    %eq3A = arith.constant 15 : i32
    %eq3A_121 = arith.cmpi eq, %arg1, %eq3A : i32
    %convert_element_type3A = arith.extui %eq3A_121 : i1 to i32
    %cond3A = arith.constant 0 : i32
    %cond3A_122 = arith.cmpi ne, %convert_element_type3A, %cond3A : i32
    scf.if %cond3A_122 {
      "tpu.region"() ({
        %run_scoped3A = tpu.sem_alloc : memref<!tpu.dma_semaphore, #tpu.memory_space<semaphore_mem>>
        %dma_start3A_123 = arith.constant 9984 : i32
        %dma_start3A_124 = arith.constant 0 : i32
        %dma_start3A_125 = tpu.memref_slice %arg5[%arg0, %dma_start3A_123, %dma_start3A_124] : memref<2x10000x128xf32, #tpu.memory_space<hbm>> -> memref<1x16x128xf32, #tpu.memory_space<hbm>>
        %dma_start3A_126 = tpu.memref_squeeze %dma_start3A_125 : memref<1x16x128xf32, #tpu.memory_space<hbm>> -> memref<16x128xf32, #tpu.memory_space<hbm>>
        %dma_start3A_127 = arith.constant 9984 : i32
        %dma_start3A_128 = arith.constant 0 : i32
        %dma_start3A_129 = tpu.memref_slice %arg13[%dma_start3A_127, %dma_start3A_128] : memref<10000x128xf32, #tpu.memory_space<vmem_shared>> -> memref<16x128xf32, #tpu.memory_space<vmem_shared>>
        tpu.enqueue_dma source(%dma_start3A_129 : memref<16x128xf32, #tpu.memory_space<vmem_shared>>) target(%dma_start3A_126 : memref<16x128xf32, #tpu.memory_space<hbm>>) target_semaphore(%run_scoped3A : memref<!tpu.dma_semaphore, #tpu.memory_space<semaphore_mem>>)
        %dma_wait3A_130 = arith.constant 9984 : i32
        %dma_wait3A_131 = arith.constant 0 : i32
        %dma_wait3A_132 = tpu.memref_slice %arg5[%arg0, %dma_wait3A_130, %dma_wait3A_131] : memref<2x10000x128xf32, #tpu.memory_space<hbm>> -> memref<1x16x128xf32, #tpu.memory_space<hbm>>
        %dma_wait3A_133 = tpu.memref_squeeze %dma_wait3A_132 : memref<1x16x128xf32, #tpu.memory_space<hbm>> -> memref<16x128xf32, #tpu.memory_space<hbm>>
        %dma_wait3A_134 = arith.constant 9984 : i32
        %dma_wait3A_135 = arith.constant 0 : i32
        %dma_wait3A_136 = tpu.memref_slice %arg13[%dma_wait3A_134, %dma_wait3A_135] : memref<10000x128xf32, #tpu.memory_space<vmem_shared>> -> memref<16x128xf32, #tpu.memory_space<vmem_shared>>
        tpu.wait_dma2 semaphore(%run_scoped3A : memref<!tpu.dma_semaphore, #tpu.memory_space<semaphore_mem>>) src(%dma_wait3A_136 : memref<16x128xf32, #tpu.memory_space<vmem_shared>>) dst(%dma_wait3A_133 : memref<16x128xf32, #tpu.memory_space<hbm>>)
        tpu.yield
      }) : () -> ()
    } else {
    }
    return
  }
}

#map = affine_map<(d0, d1) -> (0, 0, 0)>
#map1 = affine_map<(d0, d1) -> (0, 0)>
module attributes {stable_mosaic.version = 14 : i64} {
  func.func @k(%arg0: i32, %arg1: i32, %arg2: memref<32x80x125xi32, #tpu.memory_space<hbm>>, %arg3: memref<125x16xf32, #tpu.memory_space<hbm>>, %arg4: memref<16x625x16xf32, #tpu.memory_space<hbm>>, %arg5: memref<2x10000x16xf32, #tpu.memory_space<hbm>>, %arg6: memref<80x125xi32, #tpu.memory_space<vmem>>, %arg7: memref<125x16xf32, #tpu.memory_space<vmem>>, %arg8: memref<10000x16xf32, #tpu.memory_space<vmem_shared>>, %arg9: memref<!tpu.dma_semaphore, #tpu.memory_space<semaphore_mem>>) attributes {dimension_semantics = [#tpu.dimension_semantics<core_parallel>, #tpu.dimension_semantics<subcore_parallel>], iteration_bounds = array<i64: 2, 16>, scalar_prefetch = 0 : i64, scratch_operands = 4 : i64, tpu.core_type = #tpu.core_type<sc_vector_subcore>, window_params = [{transform_indices = #map}, {transform_indices = #map1}, {transform_indices = #map}, {transform_indices = #map}]} {
    %mul3A = arith.constant 16 : i32
    %mul3A_0 = arith.muli %arg0, %mul3A : i32
    %add3A = arith.addi %mul3A_0, %arg1 : i32
    "tpu.region"() ({
      %run_scoped3A = tpu.sem_alloc : memref<!tpu.dma_semaphore, #tpu.memory_space<semaphore_mem>>
      %dma_start3A = arith.constant 0 : i32
      %dma_start3A_12 = arith.constant 0 : i32
      %dma_start3A_13 = tpu.memref_slice %arg2[%add3A, %dma_start3A, %dma_start3A_12] : memref<32x80x125xi32, #tpu.memory_space<hbm>> -> memref<1x80x125xi32, #tpu.memory_space<hbm>>
      %dma_start3A_14 = tpu.memref_squeeze %dma_start3A_13 : memref<1x80x125xi32, #tpu.memory_space<hbm>> -> memref<80x125xi32, #tpu.memory_space<hbm>>
      %dma_start3A_15 = arith.constant 0 : i32
      %dma_start3A_16 = arith.constant 0 : i32
      %dma_start3A_17 = tpu.memref_slice %arg2[%add3A, %dma_start3A_15, %dma_start3A_16] : memref<32x80x125xi32, #tpu.memory_space<hbm>> -> memref<1x80x125xi32, #tpu.memory_space<hbm>>
      %dma_start3A_18 = tpu.memref_squeeze %dma_start3A_17 : memref<1x80x125xi32, #tpu.memory_space<hbm>> -> memref<80x125xi32, #tpu.memory_space<hbm>>
      tpu.enqueue_dma source(%dma_start3A_18 : memref<80x125xi32, #tpu.memory_space<hbm>>) target(%arg6 : memref<80x125xi32, #tpu.memory_space<vmem>>) target_semaphore(%run_scoped3A : memref<!tpu.dma_semaphore, #tpu.memory_space<semaphore_mem>>)
      %dma_wait3A = arith.constant 0 : i32
      %dma_wait3A_19 = arith.constant 0 : i32
      %dma_wait3A_20 = tpu.memref_slice %arg2[%add3A, %dma_wait3A, %dma_wait3A_19] : memref<32x80x125xi32, #tpu.memory_space<hbm>> -> memref<1x80x125xi32, #tpu.memory_space<hbm>>
      %dma_wait3A_21 = tpu.memref_squeeze %dma_wait3A_20 : memref<1x80x125xi32, #tpu.memory_space<hbm>> -> memref<80x125xi32, #tpu.memory_space<hbm>>
      %dma_wait3A_22 = arith.constant 0 : i32
      %dma_wait3A_23 = arith.constant 0 : i32
      %dma_wait3A_24 = tpu.memref_slice %arg2[%add3A, %dma_wait3A_22, %dma_wait3A_23] : memref<32x80x125xi32, #tpu.memory_space<hbm>> -> memref<1x80x125xi32, #tpu.memory_space<hbm>>
      %dma_wait3A_25 = tpu.memref_squeeze %dma_wait3A_24 : memref<1x80x125xi32, #tpu.memory_space<hbm>> -> memref<80x125xi32, #tpu.memory_space<hbm>>
      tpu.wait_dma2 semaphore(%run_scoped3A : memref<!tpu.dma_semaphore, #tpu.memory_space<semaphore_mem>>) src(%dma_wait3A_25 : memref<80x125xi32, #tpu.memory_space<hbm>>) dst(%arg6 : memref<80x125xi32, #tpu.memory_space<vmem>>)
      tpu.yield
    }) : () -> ()
    "tpu.region"() ({
      %run_scoped3A = tpu.sem_alloc : memref<!tpu.dma_semaphore, #tpu.memory_space<semaphore_mem>>
      tpu.enqueue_dma source(%arg3 : memref<125x16xf32, #tpu.memory_space<hbm>>) target(%arg7 : memref<125x16xf32, #tpu.memory_space<vmem>>) target_semaphore(%run_scoped3A : memref<!tpu.dma_semaphore, #tpu.memory_space<semaphore_mem>>)
      tpu.wait_dma2 semaphore(%run_scoped3A : memref<!tpu.dma_semaphore, #tpu.memory_space<semaphore_mem>>) src(%arg3 : memref<125x16xf32, #tpu.memory_space<hbm>>) dst(%arg7 : memref<125x16xf32, #tpu.memory_space<vmem>>)
      tpu.yield
    }) : () -> ()
    %mul3A_1 = arith.constant 625 : i32
    %mul3A_2 = arith.muli %arg1, %mul3A_1 : i32
    "tpu.region"() ({
      %run_scoped3A = tpu.sem_alloc : memref<!tpu.dma_semaphore, #tpu.memory_space<semaphore_mem>>
      %dma_start3A = arith.constant 0 : i32
      %dma_start3A_12 = tpu.memref_slice %arg8[%mul3A_2, %dma_start3A] : memref<10000x16xf32, #tpu.memory_space<vmem_shared>> -> memref<625x16xf32, #tpu.memory_space<vmem_shared>>
      %dma_start3A_13 = arith.constant 0 : i32
      %dma_start3A_14 = arith.constant 0 : i32
      %dma_start3A_15 = tpu.memref_slice %arg4[%arg1, %dma_start3A_13, %dma_start3A_14] : memref<16x625x16xf32, #tpu.memory_space<hbm>> -> memref<1x625x16xf32, #tpu.memory_space<hbm>>
      %dma_start3A_16 = tpu.memref_squeeze %dma_start3A_15 : memref<1x625x16xf32, #tpu.memory_space<hbm>> -> memref<625x16xf32, #tpu.memory_space<hbm>>
      tpu.enqueue_dma source(%dma_start3A_16 : memref<625x16xf32, #tpu.memory_space<hbm>>) target(%dma_start3A_12 : memref<625x16xf32, #tpu.memory_space<vmem_shared>>) target_semaphore(%run_scoped3A : memref<!tpu.dma_semaphore, #tpu.memory_space<semaphore_mem>>)
      %dma_wait3A = arith.constant 0 : i32
      %dma_wait3A_17 = tpu.memref_slice %arg8[%mul3A_2, %dma_wait3A] : memref<10000x16xf32, #tpu.memory_space<vmem_shared>> -> memref<625x16xf32, #tpu.memory_space<vmem_shared>>
      %dma_wait3A_18 = arith.constant 0 : i32
      %dma_wait3A_19 = arith.constant 0 : i32
      %dma_wait3A_20 = tpu.memref_slice %arg4[%arg1, %dma_wait3A_18, %dma_wait3A_19] : memref<16x625x16xf32, #tpu.memory_space<hbm>> -> memref<1x625x16xf32, #tpu.memory_space<hbm>>
      %dma_wait3A_21 = tpu.memref_squeeze %dma_wait3A_20 : memref<1x625x16xf32, #tpu.memory_space<hbm>> -> memref<625x16xf32, #tpu.memory_space<hbm>>
      tpu.wait_dma2 semaphore(%run_scoped3A : memref<!tpu.dma_semaphore, #tpu.memory_space<semaphore_mem>>) src(%dma_wait3A_21 : memref<625x16xf32, #tpu.memory_space<hbm>>) dst(%dma_wait3A_17 : memref<625x16xf32, #tpu.memory_space<vmem_shared>>)
      tpu.yield
    }) : () -> ()
    %barrier3A = arith.constant 0 : index
    tpu.barrier barrier_id(%barrier3A)
    %scan3A = arith.constant 0 : i32
    %scan3A_3 = arith.constant 5 : i32
    %scan3A_4 = arith.addi %scan3A, %scan3A_3 : i32
    %scan3A_5 = arith.constant 1 : i32
    scf.for %scan3A_12 = %scan3A to %scan3A_4 step %scan3A_5  : i32 {
      %mul3A_13 = arith.constant 16 : i32
      %mul3A_14 = arith.muli %scan3A_12, %mul3A_13 : i32
      %add3A_15 = arith.constant 0 : i32
      %add3A_16 = arith.addi %add3A_15, %mul3A_14 : i32
      %add3A_17 = arith.constant 0 : i32
      %add3A_18 = arith.addi %add3A_16, %add3A_17 : i32
      %dma_start3A = arith.constant 0 : i32
      %dma_start3A_19 = tpu.memref_slice %arg6[%add3A_18, %dma_start3A] : memref<80x125xi32, #tpu.memory_space<vmem>> -> memref<1x125xi32, #tpu.memory_space<vmem>>
      %dma_start3A_20 = tpu.memref_squeeze %dma_start3A_19 : memref<1x125xi32, #tpu.memory_space<vmem>> -> memref<125xi32, #tpu.memory_space<vmem>>
      %dma_start3A_21 = arith.constant 0 : i32
      %dma_start3A_22 = arith.constant 0 : i32
      %dma_start3A_23 = tpu.memref_slice %arg8[%dma_start3A_21, %dma_start3A_22] : memref<10000x16xf32, #tpu.memory_space<vmem_shared>> -> memref<10000x16xf32, #tpu.memory_space<vmem_shared>>
      tpu.enqueue_indirect_dma source(%arg7 : memref<125x16xf32, #tpu.memory_space<vmem>>) target(%dma_start3A_23 : memref<10000x16xf32, #tpu.memory_space<vmem_shared>>) offsets(%dma_start3A_20 : memref<125xi32, #tpu.memory_space<vmem>>) semaphore(%arg9 : memref<!tpu.dma_semaphore, #tpu.memory_space<semaphore_mem>>) {add = true}
      %add3A_24 = arith.constant 1 : i32
      %add3A_25 = arith.addi %add3A_16, %add3A_24 : i32
      %dma_start3A_26 = arith.constant 0 : i32
      %dma_start3A_27 = tpu.memref_slice %arg6[%add3A_25, %dma_start3A_26] : memref<80x125xi32, #tpu.memory_space<vmem>> -> memref<1x125xi32, #tpu.memory_space<vmem>>
      %dma_start3A_28 = tpu.memref_squeeze %dma_start3A_27 : memref<1x125xi32, #tpu.memory_space<vmem>> -> memref<125xi32, #tpu.memory_space<vmem>>
      %dma_start3A_29 = arith.constant 0 : i32
      %dma_start3A_30 = arith.constant 0 : i32
      %dma_start3A_31 = tpu.memref_slice %arg8[%dma_start3A_29, %dma_start3A_30] : memref<10000x16xf32, #tpu.memory_space<vmem_shared>> -> memref<10000x16xf32, #tpu.memory_space<vmem_shared>>
      tpu.enqueue_indirect_dma source(%arg7 : memref<125x16xf32, #tpu.memory_space<vmem>>) target(%dma_start3A_31 : memref<10000x16xf32, #tpu.memory_space<vmem_shared>>) offsets(%dma_start3A_28 : memref<125xi32, #tpu.memory_space<vmem>>) semaphore(%arg9 : memref<!tpu.dma_semaphore, #tpu.memory_space<semaphore_mem>>) {add = true}
      %add3A_32 = arith.constant 2 : i32
      %add3A_33 = arith.addi %add3A_16, %add3A_32 : i32
      %dma_start3A_34 = arith.constant 0 : i32
      %dma_start3A_35 = tpu.memref_slice %arg6[%add3A_33, %dma_start3A_34] : memref<80x125xi32, #tpu.memory_space<vmem>> -> memref<1x125xi32, #tpu.memory_space<vmem>>
      %dma_start3A_36 = tpu.memref_squeeze %dma_start3A_35 : memref<1x125xi32, #tpu.memory_space<vmem>> -> memref<125xi32, #tpu.memory_space<vmem>>
      %dma_start3A_37 = arith.constant 0 : i32
      %dma_start3A_38 = arith.constant 0 : i32
      %dma_start3A_39 = tpu.memref_slice %arg8[%dma_start3A_37, %dma_start3A_38] : memref<10000x16xf32, #tpu.memory_space<vmem_shared>> -> memref<10000x16xf32, #tpu.memory_space<vmem_shared>>
      tpu.enqueue_indirect_dma source(%arg7 : memref<125x16xf32, #tpu.memory_space<vmem>>) target(%dma_start3A_39 : memref<10000x16xf32, #tpu.memory_space<vmem_shared>>) offsets(%dma_start3A_36 : memref<125xi32, #tpu.memory_space<vmem>>) semaphore(%arg9 : memref<!tpu.dma_semaphore, #tpu.memory_space<semaphore_mem>>) {add = true}
      %add3A_40 = arith.constant 3 : i32
      %add3A_41 = arith.addi %add3A_16, %add3A_40 : i32
      %dma_start3A_42 = arith.constant 0 : i32
      %dma_start3A_43 = tpu.memref_slice %arg6[%add3A_41, %dma_start3A_42] : memref<80x125xi32, #tpu.memory_space<vmem>> -> memref<1x125xi32, #tpu.memory_space<vmem>>
      %dma_start3A_44 = tpu.memref_squeeze %dma_start3A_43 : memref<1x125xi32, #tpu.memory_space<vmem>> -> memref<125xi32, #tpu.memory_space<vmem>>
      %dma_start3A_45 = arith.constant 0 : i32
      %dma_start3A_46 = arith.constant 0 : i32
      %dma_start3A_47 = tpu.memref_slice %arg8[%dma_start3A_45, %dma_start3A_46] : memref<10000x16xf32, #tpu.memory_space<vmem_shared>> -> memref<10000x16xf32, #tpu.memory_space<vmem_shared>>
      tpu.enqueue_indirect_dma source(%arg7 : memref<125x16xf32, #tpu.memory_space<vmem>>) target(%dma_start3A_47 : memref<10000x16xf32, #tpu.memory_space<vmem_shared>>) offsets(%dma_start3A_44 : memref<125xi32, #tpu.memory_space<vmem>>) semaphore(%arg9 : memref<!tpu.dma_semaphore, #tpu.memory_space<semaphore_mem>>) {add = true}
      %add3A_48 = arith.constant 4 : i32
      %add3A_49 = arith.addi %add3A_16, %add3A_48 : i32
      %dma_start3A_50 = arith.constant 0 : i32
      %dma_start3A_51 = tpu.memref_slice %arg6[%add3A_49, %dma_start3A_50] : memref<80x125xi32, #tpu.memory_space<vmem>> -> memref<1x125xi32, #tpu.memory_space<vmem>>
      %dma_start3A_52 = tpu.memref_squeeze %dma_start3A_51 : memref<1x125xi32, #tpu.memory_space<vmem>> -> memref<125xi32, #tpu.memory_space<vmem>>
      %dma_start3A_53 = arith.constant 0 : i32
      %dma_start3A_54 = arith.constant 0 : i32
      %dma_start3A_55 = tpu.memref_slice %arg8[%dma_start3A_53, %dma_start3A_54] : memref<10000x16xf32, #tpu.memory_space<vmem_shared>> -> memref<10000x16xf32, #tpu.memory_space<vmem_shared>>
      tpu.enqueue_indirect_dma source(%arg7 : memref<125x16xf32, #tpu.memory_space<vmem>>) target(%dma_start3A_55 : memref<10000x16xf32, #tpu.memory_space<vmem_shared>>) offsets(%dma_start3A_52 : memref<125xi32, #tpu.memory_space<vmem>>) semaphore(%arg9 : memref<!tpu.dma_semaphore, #tpu.memory_space<semaphore_mem>>) {add = true}
      %add3A_56 = arith.constant 5 : i32
      %add3A_57 = arith.addi %add3A_16, %add3A_56 : i32
      %dma_start3A_58 = arith.constant 0 : i32
      %dma_start3A_59 = tpu.memref_slice %arg6[%add3A_57, %dma_start3A_58] : memref<80x125xi32, #tpu.memory_space<vmem>> -> memref<1x125xi32, #tpu.memory_space<vmem>>
      %dma_start3A_60 = tpu.memref_squeeze %dma_start3A_59 : memref<1x125xi32, #tpu.memory_space<vmem>> -> memref<125xi32, #tpu.memory_space<vmem>>
      %dma_start3A_61 = arith.constant 0 : i32
      %dma_start3A_62 = arith.constant 0 : i32
      %dma_start3A_63 = tpu.memref_slice %arg8[%dma_start3A_61, %dma_start3A_62] : memref<10000x16xf32, #tpu.memory_space<vmem_shared>> -> memref<10000x16xf32, #tpu.memory_space<vmem_shared>>
      tpu.enqueue_indirect_dma source(%arg7 : memref<125x16xf32, #tpu.memory_space<vmem>>) target(%dma_start3A_63 : memref<10000x16xf32, #tpu.memory_space<vmem_shared>>) offsets(%dma_start3A_60 : memref<125xi32, #tpu.memory_space<vmem>>) semaphore(%arg9 : memref<!tpu.dma_semaphore, #tpu.memory_space<semaphore_mem>>) {add = true}
      %add3A_64 = arith.constant 6 : i32
      %add3A_65 = arith.addi %add3A_16, %add3A_64 : i32
      %dma_start3A_66 = arith.constant 0 : i32
      %dma_start3A_67 = tpu.memref_slice %arg6[%add3A_65, %dma_start3A_66] : memref<80x125xi32, #tpu.memory_space<vmem>> -> memref<1x125xi32, #tpu.memory_space<vmem>>
      %dma_start3A_68 = tpu.memref_squeeze %dma_start3A_67 : memref<1x125xi32, #tpu.memory_space<vmem>> -> memref<125xi32, #tpu.memory_space<vmem>>
      %dma_start3A_69 = arith.constant 0 : i32
      %dma_start3A_70 = arith.constant 0 : i32
      %dma_start3A_71 = tpu.memref_slice %arg8[%dma_start3A_69, %dma_start3A_70] : memref<10000x16xf32, #tpu.memory_space<vmem_shared>> -> memref<10000x16xf32, #tpu.memory_space<vmem_shared>>
      tpu.enqueue_indirect_dma source(%arg7 : memref<125x16xf32, #tpu.memory_space<vmem>>) target(%dma_start3A_71 : memref<10000x16xf32, #tpu.memory_space<vmem_shared>>) offsets(%dma_start3A_68 : memref<125xi32, #tpu.memory_space<vmem>>) semaphore(%arg9 : memref<!tpu.dma_semaphore, #tpu.memory_space<semaphore_mem>>) {add = true}
      %add3A_72 = arith.constant 7 : i32
      %add3A_73 = arith.addi %add3A_16, %add3A_72 : i32
      %dma_start3A_74 = arith.constant 0 : i32
      %dma_start3A_75 = tpu.memref_slice %arg6[%add3A_73, %dma_start3A_74] : memref<80x125xi32, #tpu.memory_space<vmem>> -> memref<1x125xi32, #tpu.memory_space<vmem>>
      %dma_start3A_76 = tpu.memref_squeeze %dma_start3A_75 : memref<1x125xi32, #tpu.memory_space<vmem>> -> memref<125xi32, #tpu.memory_space<vmem>>
      %dma_start3A_77 = arith.constant 0 : i32
      %dma_start3A_78 = arith.constant 0 : i32
      %dma_start3A_79 = tpu.memref_slice %arg8[%dma_start3A_77, %dma_start3A_78] : memref<10000x16xf32, #tpu.memory_space<vmem_shared>> -> memref<10000x16xf32, #tpu.memory_space<vmem_shared>>
      tpu.enqueue_indirect_dma source(%arg7 : memref<125x16xf32, #tpu.memory_space<vmem>>) target(%dma_start3A_79 : memref<10000x16xf32, #tpu.memory_space<vmem_shared>>) offsets(%dma_start3A_76 : memref<125xi32, #tpu.memory_space<vmem>>) semaphore(%arg9 : memref<!tpu.dma_semaphore, #tpu.memory_space<semaphore_mem>>) {add = true}
      %add3A_80 = arith.constant 8 : i32
      %add3A_81 = arith.addi %add3A_16, %add3A_80 : i32
      %dma_start3A_82 = arith.constant 0 : i32
      %dma_start3A_83 = tpu.memref_slice %arg6[%add3A_81, %dma_start3A_82] : memref<80x125xi32, #tpu.memory_space<vmem>> -> memref<1x125xi32, #tpu.memory_space<vmem>>
      %dma_start3A_84 = tpu.memref_squeeze %dma_start3A_83 : memref<1x125xi32, #tpu.memory_space<vmem>> -> memref<125xi32, #tpu.memory_space<vmem>>
      %dma_start3A_85 = arith.constant 0 : i32
      %dma_start3A_86 = arith.constant 0 : i32
      %dma_start3A_87 = tpu.memref_slice %arg8[%dma_start3A_85, %dma_start3A_86] : memref<10000x16xf32, #tpu.memory_space<vmem_shared>> -> memref<10000x16xf32, #tpu.memory_space<vmem_shared>>
      tpu.enqueue_indirect_dma source(%arg7 : memref<125x16xf32, #tpu.memory_space<vmem>>) target(%dma_start3A_87 : memref<10000x16xf32, #tpu.memory_space<vmem_shared>>) offsets(%dma_start3A_84 : memref<125xi32, #tpu.memory_space<vmem>>) semaphore(%arg9 : memref<!tpu.dma_semaphore, #tpu.memory_space<semaphore_mem>>) {add = true}
      %add3A_88 = arith.constant 9 : i32
      %add3A_89 = arith.addi %add3A_16, %add3A_88 : i32
      %dma_start3A_90 = arith.constant 0 : i32
      %dma_start3A_91 = tpu.memref_slice %arg6[%add3A_89, %dma_start3A_90] : memref<80x125xi32, #tpu.memory_space<vmem>> -> memref<1x125xi32, #tpu.memory_space<vmem>>
      %dma_start3A_92 = tpu.memref_squeeze %dma_start3A_91 : memref<1x125xi32, #tpu.memory_space<vmem>> -> memref<125xi32, #tpu.memory_space<vmem>>
      %dma_start3A_93 = arith.constant 0 : i32
      %dma_start3A_94 = arith.constant 0 : i32
      %dma_start3A_95 = tpu.memref_slice %arg8[%dma_start3A_93, %dma_start3A_94] : memref<10000x16xf32, #tpu.memory_space<vmem_shared>> -> memref<10000x16xf32, #tpu.memory_space<vmem_shared>>
      tpu.enqueue_indirect_dma source(%arg7 : memref<125x16xf32, #tpu.memory_space<vmem>>) target(%dma_start3A_95 : memref<10000x16xf32, #tpu.memory_space<vmem_shared>>) offsets(%dma_start3A_92 : memref<125xi32, #tpu.memory_space<vmem>>) semaphore(%arg9 : memref<!tpu.dma_semaphore, #tpu.memory_space<semaphore_mem>>) {add = true}
      %add3A_96 = arith.constant 10 : i32
      %add3A_97 = arith.addi %add3A_16, %add3A_96 : i32
      %dma_start3A_98 = arith.constant 0 : i32
      %dma_start3A_99 = tpu.memref_slice %arg6[%add3A_97, %dma_start3A_98] : memref<80x125xi32, #tpu.memory_space<vmem>> -> memref<1x125xi32, #tpu.memory_space<vmem>>
      %dma_start3A_100 = tpu.memref_squeeze %dma_start3A_99 : memref<1x125xi32, #tpu.memory_space<vmem>> -> memref<125xi32, #tpu.memory_space<vmem>>
      %dma_start3A_101 = arith.constant 0 : i32
      %dma_start3A_102 = arith.constant 0 : i32
      %dma_start3A_103 = tpu.memref_slice %arg8[%dma_start3A_101, %dma_start3A_102] : memref<10000x16xf32, #tpu.memory_space<vmem_shared>> -> memref<10000x16xf32, #tpu.memory_space<vmem_shared>>
      tpu.enqueue_indirect_dma source(%arg7 : memref<125x16xf32, #tpu.memory_space<vmem>>) target(%dma_start3A_103 : memref<10000x16xf32, #tpu.memory_space<vmem_shared>>) offsets(%dma_start3A_100 : memref<125xi32, #tpu.memory_space<vmem>>) semaphore(%arg9 : memref<!tpu.dma_semaphore, #tpu.memory_space<semaphore_mem>>) {add = true}
      %add3A_104 = arith.constant 11 : i32
      %add3A_105 = arith.addi %add3A_16, %add3A_104 : i32
      %dma_start3A_106 = arith.constant 0 : i32
      %dma_start3A_107 = tpu.memref_slice %arg6[%add3A_105, %dma_start3A_106] : memref<80x125xi32, #tpu.memory_space<vmem>> -> memref<1x125xi32, #tpu.memory_space<vmem>>
      %dma_start3A_108 = tpu.memref_squeeze %dma_start3A_107 : memref<1x125xi32, #tpu.memory_space<vmem>> -> memref<125xi32, #tpu.memory_space<vmem>>
      %dma_start3A_109 = arith.constant 0 : i32
      %dma_start3A_110 = arith.constant 0 : i32
      %dma_start3A_111 = tpu.memref_slice %arg8[%dma_start3A_109, %dma_start3A_110] : memref<10000x16xf32, #tpu.memory_space<vmem_shared>> -> memref<10000x16xf32, #tpu.memory_space<vmem_shared>>
      tpu.enqueue_indirect_dma source(%arg7 : memref<125x16xf32, #tpu.memory_space<vmem>>) target(%dma_start3A_111 : memref<10000x16xf32, #tpu.memory_space<vmem_shared>>) offsets(%dma_start3A_108 : memref<125xi32, #tpu.memory_space<vmem>>) semaphore(%arg9 : memref<!tpu.dma_semaphore, #tpu.memory_space<semaphore_mem>>) {add = true}
      %add3A_112 = arith.constant 12 : i32
      %add3A_113 = arith.addi %add3A_16, %add3A_112 : i32
      %dma_start3A_114 = arith.constant 0 : i32
      %dma_start3A_115 = tpu.memref_slice %arg6[%add3A_113, %dma_start3A_114] : memref<80x125xi32, #tpu.memory_space<vmem>> -> memref<1x125xi32, #tpu.memory_space<vmem>>
      %dma_start3A_116 = tpu.memref_squeeze %dma_start3A_115 : memref<1x125xi32, #tpu.memory_space<vmem>> -> memref<125xi32, #tpu.memory_space<vmem>>
      %dma_start3A_117 = arith.constant 0 : i32
      %dma_start3A_118 = arith.constant 0 : i32
      %dma_start3A_119 = tpu.memref_slice %arg8[%dma_start3A_117, %dma_start3A_118] : memref<10000x16xf32, #tpu.memory_space<vmem_shared>> -> memref<10000x16xf32, #tpu.memory_space<vmem_shared>>
      tpu.enqueue_indirect_dma source(%arg7 : memref<125x16xf32, #tpu.memory_space<vmem>>) target(%dma_start3A_119 : memref<10000x16xf32, #tpu.memory_space<vmem_shared>>) offsets(%dma_start3A_116 : memref<125xi32, #tpu.memory_space<vmem>>) semaphore(%arg9 : memref<!tpu.dma_semaphore, #tpu.memory_space<semaphore_mem>>) {add = true}
      %add3A_120 = arith.constant 13 : i32
      %add3A_121 = arith.addi %add3A_16, %add3A_120 : i32
      %dma_start3A_122 = arith.constant 0 : i32
      %dma_start3A_123 = tpu.memref_slice %arg6[%add3A_121, %dma_start3A_122] : memref<80x125xi32, #tpu.memory_space<vmem>> -> memref<1x125xi32, #tpu.memory_space<vmem>>
      %dma_start3A_124 = tpu.memref_squeeze %dma_start3A_123 : memref<1x125xi32, #tpu.memory_space<vmem>> -> memref<125xi32, #tpu.memory_space<vmem>>
      %dma_start3A_125 = arith.constant 0 : i32
      %dma_start3A_126 = arith.constant 0 : i32
      %dma_start3A_127 = tpu.memref_slice %arg8[%dma_start3A_125, %dma_start3A_126] : memref<10000x16xf32, #tpu.memory_space<vmem_shared>> -> memref<10000x16xf32, #tpu.memory_space<vmem_shared>>
      tpu.enqueue_indirect_dma source(%arg7 : memref<125x16xf32, #tpu.memory_space<vmem>>) target(%dma_start3A_127 : memref<10000x16xf32, #tpu.memory_space<vmem_shared>>) offsets(%dma_start3A_124 : memref<125xi32, #tpu.memory_space<vmem>>) semaphore(%arg9 : memref<!tpu.dma_semaphore, #tpu.memory_space<semaphore_mem>>) {add = true}
      %add3A_128 = arith.constant 14 : i32
      %add3A_129 = arith.addi %add3A_16, %add3A_128 : i32
      %dma_start3A_130 = arith.constant 0 : i32
      %dma_start3A_131 = tpu.memref_slice %arg6[%add3A_129, %dma_start3A_130] : memref<80x125xi32, #tpu.memory_space<vmem>> -> memref<1x125xi32, #tpu.memory_space<vmem>>
      %dma_start3A_132 = tpu.memref_squeeze %dma_start3A_131 : memref<1x125xi32, #tpu.memory_space<vmem>> -> memref<125xi32, #tpu.memory_space<vmem>>
      %dma_start3A_133 = arith.constant 0 : i32
      %dma_start3A_134 = arith.constant 0 : i32
      %dma_start3A_135 = tpu.memref_slice %arg8[%dma_start3A_133, %dma_start3A_134] : memref<10000x16xf32, #tpu.memory_space<vmem_shared>> -> memref<10000x16xf32, #tpu.memory_space<vmem_shared>>
      tpu.enqueue_indirect_dma source(%arg7 : memref<125x16xf32, #tpu.memory_space<vmem>>) target(%dma_start3A_135 : memref<10000x16xf32, #tpu.memory_space<vmem_shared>>) offsets(%dma_start3A_132 : memref<125xi32, #tpu.memory_space<vmem>>) semaphore(%arg9 : memref<!tpu.dma_semaphore, #tpu.memory_space<semaphore_mem>>) {add = true}
      %add3A_136 = arith.constant 15 : i32
      %add3A_137 = arith.addi %add3A_16, %add3A_136 : i32
      %dma_start3A_138 = arith.constant 0 : i32
      %dma_start3A_139 = tpu.memref_slice %arg6[%add3A_137, %dma_start3A_138] : memref<80x125xi32, #tpu.memory_space<vmem>> -> memref<1x125xi32, #tpu.memory_space<vmem>>
      %dma_start3A_140 = tpu.memref_squeeze %dma_start3A_139 : memref<1x125xi32, #tpu.memory_space<vmem>> -> memref<125xi32, #tpu.memory_space<vmem>>
      %dma_start3A_141 = arith.constant 0 : i32
      %dma_start3A_142 = arith.constant 0 : i32
      %dma_start3A_143 = tpu.memref_slice %arg8[%dma_start3A_141, %dma_start3A_142] : memref<10000x16xf32, #tpu.memory_space<vmem_shared>> -> memref<10000x16xf32, #tpu.memory_space<vmem_shared>>
      tpu.enqueue_indirect_dma source(%arg7 : memref<125x16xf32, #tpu.memory_space<vmem>>) target(%dma_start3A_143 : memref<10000x16xf32, #tpu.memory_space<vmem_shared>>) offsets(%dma_start3A_140 : memref<125xi32, #tpu.memory_space<vmem>>) semaphore(%arg9 : memref<!tpu.dma_semaphore, #tpu.memory_space<semaphore_mem>>) {add = true}
      %add3A_144 = arith.constant 0 : i32
      %add3A_145 = arith.addi %add3A_16, %add3A_144 : i32
      %dma_wait3A = arith.constant 0 : i32
      %dma_wait3A_146 = tpu.memref_slice %arg6[%add3A_145, %dma_wait3A] : memref<80x125xi32, #tpu.memory_space<vmem>> -> memref<1x125xi32, #tpu.memory_space<vmem>>
      %dma_wait3A_147 = tpu.memref_squeeze %dma_wait3A_146 : memref<1x125xi32, #tpu.memory_space<vmem>> -> memref<125xi32, #tpu.memory_space<vmem>>
      %dma_wait3A_148 = arith.constant 0 : i32
      %dma_wait3A_149 = arith.constant 0 : i32
      %dma_wait3A_150 = tpu.memref_slice %arg8[%dma_wait3A_148, %dma_wait3A_149] : memref<10000x16xf32, #tpu.memory_space<vmem_shared>> -> memref<10000x16xf32, #tpu.memory_space<vmem_shared>>
      tpu.wait_indirect_dma semaphore(%arg9 : memref<!tpu.dma_semaphore, #tpu.memory_space<semaphore_mem>>) src(%arg7 : memref<125x16xf32, #tpu.memory_space<vmem>>) dst(%dma_wait3A_150 : memref<10000x16xf32, #tpu.memory_space<vmem_shared>>)
      %add3A_151 = arith.constant 1 : i32
      %add3A_152 = arith.addi %add3A_16, %add3A_151 : i32
      %dma_wait3A_153 = arith.constant 0 : i32
      %dma_wait3A_154 = tpu.memref_slice %arg6[%add3A_152, %dma_wait3A_153] : memref<80x125xi32, #tpu.memory_space<vmem>> -> memref<1x125xi32, #tpu.memory_space<vmem>>
      %dma_wait3A_155 = tpu.memref_squeeze %dma_wait3A_154 : memref<1x125xi32, #tpu.memory_space<vmem>> -> memref<125xi32, #tpu.memory_space<vmem>>
      %dma_wait3A_156 = arith.constant 0 : i32
      %dma_wait3A_157 = arith.constant 0 : i32
      %dma_wait3A_158 = tpu.memref_slice %arg8[%dma_wait3A_156, %dma_wait3A_157] : memref<10000x16xf32, #tpu.memory_space<vmem_shared>> -> memref<10000x16xf32, #tpu.memory_space<vmem_shared>>
      tpu.wait_indirect_dma semaphore(%arg9 : memref<!tpu.dma_semaphore, #tpu.memory_space<semaphore_mem>>) src(%arg7 : memref<125x16xf32, #tpu.memory_space<vmem>>) dst(%dma_wait3A_158 : memref<10000x16xf32, #tpu.memory_space<vmem_shared>>)
      %add3A_159 = arith.constant 2 : i32
      %add3A_160 = arith.addi %add3A_16, %add3A_159 : i32
      %dma_wait3A_161 = arith.constant 0 : i32
      %dma_wait3A_162 = tpu.memref_slice %arg6[%add3A_160, %dma_wait3A_161] : memref<80x125xi32, #tpu.memory_space<vmem>> -> memref<1x125xi32, #tpu.memory_space<vmem>>
      %dma_wait3A_163 = tpu.memref_squeeze %dma_wait3A_162 : memref<1x125xi32, #tpu.memory_space<vmem>> -> memref<125xi32, #tpu.memory_space<vmem>>
      %dma_wait3A_164 = arith.constant 0 : i32
      %dma_wait3A_165 = arith.constant 0 : i32
      %dma_wait3A_166 = tpu.memref_slice %arg8[%dma_wait3A_164, %dma_wait3A_165] : memref<10000x16xf32, #tpu.memory_space<vmem_shared>> -> memref<10000x16xf32, #tpu.memory_space<vmem_shared>>
      tpu.wait_indirect_dma semaphore(%arg9 : memref<!tpu.dma_semaphore, #tpu.memory_space<semaphore_mem>>) src(%arg7 : memref<125x16xf32, #tpu.memory_space<vmem>>) dst(%dma_wait3A_166 : memref<10000x16xf32, #tpu.memory_space<vmem_shared>>)
      %add3A_167 = arith.constant 3 : i32
      %add3A_168 = arith.addi %add3A_16, %add3A_167 : i32
      %dma_wait3A_169 = arith.constant 0 : i32
      %dma_wait3A_170 = tpu.memref_slice %arg6[%add3A_168, %dma_wait3A_169] : memref<80x125xi32, #tpu.memory_space<vmem>> -> memref<1x125xi32, #tpu.memory_space<vmem>>
      %dma_wait3A_171 = tpu.memref_squeeze %dma_wait3A_170 : memref<1x125xi32, #tpu.memory_space<vmem>> -> memref<125xi32, #tpu.memory_space<vmem>>
      %dma_wait3A_172 = arith.constant 0 : i32
      %dma_wait3A_173 = arith.constant 0 : i32
      %dma_wait3A_174 = tpu.memref_slice %arg8[%dma_wait3A_172, %dma_wait3A_173] : memref<10000x16xf32, #tpu.memory_space<vmem_shared>> -> memref<10000x16xf32, #tpu.memory_space<vmem_shared>>
      tpu.wait_indirect_dma semaphore(%arg9 : memref<!tpu.dma_semaphore, #tpu.memory_space<semaphore_mem>>) src(%arg7 : memref<125x16xf32, #tpu.memory_space<vmem>>) dst(%dma_wait3A_174 : memref<10000x16xf32, #tpu.memory_space<vmem_shared>>)
      %add3A_175 = arith.constant 4 : i32
      %add3A_176 = arith.addi %add3A_16, %add3A_175 : i32
      %dma_wait3A_177 = arith.constant 0 : i32
      %dma_wait3A_178 = tpu.memref_slice %arg6[%add3A_176, %dma_wait3A_177] : memref<80x125xi32, #tpu.memory_space<vmem>> -> memref<1x125xi32, #tpu.memory_space<vmem>>
      %dma_wait3A_179 = tpu.memref_squeeze %dma_wait3A_178 : memref<1x125xi32, #tpu.memory_space<vmem>> -> memref<125xi32, #tpu.memory_space<vmem>>
      %dma_wait3A_180 = arith.constant 0 : i32
      %dma_wait3A_181 = arith.constant 0 : i32
      %dma_wait3A_182 = tpu.memref_slice %arg8[%dma_wait3A_180, %dma_wait3A_181] : memref<10000x16xf32, #tpu.memory_space<vmem_shared>> -> memref<10000x16xf32, #tpu.memory_space<vmem_shared>>
      tpu.wait_indirect_dma semaphore(%arg9 : memref<!tpu.dma_semaphore, #tpu.memory_space<semaphore_mem>>) src(%arg7 : memref<125x16xf32, #tpu.memory_space<vmem>>) dst(%dma_wait3A_182 : memref<10000x16xf32, #tpu.memory_space<vmem_shared>>)
      %add3A_183 = arith.constant 5 : i32
      %add3A_184 = arith.addi %add3A_16, %add3A_183 : i32
      %dma_wait3A_185 = arith.constant 0 : i32
      %dma_wait3A_186 = tpu.memref_slice %arg6[%add3A_184, %dma_wait3A_185] : memref<80x125xi32, #tpu.memory_space<vmem>> -> memref<1x125xi32, #tpu.memory_space<vmem>>
      %dma_wait3A_187 = tpu.memref_squeeze %dma_wait3A_186 : memref<1x125xi32, #tpu.memory_space<vmem>> -> memref<125xi32, #tpu.memory_space<vmem>>
      %dma_wait3A_188 = arith.constant 0 : i32
      %dma_wait3A_189 = arith.constant 0 : i32
      %dma_wait3A_190 = tpu.memref_slice %arg8[%dma_wait3A_188, %dma_wait3A_189] : memref<10000x16xf32, #tpu.memory_space<vmem_shared>> -> memref<10000x16xf32, #tpu.memory_space<vmem_shared>>
      tpu.wait_indirect_dma semaphore(%arg9 : memref<!tpu.dma_semaphore, #tpu.memory_space<semaphore_mem>>) src(%arg7 : memref<125x16xf32, #tpu.memory_space<vmem>>) dst(%dma_wait3A_190 : memref<10000x16xf32, #tpu.memory_space<vmem_shared>>)
      %add3A_191 = arith.constant 6 : i32
      %add3A_192 = arith.addi %add3A_16, %add3A_191 : i32
      %dma_wait3A_193 = arith.constant 0 : i32
      %dma_wait3A_194 = tpu.memref_slice %arg6[%add3A_192, %dma_wait3A_193] : memref<80x125xi32, #tpu.memory_space<vmem>> -> memref<1x125xi32, #tpu.memory_space<vmem>>
      %dma_wait3A_195 = tpu.memref_squeeze %dma_wait3A_194 : memref<1x125xi32, #tpu.memory_space<vmem>> -> memref<125xi32, #tpu.memory_space<vmem>>
      %dma_wait3A_196 = arith.constant 0 : i32
      %dma_wait3A_197 = arith.constant 0 : i32
      %dma_wait3A_198 = tpu.memref_slice %arg8[%dma_wait3A_196, %dma_wait3A_197] : memref<10000x16xf32, #tpu.memory_space<vmem_shared>> -> memref<10000x16xf32, #tpu.memory_space<vmem_shared>>
      tpu.wait_indirect_dma semaphore(%arg9 : memref<!tpu.dma_semaphore, #tpu.memory_space<semaphore_mem>>) src(%arg7 : memref<125x16xf32, #tpu.memory_space<vmem>>) dst(%dma_wait3A_198 : memref<10000x16xf32, #tpu.memory_space<vmem_shared>>)
      %add3A_199 = arith.constant 7 : i32
      %add3A_200 = arith.addi %add3A_16, %add3A_199 : i32
      %dma_wait3A_201 = arith.constant 0 : i32
      %dma_wait3A_202 = tpu.memref_slice %arg6[%add3A_200, %dma_wait3A_201] : memref<80x125xi32, #tpu.memory_space<vmem>> -> memref<1x125xi32, #tpu.memory_space<vmem>>
      %dma_wait3A_203 = tpu.memref_squeeze %dma_wait3A_202 : memref<1x125xi32, #tpu.memory_space<vmem>> -> memref<125xi32, #tpu.memory_space<vmem>>
      %dma_wait3A_204 = arith.constant 0 : i32
      %dma_wait3A_205 = arith.constant 0 : i32
      %dma_wait3A_206 = tpu.memref_slice %arg8[%dma_wait3A_204, %dma_wait3A_205] : memref<10000x16xf32, #tpu.memory_space<vmem_shared>> -> memref<10000x16xf32, #tpu.memory_space<vmem_shared>>
      tpu.wait_indirect_dma semaphore(%arg9 : memref<!tpu.dma_semaphore, #tpu.memory_space<semaphore_mem>>) src(%arg7 : memref<125x16xf32, #tpu.memory_space<vmem>>) dst(%dma_wait3A_206 : memref<10000x16xf32, #tpu.memory_space<vmem_shared>>)
      %add3A_207 = arith.constant 8 : i32
      %add3A_208 = arith.addi %add3A_16, %add3A_207 : i32
      %dma_wait3A_209 = arith.constant 0 : i32
      %dma_wait3A_210 = tpu.memref_slice %arg6[%add3A_208, %dma_wait3A_209] : memref<80x125xi32, #tpu.memory_space<vmem>> -> memref<1x125xi32, #tpu.memory_space<vmem>>
      %dma_wait3A_211 = tpu.memref_squeeze %dma_wait3A_210 : memref<1x125xi32, #tpu.memory_space<vmem>> -> memref<125xi32, #tpu.memory_space<vmem>>
      %dma_wait3A_212 = arith.constant 0 : i32
      %dma_wait3A_213 = arith.constant 0 : i32
      %dma_wait3A_214 = tpu.memref_slice %arg8[%dma_wait3A_212, %dma_wait3A_213] : memref<10000x16xf32, #tpu.memory_space<vmem_shared>> -> memref<10000x16xf32, #tpu.memory_space<vmem_shared>>
      tpu.wait_indirect_dma semaphore(%arg9 : memref<!tpu.dma_semaphore, #tpu.memory_space<semaphore_mem>>) src(%arg7 : memref<125x16xf32, #tpu.memory_space<vmem>>) dst(%dma_wait3A_214 : memref<10000x16xf32, #tpu.memory_space<vmem_shared>>)
      %add3A_215 = arith.constant 9 : i32
      %add3A_216 = arith.addi %add3A_16, %add3A_215 : i32
      %dma_wait3A_217 = arith.constant 0 : i32
      %dma_wait3A_218 = tpu.memref_slice %arg6[%add3A_216, %dma_wait3A_217] : memref<80x125xi32, #tpu.memory_space<vmem>> -> memref<1x125xi32, #tpu.memory_space<vmem>>
      %dma_wait3A_219 = tpu.memref_squeeze %dma_wait3A_218 : memref<1x125xi32, #tpu.memory_space<vmem>> -> memref<125xi32, #tpu.memory_space<vmem>>
      %dma_wait3A_220 = arith.constant 0 : i32
      %dma_wait3A_221 = arith.constant 0 : i32
      %dma_wait3A_222 = tpu.memref_slice %arg8[%dma_wait3A_220, %dma_wait3A_221] : memref<10000x16xf32, #tpu.memory_space<vmem_shared>> -> memref<10000x16xf32, #tpu.memory_space<vmem_shared>>
      tpu.wait_indirect_dma semaphore(%arg9 : memref<!tpu.dma_semaphore, #tpu.memory_space<semaphore_mem>>) src(%arg7 : memref<125x16xf32, #tpu.memory_space<vmem>>) dst(%dma_wait3A_222 : memref<10000x16xf32, #tpu.memory_space<vmem_shared>>)
      %add3A_223 = arith.constant 10 : i32
      %add3A_224 = arith.addi %add3A_16, %add3A_223 : i32
      %dma_wait3A_225 = arith.constant 0 : i32
      %dma_wait3A_226 = tpu.memref_slice %arg6[%add3A_224, %dma_wait3A_225] : memref<80x125xi32, #tpu.memory_space<vmem>> -> memref<1x125xi32, #tpu.memory_space<vmem>>
      %dma_wait3A_227 = tpu.memref_squeeze %dma_wait3A_226 : memref<1x125xi32, #tpu.memory_space<vmem>> -> memref<125xi32, #tpu.memory_space<vmem>>
      %dma_wait3A_228 = arith.constant 0 : i32
      %dma_wait3A_229 = arith.constant 0 : i32
      %dma_wait3A_230 = tpu.memref_slice %arg8[%dma_wait3A_228, %dma_wait3A_229] : memref<10000x16xf32, #tpu.memory_space<vmem_shared>> -> memref<10000x16xf32, #tpu.memory_space<vmem_shared>>
      tpu.wait_indirect_dma semaphore(%arg9 : memref<!tpu.dma_semaphore, #tpu.memory_space<semaphore_mem>>) src(%arg7 : memref<125x16xf32, #tpu.memory_space<vmem>>) dst(%dma_wait3A_230 : memref<10000x16xf32, #tpu.memory_space<vmem_shared>>)
      %add3A_231 = arith.constant 11 : i32
      %add3A_232 = arith.addi %add3A_16, %add3A_231 : i32
      %dma_wait3A_233 = arith.constant 0 : i32
      %dma_wait3A_234 = tpu.memref_slice %arg6[%add3A_232, %dma_wait3A_233] : memref<80x125xi32, #tpu.memory_space<vmem>> -> memref<1x125xi32, #tpu.memory_space<vmem>>
      %dma_wait3A_235 = tpu.memref_squeeze %dma_wait3A_234 : memref<1x125xi32, #tpu.memory_space<vmem>> -> memref<125xi32, #tpu.memory_space<vmem>>
      %dma_wait3A_236 = arith.constant 0 : i32
      %dma_wait3A_237 = arith.constant 0 : i32
      %dma_wait3A_238 = tpu.memref_slice %arg8[%dma_wait3A_236, %dma_wait3A_237] : memref<10000x16xf32, #tpu.memory_space<vmem_shared>> -> memref<10000x16xf32, #tpu.memory_space<vmem_shared>>
      tpu.wait_indirect_dma semaphore(%arg9 : memref<!tpu.dma_semaphore, #tpu.memory_space<semaphore_mem>>) src(%arg7 : memref<125x16xf32, #tpu.memory_space<vmem>>) dst(%dma_wait3A_238 : memref<10000x16xf32, #tpu.memory_space<vmem_shared>>)
      %add3A_239 = arith.constant 12 : i32
      %add3A_240 = arith.addi %add3A_16, %add3A_239 : i32
      %dma_wait3A_241 = arith.constant 0 : i32
      %dma_wait3A_242 = tpu.memref_slice %arg6[%add3A_240, %dma_wait3A_241] : memref<80x125xi32, #tpu.memory_space<vmem>> -> memref<1x125xi32, #tpu.memory_space<vmem>>
      %dma_wait3A_243 = tpu.memref_squeeze %dma_wait3A_242 : memref<1x125xi32, #tpu.memory_space<vmem>> -> memref<125xi32, #tpu.memory_space<vmem>>
      %dma_wait3A_244 = arith.constant 0 : i32
      %dma_wait3A_245 = arith.constant 0 : i32
      %dma_wait3A_246 = tpu.memref_slice %arg8[%dma_wait3A_244, %dma_wait3A_245] : memref<10000x16xf32, #tpu.memory_space<vmem_shared>> -> memref<10000x16xf32, #tpu.memory_space<vmem_shared>>
      tpu.wait_indirect_dma semaphore(%arg9 : memref<!tpu.dma_semaphore, #tpu.memory_space<semaphore_mem>>) src(%arg7 : memref<125x16xf32, #tpu.memory_space<vmem>>) dst(%dma_wait3A_246 : memref<10000x16xf32, #tpu.memory_space<vmem_shared>>)
      %add3A_247 = arith.constant 13 : i32
      %add3A_248 = arith.addi %add3A_16, %add3A_247 : i32
      %dma_wait3A_249 = arith.constant 0 : i32
      %dma_wait3A_250 = tpu.memref_slice %arg6[%add3A_248, %dma_wait3A_249] : memref<80x125xi32, #tpu.memory_space<vmem>> -> memref<1x125xi32, #tpu.memory_space<vmem>>
      %dma_wait3A_251 = tpu.memref_squeeze %dma_wait3A_250 : memref<1x125xi32, #tpu.memory_space<vmem>> -> memref<125xi32, #tpu.memory_space<vmem>>
      %dma_wait3A_252 = arith.constant 0 : i32
      %dma_wait3A_253 = arith.constant 0 : i32
      %dma_wait3A_254 = tpu.memref_slice %arg8[%dma_wait3A_252, %dma_wait3A_253] : memref<10000x16xf32, #tpu.memory_space<vmem_shared>> -> memref<10000x16xf32, #tpu.memory_space<vmem_shared>>
      tpu.wait_indirect_dma semaphore(%arg9 : memref<!tpu.dma_semaphore, #tpu.memory_space<semaphore_mem>>) src(%arg7 : memref<125x16xf32, #tpu.memory_space<vmem>>) dst(%dma_wait3A_254 : memref<10000x16xf32, #tpu.memory_space<vmem_shared>>)
      %add3A_255 = arith.constant 14 : i32
      %add3A_256 = arith.addi %add3A_16, %add3A_255 : i32
      %dma_wait3A_257 = arith.constant 0 : i32
      %dma_wait3A_258 = tpu.memref_slice %arg6[%add3A_256, %dma_wait3A_257] : memref<80x125xi32, #tpu.memory_space<vmem>> -> memref<1x125xi32, #tpu.memory_space<vmem>>
      %dma_wait3A_259 = tpu.memref_squeeze %dma_wait3A_258 : memref<1x125xi32, #tpu.memory_space<vmem>> -> memref<125xi32, #tpu.memory_space<vmem>>
      %dma_wait3A_260 = arith.constant 0 : i32
      %dma_wait3A_261 = arith.constant 0 : i32
      %dma_wait3A_262 = tpu.memref_slice %arg8[%dma_wait3A_260, %dma_wait3A_261] : memref<10000x16xf32, #tpu.memory_space<vmem_shared>> -> memref<10000x16xf32, #tpu.memory_space<vmem_shared>>
      tpu.wait_indirect_dma semaphore(%arg9 : memref<!tpu.dma_semaphore, #tpu.memory_space<semaphore_mem>>) src(%arg7 : memref<125x16xf32, #tpu.memory_space<vmem>>) dst(%dma_wait3A_262 : memref<10000x16xf32, #tpu.memory_space<vmem_shared>>)
      %add3A_263 = arith.constant 15 : i32
      %add3A_264 = arith.addi %add3A_16, %add3A_263 : i32
      %dma_wait3A_265 = arith.constant 0 : i32
      %dma_wait3A_266 = tpu.memref_slice %arg6[%add3A_264, %dma_wait3A_265] : memref<80x125xi32, #tpu.memory_space<vmem>> -> memref<1x125xi32, #tpu.memory_space<vmem>>
      %dma_wait3A_267 = tpu.memref_squeeze %dma_wait3A_266 : memref<1x125xi32, #tpu.memory_space<vmem>> -> memref<125xi32, #tpu.memory_space<vmem>>
      %dma_wait3A_268 = arith.constant 0 : i32
      %dma_wait3A_269 = arith.constant 0 : i32
      %dma_wait3A_270 = tpu.memref_slice %arg8[%dma_wait3A_268, %dma_wait3A_269] : memref<10000x16xf32, #tpu.memory_space<vmem_shared>> -> memref<10000x16xf32, #tpu.memory_space<vmem_shared>>
      tpu.wait_indirect_dma semaphore(%arg9 : memref<!tpu.dma_semaphore, #tpu.memory_space<semaphore_mem>>) src(%arg7 : memref<125x16xf32, #tpu.memory_space<vmem>>) dst(%dma_wait3A_270 : memref<10000x16xf32, #tpu.memory_space<vmem_shared>>)
    }
    %scan3A_6 = arith.constant 5 : i32
    %barrier3A_7 = arith.constant 0 : index
    tpu.barrier barrier_id(%barrier3A_7)
    %mul3A_8 = arith.constant 624 : i32
    %mul3A_9 = arith.muli %arg1, %mul3A_8 : i32
    "tpu.region"() ({
      %run_scoped3A = tpu.sem_alloc : memref<!tpu.dma_semaphore, #tpu.memory_space<semaphore_mem>>
      %dma_start3A = arith.constant 0 : i32
      %dma_start3A_12 = tpu.memref_slice %arg5[%arg0, %mul3A_9, %dma_start3A] : memref<2x10000x16xf32, #tpu.memory_space<hbm>> -> memref<1x624x16xf32, #tpu.memory_space<hbm>>
      %dma_start3A_13 = tpu.memref_squeeze %dma_start3A_12 : memref<1x624x16xf32, #tpu.memory_space<hbm>> -> memref<624x16xf32, #tpu.memory_space<hbm>>
      %dma_start3A_14 = arith.constant 0 : i32
      %dma_start3A_15 = tpu.memref_slice %arg8[%mul3A_9, %dma_start3A_14] : memref<10000x16xf32, #tpu.memory_space<vmem_shared>> -> memref<624x16xf32, #tpu.memory_space<vmem_shared>>
      tpu.enqueue_dma source(%dma_start3A_15 : memref<624x16xf32, #tpu.memory_space<vmem_shared>>) target(%dma_start3A_13 : memref<624x16xf32, #tpu.memory_space<hbm>>) target_semaphore(%run_scoped3A : memref<!tpu.dma_semaphore, #tpu.memory_space<semaphore_mem>>)
      %dma_wait3A = arith.constant 0 : i32
      %dma_wait3A_16 = tpu.memref_slice %arg5[%arg0, %mul3A_9, %dma_wait3A] : memref<2x10000x16xf32, #tpu.memory_space<hbm>> -> memref<1x624x16xf32, #tpu.memory_space<hbm>>
      %dma_wait3A_17 = tpu.memref_squeeze %dma_wait3A_16 : memref<1x624x16xf32, #tpu.memory_space<hbm>> -> memref<624x16xf32, #tpu.memory_space<hbm>>
      %dma_wait3A_18 = arith.constant 0 : i32
      %dma_wait3A_19 = tpu.memref_slice %arg8[%mul3A_9, %dma_wait3A_18] : memref<10000x16xf32, #tpu.memory_space<vmem_shared>> -> memref<624x16xf32, #tpu.memory_space<vmem_shared>>
      tpu.wait_dma2 semaphore(%run_scoped3A : memref<!tpu.dma_semaphore, #tpu.memory_space<semaphore_mem>>) src(%dma_wait3A_19 : memref<624x16xf32, #tpu.memory_space<vmem_shared>>) dst(%dma_wait3A_17 : memref<624x16xf32, #tpu.memory_space<hbm>>)
      tpu.yield
    }) : () -> ()
    %eq3A = arith.constant 15 : i32
    %eq3A_10 = arith.cmpi eq, %arg1, %eq3A : i32
    %convert_element_type3A = arith.extui %eq3A_10 : i1 to i32
    %cond3A = arith.constant 0 : i32
    %cond3A_11 = arith.cmpi ne, %convert_element_type3A, %cond3A : i32
    scf.if %cond3A_11 {
      "tpu.region"() ({
        %run_scoped3A = tpu.sem_alloc : memref<!tpu.dma_semaphore, #tpu.memory_space<semaphore_mem>>
        %dma_start3A = arith.constant 9984 : i32
        %dma_start3A_12 = arith.constant 0 : i32
        %dma_start3A_13 = tpu.memref_slice %arg5[%arg0, %dma_start3A, %dma_start3A_12] : memref<2x10000x16xf32, #tpu.memory_space<hbm>> -> memref<1x16x16xf32, #tpu.memory_space<hbm>>
        %dma_start3A_14 = tpu.memref_squeeze %dma_start3A_13 : memref<1x16x16xf32, #tpu.memory_space<hbm>> -> memref<16x16xf32, #tpu.memory_space<hbm>>
        %dma_start3A_15 = arith.constant 9984 : i32
        %dma_start3A_16 = arith.constant 0 : i32
        %dma_start3A_17 = tpu.memref_slice %arg8[%dma_start3A_15, %dma_start3A_16] : memref<10000x16xf32, #tpu.memory_space<vmem_shared>> -> memref<16x16xf32, #tpu.memory_space<vmem_shared>>
        tpu.enqueue_dma source(%dma_start3A_17 : memref<16x16xf32, #tpu.memory_space<vmem_shared>>) target(%dma_start3A_14 : memref<16x16xf32, #tpu.memory_space<hbm>>) target_semaphore(%run_scoped3A : memref<!tpu.dma_semaphore, #tpu.memory_space<semaphore_mem>>)
        %dma_wait3A = arith.constant 9984 : i32
        %dma_wait3A_18 = arith.constant 0 : i32
        %dma_wait3A_19 = tpu.memref_slice %arg5[%arg0, %dma_wait3A, %dma_wait3A_18] : memref<2x10000x16xf32, #tpu.memory_space<hbm>> -> memref<1x16x16xf32, #tpu.memory_space<hbm>>
        %dma_wait3A_20 = tpu.memref_squeeze %dma_wait3A_19 : memref<1x16x16xf32, #tpu.memory_space<hbm>> -> memref<16x16xf32, #tpu.memory_space<hbm>>
        %dma_wait3A_21 = arith.constant 9984 : i32
        %dma_wait3A_22 = arith.constant 0 : i32
        %dma_wait3A_23 = tpu.memref_slice %arg8[%dma_wait3A_21, %dma_wait3A_22] : memref<10000x16xf32, #tpu.memory_space<vmem_shared>> -> memref<16x16xf32, #tpu.memory_space<vmem_shared>>
        tpu.wait_dma2 semaphore(%run_scoped3A : memref<!tpu.dma_semaphore, #tpu.memory_space<semaphore_mem>>) src(%dma_wait3A_23 : memref<16x16xf32, #tpu.memory_space<vmem_shared>>) dst(%dma_wait3A_20 : memref<16x16xf32, #tpu.memory_space<hbm>>)
        tpu.yield
      }) : () -> ()
    } else {
    }
    return
  }
}

module attributes {stable_mosaic.version = 14 : i64} {
  func.func @body(%arg0: i32, %arg1: memref<1000x128xf32, #tpu.memory_space<vmem>>, %arg2: memref<128x128xf32, #tpu.memory_space<vmem>>, %arg3: memref<2x1000x16xf32, #tpu.memory_space<vmem>>, %arg4: memref<1000x128xf32, #tpu.memory_space<vmem>>) attributes {dimension_semantics = [#tpu.dimension_semantics<arbitrary>], iteration_bounds = array<i64: 10>, scalar_prefetch = 0 : i64, scratch_operands = 0 : i64, tpu.core_type = #tpu.core_type<tc>, window_params = [{transform_indices = @transform_0, window_bounds = array<i64: 1000, 128>}, {pipeline_mode = #tpu.pipeline_mode<synchronous>, transform_indices = @transform_1, window_bounds = array<i64: 128, 128>}, {transform_indices = @transform_2, window_bounds = array<i64: 2, 1000, 16>}, {transform_indices = @transform_3, window_bounds = array<i64: 1000, 128>}]} {
    %get3A = arith.constant 0 : index
    %get3A_0 = arith.constant 0 : index
    %get3A_1 = vector.load %arg1[%get3A, %get3A_0] : memref<1000x128xf32, #tpu.memory_space<vmem>>, vector<1000x128xf32>
    %get3A_2 = arith.constant 0 : index
    %get3A_3 = arith.constant 0 : index
    %get3A_4 = vector.load %arg2[%get3A_2, %get3A_3] : memref<128x128xf32, #tpu.memory_space<vmem>>, vector<128x128xf32>
    %dot_general3A = arith.constant dense<0.000000e+00> : vector<1000x128xf32>
    %dot_general3A_5 = tpu.matmul %get3A_1, %get3A_4, %dot_general3A {dimension_numbers = #tpu.dot_dimension_numbers<[1], [0], [0], [1], [0, 0, 1, 1], [], []>, transpose_lhs_hint = false} : vector<1000x128xf32>, vector<128x128xf32>, vector<1000x128xf32> -> vector<1000x128xf32>
    %get3A_6 = arith.constant 0 : index
    %get3A_7 = arith.constant 0 : index
    %get3A_8 = arith.constant 0 : index
    %get3A_9 = vector.load %arg3[%get3A_6, %get3A_7, %get3A_8] : memref<2x1000x16xf32, #tpu.memory_space<vmem>>, vector<1x1000x1xf32>
    %get3A_10 = vector.shape_cast %get3A_9 : vector<1x1000x1xf32> to vector<1000x1xf32>
    %get3A_11 = arith.constant 1 : index
    %get3A_12 = arith.constant 0 : index
    %get3A_13 = arith.constant 0 : index
    %get3A_14 = vector.load %arg3[%get3A_11, %get3A_12, %get3A_13] : memref<2x1000x16xf32, #tpu.memory_space<vmem>>, vector<1x1000x1xf32>
    %get3A_15 = vector.shape_cast %get3A_14 : vector<1x1000x1xf32> to vector<1000x1xf32>
    %add3A = arith.addf %get3A_10, %get3A_15 : vector<1000x1xf32>
    %add3A_16 = arith.constant 1.000000e+00 : f32
    %add3A_17 = vector.broadcast %add3A_16 : f32 to vector<1000x1xf32>
    %add3A_18 = arith.addf %add3A, %add3A_17 : vector<1000x1xf32>
    %rsqrt3A = math.rsqrt %add3A_18 : vector<1000x1xf32>
    %mul3A = vector.broadcast %rsqrt3A : vector<1000x1xf32> to vector<1000x128xf32>
    %mul3A_19 = arith.mulf %dot_general3A_5, %mul3A : vector<1000x128xf32>
    %swap3A = arith.constant 0 : index
    %swap3A_20 = arith.constant 0 : index
    %swap3A_21 = vector.load %arg4[%swap3A, %swap3A_20] : memref<1000x128xf32, #tpu.memory_space<vmem>>, vector<1000x128xf32>
    tpu.vector_store %arg4[%swap3A, %swap3A_20], %mul3A_19 {strides = array<i32>} : memref<1000x128xf32, #tpu.memory_space<vmem>>, vector<1000x128xf32>,
    return
  }
  func.func @transform_0(%arg0: i32) -> (i32, i32) {
    %c0_i32 = arith.constant 0 : i32
    %c0_i32_0 = arith.constant 0 : i32
    return %arg0, %c0_i32 : i32, i32
  }
  func.func @transform_1(%arg0: i32) -> (i32, i32) {
    %c0_i32 = arith.constant 0 : i32
    %c0_i32_0 = arith.constant 0 : i32
    %c0_i32_1 = arith.constant 0 : i32
    return %c0_i32, %c0_i32_0 : i32, i32
  }
  func.func @transform_2(%arg0: i32) -> (i32, i32, i32) {
    %c0_i32 = arith.constant 0 : i32
    %c0_i32_0 = arith.constant 0 : i32
    %c0_i32_1 = arith.constant 0 : i32
    return %c0_i32, %arg0, %c0_i32_0 : i32, i32, i32
  }
  func.func @transform_3(%arg0: i32) -> (i32, i32) {
    %c0_i32 = arith.constant 0 : i32
    %c0_i32_0 = arith.constant 0 : i32
    return %arg0, %c0_i32 : i32, i32
  }
}

module attributes {stable_mosaic.version = 14 : i64} {
  func.func @body(%arg0: i32, %arg1: memref<2x1000x128xf32, #tpu.memory_space<vmem>>, %arg2: memref<1000x128xf32, #tpu.memory_space<vmem>>, %arg3: memref<2x1000x16xf32, #tpu.memory_space<vmem>>, %arg4: memref<1x128xf32, #tpu.memory_space<vmem>>, %arg5: memref<128x128xf32, #tpu.memory_space<vmem>>, %arg6: memref<1000x128xf32, #tpu.memory_space<vmem>>) attributes {dimension_semantics = [#tpu.dimension_semantics<arbitrary>], iteration_bounds = array<i64: 10>, scalar_prefetch = 0 : i64, scratch_operands = 0 : i64, tpu.core_type = #tpu.core_type<tc>, window_params = [{transform_indices = @transform_0, window_bounds = array<i64: 2, 1000, 128>}, {transform_indices = @transform_1, window_bounds = array<i64: 1000, 128>}, {transform_indices = @transform_2, window_bounds = array<i64: 2, 1000, 16>}, {pipeline_mode = #tpu.pipeline_mode<synchronous>, transform_indices = @transform_3, window_bounds = array<i64: 1, 128>}, {pipeline_mode = #tpu.pipeline_mode<synchronous>, transform_indices = @transform_4, window_bounds = array<i64: 128, 128>}, {transform_indices = @transform_5, window_bounds = array<i64: 1000, 128>}]} {
    %get3A = arith.constant 0 : index
    %get3A_0 = arith.constant 0 : index
    %get3A_1 = arith.constant 0 : index
    %get3A_2 = vector.load %arg3[%get3A, %get3A_0, %get3A_1] : memref<2x1000x16xf32, #tpu.memory_space<vmem>>, vector<1x1000x1xf32>
    %get3A_3 = vector.shape_cast %get3A_2 : vector<1x1000x1xf32> to vector<1000x1xf32>
    %get3A_4 = arith.constant 1 : index
    %get3A_5 = arith.constant 0 : index
    %get3A_6 = arith.constant 0 : index
    %get3A_7 = vector.load %arg3[%get3A_4, %get3A_5, %get3A_6] : memref<2x1000x16xf32, #tpu.memory_space<vmem>>, vector<1x1000x1xf32>
    %get3A_8 = vector.shape_cast %get3A_7 : vector<1x1000x1xf32> to vector<1000x1xf32>
    %add3A = arith.addf %get3A_3, %get3A_8 : vector<1000x1xf32>
    %add3A_9 = arith.constant 1.000000e+00 : f32
    %add3A_10 = vector.broadcast %add3A_9 : f32 to vector<1000x1xf32>
    %add3A_11 = arith.addf %add3A, %add3A_10 : vector<1000x1xf32>
    %rsqrt3A = math.rsqrt %add3A_11 : vector<1000x1xf32>
    %get3A_12 = arith.constant 0 : index
    %get3A_13 = arith.constant 0 : index
    %get3A_14 = arith.constant 0 : index
    %get3A_15 = vector.load %arg1[%get3A_12, %get3A_13, %get3A_14] : memref<2x1000x128xf32, #tpu.memory_space<vmem>>, vector<1x1000x128xf32>
    %get3A_16 = vector.shape_cast %get3A_15 : vector<1x1000x128xf32> to vector<1000x128xf32>
    %get3A_17 = arith.constant 1 : index
    %get3A_18 = arith.constant 0 : index
    %get3A_19 = arith.constant 0 : index
    %get3A_20 = vector.load %arg1[%get3A_17, %get3A_18, %get3A_19] : memref<2x1000x128xf32, #tpu.memory_space<vmem>>, vector<1x1000x128xf32>
    %get3A_21 = vector.shape_cast %get3A_20 : vector<1x1000x128xf32> to vector<1000x128xf32>
    %add3A_22 = arith.addf %get3A_16, %get3A_21 : vector<1000x128xf32>
    %get3A_23 = arith.constant 0 : index
    %get3A_24 = arith.constant 0 : index
    %get3A_25 = vector.load %arg2[%get3A_23, %get3A_24] : memref<1000x128xf32, #tpu.memory_space<vmem>>, vector<1000x128xf32>
    %add3A_26 = arith.addf %add3A_22, %get3A_25 : vector<1000x128xf32>
    %mul3A = vector.broadcast %rsqrt3A : vector<1000x1xf32> to vector<1000x128xf32>
    %mul3A_27 = arith.mulf %add3A_26, %mul3A : vector<1000x128xf32>
    %get3A_28 = arith.constant 0 : index
    %get3A_29 = arith.constant 0 : index
    %get3A_30 = vector.load %arg4[%get3A_28, %get3A_29] : memref<1x128xf32, #tpu.memory_space<vmem>>, vector<1x128xf32>
    %add3A_31 = vector.broadcast %get3A_30 : vector<1x128xf32> to vector<1000x128xf32>
    %add3A_32 = arith.addf %mul3A_27, %add3A_31 : vector<1000x128xf32>
    %max3A = arith.constant 0.000000e+00 : f32
    %max3A_33 = vector.broadcast %max3A : f32 to vector<1000x128xf32>
    %max3A_34 = arith.maximumf %add3A_32, %max3A_33 : vector<1000x128xf32>
    %get3A_35 = arith.constant 0 : index
    %get3A_36 = arith.constant 0 : index
    %get3A_37 = vector.load %arg5[%get3A_35, %get3A_36] : memref<128x128xf32, #tpu.memory_space<vmem>>, vector<128x128xf32>
    %dot_general3A = arith.constant dense<0.000000e+00> : vector<1000x128xf32>
    %dot_general3A_38 = tpu.matmul %max3A_34, %get3A_37, %dot_general3A {dimension_numbers = #tpu.dot_dimension_numbers<[1], [0], [0], [1], [0, 0, 1, 1], [], []>, transpose_lhs_hint = false} : vector<1000x128xf32>, vector<128x128xf32>, vector<1000x128xf32> -> vector<1000x128xf32>
    %mul3A_39 = vector.broadcast %rsqrt3A : vector<1000x1xf32> to vector<1000x128xf32>
    %mul3A_40 = arith.mulf %dot_general3A_38, %mul3A_39 : vector<1000x128xf32>
    %swap3A = arith.constant 0 : index
    %swap3A_41 = arith.constant 0 : index
    %swap3A_42 = vector.load %arg6[%swap3A, %swap3A_41] : memref<1000x128xf32, #tpu.memory_space<vmem>>, vector<1000x128xf32>
    tpu.vector_store %arg6[%swap3A, %swap3A_41], %mul3A_40 {strides = array<i32>} : memref<1000x128xf32, #tpu.memory_space<vmem>>, vector<1000x128xf32>,
    return
  }
  func.func @transform_0(%arg0: i32) -> (i32, i32, i32) {
    %c0_i32 = arith.constant 0 : i32
    %c0_i32_0 = arith.constant 0 : i32
    %c0_i32_1 = arith.constant 0 : i32
    return %c0_i32, %arg0, %c0_i32_0 : i32, i32, i32
  }
  func.func @transform_1(%arg0: i32) -> (i32, i32) {
    %c0_i32 = arith.constant 0 : i32
    %c0_i32_0 = arith.constant 0 : i32
    return %arg0, %c0_i32 : i32, i32
  }
  func.func @transform_2(%arg0: i32) -> (i32, i32, i32) {
    %c0_i32 = arith.constant 0 : i32
    %c0_i32_0 = arith.constant 0 : i32
    %c0_i32_1 = arith.constant 0 : i32
    return %c0_i32, %arg0, %c0_i32_0 : i32, i32, i32
  }
  func.func @transform_3(%arg0: i32) -> (i32, i32) {
    %c0_i32 = arith.constant 0 : i32
    %c0_i32_0 = arith.constant 0 : i32
    %c0_i32_1 = arith.constant 0 : i32
    return %c0_i32, %c0_i32_0 : i32, i32
  }
  func.func @transform_4(%arg0: i32) -> (i32, i32) {
    %c0_i32 = arith.constant 0 : i32
    %c0_i32_0 = arith.constant 0 : i32
    %c0_i32_1 = arith.constant 0 : i32
    return %c0_i32, %c0_i32_0 : i32, i32
  }
  func.func @transform_5(%arg0: i32) -> (i32, i32) {
    %c0_i32 = arith.constant 0 : i32
    %c0_i32_0 = arith.constant 0 : i32
    return %arg0, %c0_i32 : i32, i32
  }
}

module attributes {stable_mosaic.version = 14 : i64} {
  func.func @body(%arg0: i32, %arg1: memref<2x1000x128xf32, #tpu.memory_space<vmem>>, %arg2: memref<1000x128xf32, #tpu.memory_space<vmem>>, %arg3: memref<2x1000x16xf32, #tpu.memory_space<vmem>>, %arg4: memref<1000x1xi32, #tpu.memory_space<vmem>>, %arg5: memref<1x128xf32, #tpu.memory_space<vmem>>, %arg6: memref<1x128xf32, #tpu.memory_space<vmem>>, %arg7: memref<1x128xf32, #tpu.memory_space<vmem>>, %arg8: memref<1x128xf32, #tpu.memory_space<vmem>>, %arg9: memref<1x128xf32, #tpu.memory_space<vmem>>, %arg10: memref<128x64xf32, #tpu.memory_space<vmem>>, %arg11: memref<1x64xf32, #tpu.memory_space<vmem>>, %arg12: memref<64x64xf32, #tpu.memory_space<vmem>>, %arg13: memref<1x64xf32, #tpu.memory_space<vmem>>, %arg14: memref<64x2xf32, #tpu.memory_space<vmem>>, %arg15: memref<1x2xf32, #tpu.memory_space<vmem>>, %arg16: memref<128x2xf32, #tpu.memory_space<vmem>>, %arg17: memref<128x128xf32, #tpu.memory_space<vmem>>, %arg18: memref<128x128xf32, #tpu.memory_space<vmem>>, %arg19: memref<128x8xf32, #tpu.memory_space<vmem>>) attributes {dimension_semantics = [#tpu.dimension_semantics<arbitrary>], iteration_bounds = array<i64: 10>, scalar_prefetch = 0 : i64, scratch_operands = 2 : i64, tpu.core_type = #tpu.core_type<tc>, window_params = [{transform_indices = @transform_0, window_bounds = array<i64: 2, 1000, 128>}, {transform_indices = @transform_1, window_bounds = array<i64: 1000, 128>}, {transform_indices = @transform_2, window_bounds = array<i64: 2, 1000, 16>}, {transform_indices = @transform_3, window_bounds = array<i64: 1000, 1>}, {pipeline_mode = #tpu.pipeline_mode<synchronous>, transform_indices = @transform_4, window_bounds = array<i64: 1, 128>}, {pipeline_mode = #tpu.pipeline_mode<synchronous>, transform_indices = @transform_5, window_bounds = array<i64: 1, 128>}, {pipeline_mode = #tpu.pipeline_mode<synchronous>, transform_indices = @transform_6, window_bounds = array<i64: 1, 128>}, {pipeline_mode = #tpu.pipeline_mode<synchronous>, transform_indices = @transform_7, window_bounds = array<i64: 1, 128>}, {pipeline_mode = #tpu.pipeline_mode<synchronous>, transform_indices = @transform_8, window_bounds = array<i64: 1, 128>}, {pipeline_mode = #tpu.pipeline_mode<synchronous>, transform_indices = @transform_9, window_bounds = array<i64: 128, 64>}, {pipeline_mode = #tpu.pipeline_mode<synchronous>, transform_indices = @transform_10, window_bounds = array<i64: 1, 64>}, {pipeline_mode = #tpu.pipeline_mode<synchronous>, transform_indices = @transform_11, window_bounds = array<i64: 64, 64>}, {pipeline_mode = #tpu.pipeline_mode<synchronous>, transform_indices = @transform_12, window_bounds = array<i64: 1, 64>}, {pipeline_mode = #tpu.pipeline_mode<synchronous>, transform_indices = @transform_13, window_bounds = array<i64: 64, 2>}, {pipeline_mode = #tpu.pipeline_mode<synchronous>, transform_indices = @transform_14, window_bounds = array<i64: 1, 2>}, {pipeline_mode = #tpu.pipeline_mode<synchronous>, transform_indices = @transform_15, window_bounds = array<i64: 128, 2>}, {pipeline_mode = #tpu.pipeline_mode<synchronous>, transform_indices = @transform_16, window_bounds = array<i64: 128, 128>}]} {
    %eq3A = arith.constant 0 : i32
    %eq3A_0 = arith.cmpi eq, %arg0, %eq3A : i32
    %convert_element_type3A = arith.extui %eq3A_0 : i1 to i32
    %cond3A = arith.constant 0 : i32
    %cond3A_1 = arith.cmpi ne, %convert_element_type3A, %cond3A : i32
    scf.if %cond3A_1 {
      %broadcast_in_dim3A_80 = arith.constant 0.000000e+00 : f32
      %broadcast_in_dim3A_81 = vector.broadcast %broadcast_in_dim3A_80 : f32 to vector<128x128xf32>
      %swap3A_82 = arith.constant 0 : index
      %swap3A_83 = arith.constant 0 : index
      %swap3A_84 = vector.load %arg18[%swap3A_82, %swap3A_83] : memref<128x128xf32, #tpu.memory_space<vmem>>, vector<128x128xf32>
      tpu.vector_store %arg18[%swap3A_82, %swap3A_83], %broadcast_in_dim3A_81 {strides = array<i32>} : memref<128x128xf32, #tpu.memory_space<vmem>>, vector<128x128xf32>,
      %broadcast_in_dim3A_85 = arith.constant 0.000000e+00 : f32
      %broadcast_in_dim3A_86 = vector.broadcast %broadcast_in_dim3A_85 : f32 to vector<128x8xf32>
      %swap3A_87 = arith.constant 0 : index
      %swap3A_88 = arith.constant 0 : index
      %swap3A_89 = vector.load %arg19[%swap3A_87, %swap3A_88] : memref<128x8xf32, #tpu.memory_space<vmem>>, vector<128x8xf32>
      tpu.vector_store %arg19[%swap3A_87, %swap3A_88], %broadcast_in_dim3A_86 {strides = array<i32>} : memref<128x8xf32, #tpu.memory_space<vmem>>, vector<128x8xf32>,
    } else {
    }
    %get3A = arith.constant 0 : index
    %get3A_2 = arith.constant 0 : index
    %get3A_3 = arith.constant 0 : index
    %get3A_4 = vector.load %arg3[%get3A, %get3A_2, %get3A_3] : memref<2x1000x16xf32, #tpu.memory_space<vmem>>, vector<1x1000x1xf32>
    %get3A_5 = vector.shape_cast %get3A_4 : vector<1x1000x1xf32> to vector<1000x1xf32>
    %get3A_6 = arith.constant 1 : index
    %get3A_7 = arith.constant 0 : index
    %get3A_8 = arith.constant 0 : index
    %get3A_9 = vector.load %arg3[%get3A_6, %get3A_7, %get3A_8] : memref<2x1000x16xf32, #tpu.memory_space<vmem>>, vector<1x1000x1xf32>
    %get3A_10 = vector.shape_cast %get3A_9 : vector<1x1000x1xf32> to vector<1000x1xf32>
    %add3A = arith.addf %get3A_5, %get3A_10 : vector<1000x1xf32>
    %add3A_11 = arith.constant 1.000000e+00 : f32
    %add3A_12 = vector.broadcast %add3A_11 : f32 to vector<1000x1xf32>
    %add3A_13 = arith.addf %add3A, %add3A_12 : vector<1000x1xf32>
    %rsqrt3A = math.rsqrt %add3A_13 : vector<1000x1xf32>
    %get3A_14 = arith.constant 0 : index
    %get3A_15 = arith.constant 0 : index
    %get3A_16 = arith.constant 0 : index
    %get3A_17 = vector.load %arg1[%get3A_14, %get3A_15, %get3A_16] : memref<2x1000x128xf32, #tpu.memory_space<vmem>>, vector<1x1000x128xf32>
    %get3A_18 = vector.shape_cast %get3A_17 : vector<1x1000x128xf32> to vector<1000x128xf32>
    %get3A_19 = arith.constant 1 : index
    %get3A_20 = arith.constant 0 : index
    %get3A_21 = arith.constant 0 : index
    %get3A_22 = vector.load %arg1[%get3A_19, %get3A_20, %get3A_21] : memref<2x1000x128xf32, #tpu.memory_space<vmem>>, vector<1x1000x128xf32>
    %get3A_23 = vector.shape_cast %get3A_22 : vector<1x1000x128xf32> to vector<1000x128xf32>
    %add3A_24 = arith.addf %get3A_18, %get3A_23 : vector<1000x128xf32>
    %get3A_25 = arith.constant 0 : index
    %get3A_26 = arith.constant 0 : index
    %get3A_27 = vector.load %arg2[%get3A_25, %get3A_26] : memref<1000x128xf32, #tpu.memory_space<vmem>>, vector<1000x128xf32>
    %add3A_28 = arith.addf %add3A_24, %get3A_27 : vector<1000x128xf32>
    %mul3A = vector.broadcast %rsqrt3A : vector<1000x1xf32> to vector<1000x128xf32>
    %mul3A_29 = arith.mulf %add3A_28, %mul3A : vector<1000x128xf32>
    %get3A_30 = arith.constant 0 : index
    %get3A_31 = arith.constant 0 : index
    %get3A_32 = vector.load %arg5[%get3A_30, %get3A_31] : memref<1x128xf32, #tpu.memory_space<vmem>>, vector<1x128xf32>
    %add3A_33 = vector.broadcast %get3A_32 : vector<1x128xf32> to vector<1000x128xf32>
    %add3A_34 = arith.addf %mul3A_29, %add3A_33 : vector<1000x128xf32>
    %get3A_35 = arith.constant 0 : index
    %get3A_36 = arith.constant 0 : index
    %get3A_37 = vector.load %arg6[%get3A_35, %get3A_36] : memref<1x128xf32, #tpu.memory_space<vmem>>, vector<1x128xf32>
    %mul3A_38 = arith.constant 0.999994993 : f32
    %mul3A_39 = vector.broadcast %mul3A_38 : f32 to vector<1x128xf32>
    %mul3A_40 = arith.mulf %get3A_37, %mul3A_39 : vector<1x128xf32>
    %mul3A_41 = vector.broadcast %mul3A_40 : vector<1x128xf32> to vector<1000x128xf32>
    %mul3A_42 = arith.mulf %add3A_34, %mul3A_41 : vector<1000x128xf32>
    %get3A_43 = arith.constant 0 : index
    %get3A_44 = arith.constant 0 : index
    %get3A_45 = vector.load %arg7[%get3A_43, %get3A_44] : memref<1x128xf32, #tpu.memory_space<vmem>>, vector<1x128xf32>
    %add3A_46 = vector.broadcast %get3A_45 : vector<1x128xf32> to vector<1000x128xf32>
    %add3A_47 = arith.addf %mul3A_42, %add3A_46 : vector<1000x128xf32>
    %max3A = arith.constant 0.000000e+00 : f32
    %max3A_48 = vector.broadcast %max3A : f32 to vector<1000x128xf32>
    %max3A_49 = arith.maximumf %add3A_47, %max3A_48 : vector<1000x128xf32>
    %get3A_50 = arith.constant 0 : index
    %get3A_51 = arith.constant 0 : index
    %get3A_52 = vector.load %arg4[%get3A_50, %get3A_51] : memref<1000x1xi32, #tpu.memory_space<vmem>>, vector<1000x1xi32>
    %iota3A = tpu.iota {dimensions = array<i32: 1>} : vector<1x128xi32>
    %eq3A_53 = vector.broadcast %get3A_52 : vector<1000x1xi32> to vector<1000x128xi32>
    %eq3A_54 = vector.broadcast %iota3A : vector<1x128xi32> to vector<1000x128xi32>
    %eq3A_55 = arith.cmpi eq, %eq3A_53, %eq3A_54 : vector<1000x128xi32>
    %convert_element_type3A_56 = arith.extui %eq3A_55 : vector<1000x128xi1> to vector<1000x128xi32>
    %convert_element_type3A_57 = arith.sitofp %convert_element_type3A_56 : vector<1000x128xi32> to vector<1000x128xf32>
    %get3A_58 = arith.constant 0 : index
    %get3A_59 = arith.constant 0 : index
    %get3A_60 = vector.load %arg18[%get3A_58, %get3A_59] : memref<128x128xf32, #tpu.memory_space<vmem>>, vector<128x128xf32>
    %dot_general3A = arith.constant dense<0.000000e+00> : vector<128x128xf32>
    %dot_general3A_61 = tpu.matmul %convert_element_type3A_57, %max3A_49, %dot_general3A {dimension_numbers = #tpu.dot_dimension_numbers<[0], [0], [1], [1], [0, 1, 1, 1], [], []>, transpose_lhs_hint = false} : vector<1000x128xf32>, vector<1000x128xf32>, vector<128x128xf32> -> vector<128x128xf32>
    %add3A_62 = arith.addf %get3A_60, %dot_general3A_61 : vector<128x128xf32>
    %swap3A = arith.constant 0 : index
    %swap3A_63 = arith.constant 0 : index
    %swap3A_64 = vector.load %arg18[%swap3A, %swap3A_63] : memref<128x128xf32, #tpu.memory_space<vmem>>, vector<128x128xf32>
    tpu.vector_store %arg18[%swap3A, %swap3A_63], %add3A_62 {strides = array<i32>} : memref<128x128xf32, #tpu.memory_space<vmem>>, vector<128x128xf32>,
    %get3A_65 = arith.constant 0 : index
    %get3A_66 = arith.constant 0 : index
    %get3A_67 = vector.load %arg19[%get3A_65, %get3A_66] : memref<128x8xf32, #tpu.memory_space<vmem>>, vector<128x8xf32>
    %broadcast_in_dim3A = arith.constant 1.000000e+00 : f32
    %broadcast_in_dim3A_68 = vector.broadcast %broadcast_in_dim3A : f32 to vector<1000x8xf32>
    %dot_general3A_69 = arith.constant dense<0.000000e+00> : vector<128x8xf32>
    %dot_general3A_70 = tpu.matmul %convert_element_type3A_57, %broadcast_in_dim3A_68, %dot_general3A_69 {dimension_numbers = #tpu.dot_dimension_numbers<[0], [0], [1], [1], [0, 1, 1, 1], [], []>, transpose_lhs_hint = false} : vector<1000x128xf32>, vector<1000x8xf32>, vector<128x8xf32> -> vector<128x8xf32>
    %add3A_71 = arith.addf %get3A_67, %dot_general3A_70 : vector<128x8xf32>
    %swap3A_72 = arith.constant 0 : index
    %swap3A_73 = arith.constant 0 : index
    %swap3A_74 = vector.load %arg19[%swap3A_72, %swap3A_73] : memref<128x8xf32, #tpu.memory_space<vmem>>, vector<128x8xf32>
    tpu.vector_store %arg19[%swap3A_72, %swap3A_73], %add3A_71 {strides = array<i32>} : memref<128x8xf32, #tpu.memory_space<vmem>>, vector<128x8xf32>,
    %eq3A_75 = arith.constant 9 : i32
    %eq3A_76 = arith.cmpi eq, %arg0, %eq3A_75 : i32
    %convert_element_type3A_77 = arith.extui %eq3A_76 : i1 to i32
    %cond3A_78 = arith.constant 0 : i32
    %cond3A_79 = arith.cmpi ne, %convert_element_type3A_77, %cond3A_78 : i32
    scf.if %cond3A_79 {
      %get3A_80 = arith.constant 0 : index
      %get3A_81 = arith.constant 0 : index
      %get3A_82 = vector.load %arg18[%get3A_80, %get3A_81] : memref<128x128xf32, #tpu.memory_space<vmem>>, vector<128x128xf32>
      %get3A_83 = arith.constant 0 : index
      %get3A_84 = arith.constant 0 : index
      %get3A_85 = vector.load %arg19[%get3A_83, %get3A_84] : memref<128x8xf32, #tpu.memory_space<vmem>>, vector<128x1xf32>
      %max3A_86 = arith.constant 1.000000e+00 : f32
      %max3A_87 = vector.broadcast %max3A_86 : f32 to vector<128x1xf32>
      %max3A_88 = arith.maximumf %get3A_85, %max3A_87 : vector<128x1xf32>
      %div3A = vector.broadcast %max3A_88 : vector<128x1xf32> to vector<128x128xf32>
      %div3A_89 = arith.divf %get3A_82, %div3A : vector<128x128xf32>
      %get3A_90 = arith.constant 0 : index
      %get3A_91 = arith.constant 0 : index
      %get3A_92 = vector.load %arg8[%get3A_90, %get3A_91] : memref<1x128xf32, #tpu.memory_space<vmem>>, vector<1x128xf32>
      %mul3A_93 = arith.constant 0.999994993 : f32
      %mul3A_94 = vector.broadcast %mul3A_93 : f32 to vector<1x128xf32>
      %mul3A_95 = arith.mulf %get3A_92, %mul3A_94 : vector<1x128xf32>
      %mul3A_96 = vector.broadcast %mul3A_95 : vector<1x128xf32> to vector<128x128xf32>
      %mul3A_97 = arith.mulf %div3A_89, %mul3A_96 : vector<128x128xf32>
      %get3A_98 = arith.constant 0 : index
      %get3A_99 = arith.constant 0 : index
      %get3A_100 = vector.load %arg9[%get3A_98, %get3A_99] : memref<1x128xf32, #tpu.memory_space<vmem>>, vector<1x128xf32>
      %add3A_101 = vector.broadcast %get3A_100 : vector<1x128xf32> to vector<128x128xf32>
      %add3A_102 = arith.addf %mul3A_97, %add3A_101 : vector<128x128xf32>
      %get3A_103 = arith.constant 0 : index
      %get3A_104 = arith.constant 0 : index
      %get3A_105 = vector.load %arg10[%get3A_103, %get3A_104] : memref<128x64xf32, #tpu.memory_space<vmem>>, vector<128x64xf32>
      %dot_general3A_106 = arith.constant dense<0.000000e+00> : vector<128x64xf32>
      %dot_general3A_107 = tpu.matmul %add3A_102, %get3A_105, %dot_general3A_106 {dimension_numbers = #tpu.dot_dimension_numbers<[1], [0], [0], [1], [0, 0, 1, 1], [], []>, transpose_lhs_hint = false} : vector<128x128xf32>, vector<128x64xf32>, vector<128x64xf32> -> vector<128x64xf32>
      %get3A_108 = arith.constant 0 : index
      %get3A_109 = arith.constant 0 : index
      %get3A_110 = vector.load %arg11[%get3A_108, %get3A_109] : memref<1x64xf32, #tpu.memory_space<vmem>>, vector<1x64xf32>
      %add3A_111 = vector.broadcast %get3A_110 : vector<1x64xf32> to vector<128x64xf32>
      %add3A_112 = arith.addf %dot_general3A_107, %add3A_111 : vector<128x64xf32>
      %max3A_113 = arith.constant 0.000000e+00 : f32
      %max3A_114 = vector.broadcast %max3A_113 : f32 to vector<128x64xf32>
      %max3A_115 = arith.maximumf %add3A_112, %max3A_114 : vector<128x64xf32>
      %get3A_116 = arith.constant 0 : index
      %get3A_117 = arith.constant 0 : index
      %get3A_118 = vector.load %arg12[%get3A_116, %get3A_117] : memref<64x64xf32, #tpu.memory_space<vmem>>, vector<64x64xf32>
      %dot_general3A_119 = arith.constant dense<0.000000e+00> : vector<128x64xf32>
      %dot_general3A_120 = tpu.matmul %max3A_115, %get3A_118, %dot_general3A_119 {dimension_numbers = #tpu.dot_dimension_numbers<[1], [0], [0], [1], [0, 0, 1, 1], [], []>, transpose_lhs_hint = false} : vector<128x64xf32>, vector<64x64xf32>, vector<128x64xf32> -> vector<128x64xf32>
      %get3A_121 = arith.constant 0 : index
      %get3A_122 = arith.constant 0 : index
      %get3A_123 = vector.load %arg13[%get3A_121, %get3A_122] : memref<1x64xf32, #tpu.memory_space<vmem>>, vector<1x64xf32>
      %add3A_124 = vector.broadcast %get3A_123 : vector<1x64xf32> to vector<128x64xf32>
      %add3A_125 = arith.addf %dot_general3A_120, %add3A_124 : vector<128x64xf32>
      %max3A_126 = arith.constant 0.000000e+00 : f32
      %max3A_127 = vector.broadcast %max3A_126 : f32 to vector<128x64xf32>
      %max3A_128 = arith.maximumf %add3A_125, %max3A_127 : vector<128x64xf32>
      %get3A_129 = arith.constant 0 : index
      %get3A_130 = arith.constant 0 : index
      %get3A_131 = vector.load %arg14[%get3A_129, %get3A_130] : memref<64x2xf32, #tpu.memory_space<vmem>>, vector<64x2xf32>
      %dot_general3A_132 = arith.constant dense<0.000000e+00> : vector<128x2xf32>
      %dot_general3A_133 = tpu.matmul %max3A_128, %get3A_131, %dot_general3A_132 {dimension_numbers = #tpu.dot_dimension_numbers<[1], [0], [0], [1], [0, 0, 1, 1], [], []>, transpose_lhs_hint = false} : vector<128x64xf32>, vector<64x2xf32>, vector<128x2xf32> -> vector<128x2xf32>
      %get3A_134 = arith.constant 0 : index
      %get3A_135 = arith.constant 0 : index
      %get3A_136 = vector.load %arg15[%get3A_134, %get3A_135] : memref<1x2xf32, #tpu.memory_space<vmem>>, vector<1x2xf32>
      %add3A_137 = vector.broadcast %get3A_136 : vector<1x2xf32> to vector<128x2xf32>
      %add3A_138 = arith.addf %dot_general3A_133, %add3A_137 : vector<128x2xf32>
      %max3A_139 = arith.constant 0.000000e+00 : f32
      %max3A_140 = vector.broadcast %max3A_139 : f32 to vector<128x2xf32>
      %max3A_141 = arith.maximumf %add3A_138, %max3A_140 : vector<128x2xf32>
      %reduce_max3A = arith.constant dense<0xFF800000> : vector<128xf32>
      %reduce_max3A_142 = vector.multi_reduction <maximumf>, %max3A_141, %reduce_max3A [1] : vector<128x2xf32> to vector<128xf32>
      %broadcast_in_dim3A_143 = vector.shape_cast %reduce_max3A_142 : vector<128xf32> to vector<128x1xf32>
      %sub3A = vector.broadcast %broadcast_in_dim3A_143 : vector<128x1xf32> to vector<128x2xf32>
      %sub3A_144 = arith.subf %max3A_141, %sub3A : vector<128x2xf32>
      %exp3A = math.exp %sub3A_144 : vector<128x2xf32>
      %reduce_sum3A = arith.constant dense<0.000000e+00> : vector<128xf32>
      %reduce_sum3A_145 = vector.multi_reduction <add>, %exp3A, %reduce_sum3A [1] : vector<128x2xf32> to vector<128xf32>
      %broadcast_in_dim3A_146 = vector.shape_cast %reduce_sum3A_145 : vector<128xf32> to vector<128x1xf32>
      %div3A_147 = vector.broadcast %broadcast_in_dim3A_146 : vector<128x1xf32> to vector<128x2xf32>
      %div3A_148 = arith.divf %exp3A, %div3A_147 : vector<128x2xf32>
      %swap3A_149 = arith.constant 0 : index
      %swap3A_150 = arith.constant 0 : index
      %swap3A_151 = vector.load %arg16[%swap3A_149, %swap3A_150] : memref<128x2xf32, #tpu.memory_space<vmem>>, vector<128x2xf32>
      tpu.vector_store %arg16[%swap3A_149, %swap3A_150], %div3A_148 {strides = array<i32>} : memref<128x2xf32, #tpu.memory_space<vmem>>, vector<128x2xf32>,
      %swap3A_152 = arith.constant 0 : index
      %swap3A_153 = arith.constant 0 : index
      %swap3A_154 = vector.load %arg17[%swap3A_152, %swap3A_153] : memref<128x128xf32, #tpu.memory_space<vmem>>, vector<128x128xf32>
      tpu.vector_store %arg17[%swap3A_152, %swap3A_153], %div3A_89 {strides = array<i32>} : memref<128x128xf32, #tpu.memory_space<vmem>>, vector<128x128xf32>,
    } else {
    }
    return
  }
  func.func @transform_0(%arg0: i32) -> (i32, i32, i32) {
    %c0_i32 = arith.constant 0 : i32
    %c0_i32_0 = arith.constant 0 : i32
    %c0_i32_1 = arith.constant 0 : i32
    return %c0_i32, %arg0, %c0_i32_0 : i32, i32, i32
  }
  func.func @transform_1(%arg0: i32) -> (i32, i32) {
    %c0_i32 = arith.constant 0 : i32
    %c0_i32_0 = arith.constant 0 : i32
    return %arg0, %c0_i32 : i32, i32
  }
  func.func @transform_2(%arg0: i32) -> (i32, i32, i32) {
    %c0_i32 = arith.constant 0 : i32
    %c0_i32_0 = arith.constant 0 : i32
    %c0_i32_1 = arith.constant 0 : i32
    return %c0_i32, %arg0, %c0_i32_0 : i32, i32, i32
  }
  func.func @transform_3(%arg0: i32) -> (i32, i32) {
    %c0_i32 = arith.constant 0 : i32
    %c0_i32_0 = arith.constant 0 : i32
    return %arg0, %c0_i32 : i32, i32
  }
  func.func @transform_4(%arg0: i32) -> (i32, i32) {
    %c0_i32 = arith.constant 0 : i32
    %c0_i32_0 = arith.constant 0 : i32
    %c0_i32_1 = arith.constant 0 : i32
    return %c0_i32, %c0_i32_0 : i32, i32
  }
  func.func @transform_5(%arg0: i32) -> (i32, i32) {
    %c0_i32 = arith.constant 0 : i32
    %c0_i32_0 = arith.constant 0 : i32
    %c0_i32_1 = arith.constant 0 : i32
    return %c0_i32, %c0_i32_0 : i32, i32
  }
  func.func @transform_6(%arg0: i32) -> (i32, i32) {
    %c0_i32 = arith.constant 0 : i32
    %c0_i32_0 = arith.constant 0 : i32
    %c0_i32_1 = arith.constant 0 : i32
    return %c0_i32, %c0_i32_0 : i32, i32
  }
  func.func @transform_7(%arg0: i32) -> (i32, i32) {
    %c0_i32 = arith.constant 0 : i32
    %c0_i32_0 = arith.constant 0 : i32
    %c0_i32_1 = arith.constant 0 : i32
    return %c0_i32, %c0_i32_0 : i32, i32
  }
  func.func @transform_8(%arg0: i32) -> (i32, i32) {
    %c0_i32 = arith.constant 0 : i32
    %c0_i32_0 = arith.constant 0 : i32
    %c0_i32_1 = arith.constant 0 : i32
    return %c0_i32, %c0_i32_0 : i32, i32
  }
  func.func @transform_9(%arg0: i32) -> (i32, i32) {
    %c0_i32 = arith.constant 0 : i32
    %c0_i32_0 = arith.constant 0 : i32
    %c0_i32_1 = arith.constant 0 : i32
    return %c0_i32, %c0_i32_0 : i32, i32
  }
  func.func @transform_10(%arg0: i32) -> (i32, i32) {
    %c0_i32 = arith.constant 0 : i32
    %c0_i32_0 = arith.constant 0 : i32
    %c0_i32_1 = arith.constant 0 : i32
    return %c0_i32, %c0_i32_0 : i32, i32
  }
  func.func @transform_11(%arg0: i32) -> (i32, i32) {
    %c0_i32 = arith.constant 0 : i32
    %c0_i32_0 = arith.constant 0 : i32
    %c0_i32_1 = arith.constant 0 : i32
    return %c0_i32, %c0_i32_0 : i32, i32
  }
  func.func @transform_12(%arg0: i32) -> (i32, i32) {
    %c0_i32 = arith.constant 0 : i32
    %c0_i32_0 = arith.constant 0 : i32
    %c0_i32_1 = arith.constant 0 : i32
    return %c0_i32, %c0_i32_0 : i32, i32
  }
  func.func @transform_13(%arg0: i32) -> (i32, i32) {
    %c0_i32 = arith.constant 0 : i32
    %c0_i32_0 = arith.constant 0 : i32
    %c0_i32_1 = arith.constant 0 : i32
    return %c0_i32, %c0_i32_0 : i32, i32
  }
  func.func @transform_14(%arg0: i32) -> (i32, i32) {
    %c0_i32 = arith.constant 0 : i32
    %c0_i32_0 = arith.constant 0 : i32
    %c0_i32_1 = arith.constant 0 : i32
    return %c0_i32, %c0_i32_0 : i32, i32
  }
  func.func @transform_15(%arg0: i32) -> (i32, i32) {
    %c0_i32 = arith.constant 0 : i32
    %c0_i32_0 = arith.constant 0 : i32
    %c0_i32_1 = arith.constant 0 : i32
    return %c0_i32, %c0_i32_0 : i32, i32
  }
  func.func @transform_16(%arg0: i32) -> (i32, i32) {
    %c0_i32 = arith.constant 0 : i32
    %c0_i32_0 = arith.constant 0 : i32
    %c0_i32_1 = arith.constant 0 : i32
    return %c0_i32, %c0_i32_0 : i32, i32
  }
}

</mosaic_0001>

<sc_bundles>
// kernel: kernel.11.cloned.1.call-start
scs
__scs_entry_jumppad:
0x0: {  	(pc) =	sbr.rel $0x88, $3  }
0x1: {  	(tag) =	ssettag $0x0;
	lr =	simm.s32 $0x1  }
0x2: {  	[smem:$0x3F90] =	sst lr;
	_ =	strace $0xD0000000  }
0x3: {  	_ = 	snop  }
0x4: {  	_ = 	snop  }
0x5: {  	_ = 	snop  }
0x6: {  	_ = 	snop  }
0x7: {  	_ = 	snop  }
__scs_overlays_trampoline_lowered:
0x8: {  	[smem:$0x3F9F] =	sst s0  }
0x9: {  	[smem:$0x3FA0] =	sst s1  }
0xa: {  	[smem:$0x3FA1] =	sst s2  }
0xb: {  	[smem:$0x3FA2] =	sst s3  }
0xc: {  	[smem:$0x3FA3] =	sst s4  }
0xd: {  	[smem:$0x3FA4] =	sst s5  }
0xe: {  	[smem:$0x3FA5] =	sst s6  }
0xf: {  	[smem:$0x3FA6] =	sst s7  }
0x10: {  	[smem:$0x3FA7] =	sst s8  }
0x11: {  	[smem:$0x3FA8] =	sst s9;
	s0 =	simm.s32 @!p0 $0x0  }
0x12: {  	s1 =	sld [smem:$0x3F8E];
	s0 =	simm.s32 @p0 $0x1  }
0x13: {  	[smem:$0x3FA9] =	sst s0;
	s0 =	simm.s32 @!p1 $0x0  }
0x14: {  	s2 =	sld [smem:$0x3F8D];
	s0 =	simm.s32 @p1 $0x1  }
0x15: {  	[smem:$0x3FAA] =	sst s0;
	s0 =	simm.s32 @!p2 $0x0  }
0x16: {  	s3 =	sld [smem:$0x3FDB];
	s0 =	simm.s32 @p2 $0x1  }
0x17: {  	s4 =	simm.s32 $0x1BF5;
	[smem:$0x3FAC] =	sst s0  }
0x18: {  	s0 =	sld [smem:$0x3F8F];
	_ =	swait.ge [sflag:s4], $0x0  }
0x19: {  	s7 =	sld [smem:$0x3F90]  }
0x1a: {  	s8 =	sadd.s32 $0xFFFFE003, lr  }
0x1b: {  	s9 =	sadd.s32 $0xFFFFFEF7, lr;
	s5 =	simm.s32 $0xFFFFFFFF;
	p2 =	slt.u32 s8, $0xFFFFF086  }
0x1c: {  	p1 =	slt.u32 s9, $0xF7A;
	s5 =	simm.s32 @!p2 $0x0  }
0x1d: {  	s5 =	simm.s32 @p1 $0x1;
	p0 =	seq.s32 s7, s2  }
0x1e: {  	s7 =	smul.u32 @!p0 $0xF7A, s2;
	p2 =	seq.s32 @!p0 s5, $0x0  }
0x1f: {  	s9 =	smul.u32 $0xF7A, s1;
	s8 =	simm.s32 @!p0 $0x1BF5;
	p2 =	por !p2, p0  }
0x20: {  	[sflag:s8] =	ssyncset.s32 @!p0 $0xFFFFF086;
	s6 =	sadd.s32 @!p0 s3, s7;
	s7 =	simm.s32 @!p0 $0x108  }
0x21: {  	s3 =	sadd.s32 s3, s9;
	s6 =	sadd.s32 @!p0 $0x88, s6;
	s7 =	simm.s32 @p2 $0x1082  }
0x22: {  	[simem:s7], [sflag:s8] =	dma.local @!p0 [hbm:s6], $0xF7A  }
0x23: {  	s9 =	sor.u32 $0xD0000000, s2;
	s6 =	simm.s32 $0x108;
	_ =	swait.ge @!p0 [sflag:s8], $0x0  }
0x24: {  	s3 =	sadd.s32 $0x88, s3;
	s6 =	simm.s32 @!p1 $0x1082;
	[sflag:s4] =	ssyncset.s32 $0xFFFFF086  }
0x25: {  	[simem:s6], [sflag:s4] =	dma.local [hbm:s3], $0xF7A  }
0x26: {  	[smem:$0x3F90] =	sst s1;
	(tag) =	ssettag s2;
	_ =	strace s9  }
0x27: {  	s1 =	sld [smem:$0x3FA0]  }
0x28: {  	s2 =	sld [smem:$0x3FA1]  }
0x29: {  	s4 =	sld [smem:$0x3FA3]  }
0x2a: {  	p0 =	seq.s32 s5, $0x0;
	s5 =	sld [smem:$0x3FA4]  }
0x2b: {  	s6 =	sld [smem:$0x3FA5]  }
0x2c: {  	s7 =	sld [smem:$0x3FA6]  }
0x2d: {  	s3 =	simm.s32 $0x108;
	s8 =	sld [smem:$0x3FA7]  }
0x2e: {  	s3 =	simm.s32 @!p0 $0x1082;
	s9 =	sld [smem:$0x3FA8]  }
0x2f: {  	lr =	sadd.s32 s0, s3;
	s0 =	sld [smem:$0x3F9F]  }
0x30: {  	s3 =	sld [smem:$0x3FA2]  }
0x31: {  	[smem:$0x3FAB] =	sst s10  }
0x32: {  	s10 =	sld [smem:$0x3FA9];
	_ =	sdelay $0x3  }
0x33: {  	p0 =	seq.s32 s10, $0x1;
	s10 =	sld [smem:$0x3FAB];
	_ =	sdelay $0x3  }
0x34: {  	[smem:$0x3FAB] =	sst s10  }
0x35: {  	s10 =	sld [smem:$0x3FAA];
	_ =	sdelay $0x3  }
0x36: {  	p1 =	seq.s32 s10, $0x1;
	s10 =	sld [smem:$0x3FAB];
	_ =	sdelay $0x3  }
0x37: {  	[smem:$0x3FAB] =	sst s10  }
0x38: {  	s10 =	sld [smem:$0x3FAC]  }
0x39: {  	_ = 	snop;
	(pc) =	sbr.ind lr, $3  }
0x3a: {  	_ = 	snop  }
0x3b: {  	_ = 	snop  }
0x3c: {  	p2 =	seq.s32 s10, $0x1;
	s10 =	sld [smem:$0x3FAB]  }
0x3d: {  	_ =	shalt  }
0x3e: {  	_ =	shalt  }
0x3f: {  	_ =	shalt  }
0x40: {  	_ =	shalt  }
0x41: {  	_ =	shalt  }
0x42: {  	_ =	shalt  }
0x43: {  	_ =	shalt  }
0x44: {  	_ =	shalt  }
0x45: {  	_ =	shalt  }
0x46: {  	_ =	shalt  }
0x47: {  	_ =	shalt  }
0x48: {  	_ =	shalt  }
0x49: {  	_ =	shalt  }
0x4a: {  	_ =	shalt  }
0x4b: {  	_ =	shalt  }
0x4c: {  	_ =	shalt  }
0x4d: {  	_ =	shalt  }
0x4e: {  	_ =	shalt  }
0x4f: {  	_ =	shalt  }
0x50: {  	_ =	shalt  }
0x51: {  	_ =	shalt  }
0x52: {  	_ =	shalt  }
0x53: {  	_ =	shalt  }
0x54: {  	_ =	shalt  }
0x55: {  	_ =	shalt  }
0x56: {  	_ =	shalt  }
0x57: {  	_ =	shalt  }
0x58: {  	_ =	shalt  }
0x59: {  	_ =	shalt  }
0x5a: {  	_ =	shalt  }
0x5b: {  	_ =	shalt  }
0x5c: {  	_ =	shalt  }
0x5d: {  	_ =	shalt  }
0x5e: {  	_ =	shalt  }
0x5f: {  	_ =	shalt  }
0x60: {  	_ =	shalt  }
0x61: {  	_ =	shalt  }
0x62: {  	_ =	shalt  }
0x63: {  	_ =	shalt  }
0x64: {  	_ =	shalt  }
0x65: {  	_ =	shalt  }
0x66: {  	_ =	shalt  }
0x67: {  	_ =	shalt  }
0x68: {  	_ =	shalt  }
0x69: {  	_ =	shalt  }
0x6a: {  	_ =	shalt  }
0x6b: {  	_ =	shalt  }
0x6c: {  	_ =	shalt  }
0x6d: {  	_ =	shalt  }
0x6e: {  	_ =	shalt  }
0x6f: {  	_ =	shalt  }
0x70: {  	_ =	shalt  }
0x71: {  	_ =	shalt  }
0x72: {  	_ =	shalt  }
0x73: {  	_ =	shalt  }
0x74: {  	_ =	shalt  }
0x75: {  	_ =	shalt  }
0x76: {  	_ =	shalt  }
0x77: {  	_ =	shalt  }
0x78: {  	_ =	shalt  }
0x79: {  	_ =	shalt  }
0x7a: {  	_ =	shalt  }
0x7b: {  	_ =	shalt  }
0x7c: {  	_ =	shalt  }
0x7d: {  	_ =	shalt  }
0x7e: {  	_ =	shalt  }
0x7f: {  	_ =	shalt  }
0x80: {  	_ =	shalt  }
0x81: {  	_ =	shalt  }
0x82: {  	_ =	shalt  }
0x83: {  	_ =	shalt  }
0x84: {  	_ =	shalt  }
0x85: {  	_ =	shalt  }
0x86: {  	_ =	shalt  }
0x87: {  	_ =	shalt  }
.Lfunc_end0:
.L_simem_size_0:
called_computation.1_lowered:
.L_overlay_start_0:
0x88: {  	s2 =	sld [smem:$0x3FD9]  }
0x89: {  	s3 =	sld [smem:$0x3FFE];
	_ =	sdelay $0x1  }
0x8a: {  	s1 =	srdreg.scid  }
0x8b: {  	s0 =	sand.u32 $0x1, s1  }
0x8c: {  	s16 =	sshll.u32 s0, $0xA;
	s2 =	sadd.s32 s3, s2  }
0x8d: {  	s2 =	sadd.s32 s2, s16  }
0x8e: {  	[smem:$0x3FB7] =	sst s2  }
0x8f: {  	_ = 	snop  }
0x90: {  	(tm) =	ssettm $0x1  }
0x91: {  	s17 =	sld [smem:$0x3FFB];
	_ =	sdelay $0x3  }
0x92: {  	_ =	strace s17  }
0x93: {  	s2 =	sld [smem:$0x3FFC];
	_ =	sdelay $0x3  }
0x94: {  	_ =	strace s2  }
0x95: {  	s2 =	sld [smem:$0x3FFD];
	_ =	sdelay $0x3  }
0x96: {  	_ =	strace s2  }
0x97: {  	_ =	strace $0x8FFFFFFF  }
0x98: {  	s18 =	sld [smem:$0x3FDB];
	_ =	sdelay $0x1  }
0x99: {  	s19 =	simm.s32 $_scs_section_size  }
0x9a: {  	s4 =	simm.s32 $_size__tile_overlayer_lowered;
	s5 =	simm.s32 $_tile_overlayer_lowered  }
0x9b: {  	s22 =	simm.s32 $0x1BFF;
	s21 =	sshll.u32 s5, $0x1;
	s2 =	sadd.s32 s19, s18  }
0x9c: {  	s6 =	simm.s32 $0x0;
	s20 =	sshll.u32 s4, $0x1;
	s4 =	sadd.s32 s21, s2  }
0x9d: {  	[timem:s6], [sflag:s22] =	dma.local [hbm:s4], s20  }
0x9e: {  	_ =	swait.ge [sflag:s22], s20  }
0x9f: {  	s3 =	ssub.s32 $0x0, s20;
	[sflag:s22] =	ssyncset.done $0x0  }
0xa0: {  	[sflag:s22] =	ssyncadd.s32 s3;
	_ =	sdelay $0x1  }
0xa1: {  	s23 =	simm.s32 $0x1B8B  }
0xa2: {  	_ =	swait.ge [sflag:s23], $0x1  }
0xa3: {  	[sflag:s23] =	ssyncset.done $0x0  }
0xa4: {  	s25 =	simm.s32 $0x1B8E;
	s24 =	sld [smem:$0x3FFE];
	[sflag:s23] =	ssyncadd.s32 $0xFFFFFFFF  }
0xa5: {  	s26 =	simm.s32 $execute0_lowered;
	[smem:$0x3FD2] =	sst s25  }
0xa6: {  	s4 =	sshll.u32 s26, $0x1;
	_ =	strace $0x80000049;
	[dreg:$0x1] =	wrdreg $0xFFFFFFFF  }
0xa7: {  	s28 =	simm.s32 $_size_execute0_lowered;
	s2 =	sadd.s32 s2, s4;
	[dreg:$0x0] =	wrdreg $0x0  }
0xa8: {  	s4 =	sshll.u32 s28, $0x1;
	[dreg:$0x2] =	wrdreg s2  }
0xa9: {  	[dreg:$0x3] =	wrdreg s4  }
0xaa: {  	[dreg:$0x4] =	wrdreg $0xC0  }
0xab: {  	_ =	task [dreg:s6], $0x5FFFF  }
0xac: {  	[dreg:$0x1] =	wrdreg $0xFFFFFFFF  }
0xad: {  	[dreg:$0x0] =	wrdreg $0x60  }
0xae: {  	[dreg:$0x2] =	wrdreg s24  }
0xaf: {  	[dreg:$0x3] =	wrdreg $0x92000  }
0xb0: {  	[dreg:$0x4] =	wrdreg $0x9  }
0xb1: {  	_ =	task.clear_ibuf [dreg:s6], $0x5FFFF;
	_ =	strace $0x90000049  }
0xb2: {  	s29 =	simm.s32 $0x9;
	_ =	strace $0x8000004B  }
0xb3: {  	_ =	swait.ge [sflag:s29], $0x1  }
0xb4: {  	[sflag:s29] =	ssyncadd.s32 $0xFFFFFFFF  }
0xb5: {  	_ =	strace $0x9000004B  }
0xb6: {  	_ =	sfence  }
0xb7: {  	s30 =	sld [smem:$0x0];
	_ =	sdelay $0x2  }
0xb8: {  	s31 =	sshll.u32 s1, $0xD;
	s1 =	sshrl.u32 s1, $0x2  }
0xb9: {  	s3 =	sand.u32 $0x4000, s31;
	s1 =	sadd.s32 s1, s30  }
0xba: {  	s0 =	sor.u32 s3, s0;
	s1 =	sshll.u32 s1, $0x11  }
0xbb: {  	s0 =	sor.u32 s1, s0  }
0xbc: {  	s0 =	sadd.s32 $0x8F2B, s0  }
0xbd: {  	[sflag:s0] =	ssyncadd.remote.s32 $0x1  }
0xbe: {  	_ =	sfence.sel $0xFFFF  }
0xbf: {  	[dreg:$0x0] =	wrdreg $0xFFFFFFFF;
	(pc) =	sbr.abs _section_cstart, $3  }
0xc0: {  	[dreg:$0x1] =	wrdreg $0xFFFFFFFF  }
0xc1: {  	_ =	task.clear_ibuf [dreg:s6], $0x2FFFF;
	_ =	strace $0x9FFFFFFF  }
0xc2: {  	(tm) =	ssettm $0x7FFFFFFF  }
0xc3: {  	_ =	shalt  }
tec
execute0_lowered:
.L_overlay_start_1:
0x0: {  	(tag) =	ssettag $0x1  }
0x1: {  	s5 =	rddreg [dreg:$0x0]  }
0x2: {  	s2 =	rddreg [dreg:$0x1]  }
0x3: {  	s0 =	rddreg [dreg:$0x2]  }
0x4: {  	s3 =	simm.s32 $0x0;
	s1 =	stileid.u32;
	s7 =	srdreg.scid  }
0x5: {  	s14 =	simm.s32 $0x4000;
	s15 =	simm.s32 $0x4200;
	s16 =	simm.s32 $0x4100  }
0x6: {  	s17 =	simm.s32 $0x6A00;
	s18 =	simm.s32 $0x3;
	s19 =	simm.s32 $0x4080  }
0x7: {  	s20 =	simm.s32 $0x4;
	s21 =	simm.s32 $0x4180;
	s22 =	simm.s32 $0x1  }
0x8: {  	s23 =	simm.s32 $0x2;
	[smem:$0x7FF] =	sst s3;
	s6 =	smul.u32 $0x2780, s1  }
0x9: {  	s4 =	sadd.s32 $0x3C00, s5;
	s8 =	sshll.u32 s1, $0xB;
	s11 =	smul.u32 $0x4E200, s1  }
0xa: {  	s7 =	sand.u32 $0x1, s7;
	s10 =	sadd.s32 $0xBAE00, s5;
	s29 =	smul.u32 $0x13800, s1  }
0xb: {  	s30 =	smul.u32 $0x4E000, s1;
	s31 =	sshll.u32 s1, $0x6;
	p0 =	sne.s32 s1, $0xF  }
0xc: {  	_ =	strace $0x8000004A;
	s8 =	sadd.s32 s8, s5;
	s9 =	ssub.s32 $0x2, s7  }
0xd: {  	s26 =	sshll.u32 s7, $0xF;
	s7 =	smul.u32 $0x138800, s7;
	s6 =	sadd.s32 s6, s5  }
0xe: {  	s25 =	sshrl.u32 s9, $0x1;
	s5 =	sadd.s32 s26, s8;
	s28 =	sshrl.u32 s11, $0x2  }
0xf: {  	s8 =	sshrl.u32 s30, $0x2;
	s26 =	simm.s32 $0x0;
	s9 =	ssub.s32 s9, s25  }
0x10: {  	s5 =	sadd.s32 $0x83600, s5;
	s12 =	sadd.s32 s28, s2;
	s6 =	sadd.s32 $0x93600, s6  }
0x11: {  	s11 =	sadd.s32 s29, s7;
	s7 =	sshrl.u32 s7, $0x3;
	s24 =	sadd.s32 s8, s2  }
0x12: {  	s25 =	sadd.s32 $0x138000, s2;
	s11 =	sshrl.u32 s11, $0x3;
	s13 =	sadd.s32 s10, s7  }
0x13: {  	s9 =	smax.u32 s9, $0x1;
	s12 =	sshrl.u32 s12, $0x3;
	s24 =	sshrl.u32 s24, $0x3  }
0x14: {  	s25 =	sshrl.u32 @!p0 s25, $0x3;
	s7 =	sadd.s32 s10, s11;
	s8 =	sadd.s32 $0x27000, s13  }
0x15: {  	s10 =	simm.s32 $0x5;
	s11 =	sor.u32 $0x1C05, s31;
	s13 =	simm.s32 $0x50  }
.LBB2_1:
0x16: {  	[tilespmem:s3], [sflag:$0x5] =	stream.linear.gather [hbm4b:s5+s3], $0x3E80, $0x38;
	[tilespmem:$0x1CA80] =	vst v63  }
0x17: {  	_ =	swait.ge [sflag:s10], $0x3E80  }
0x18: {  	[sflag:s10] =	ssyncset.done $0x0  }
0x19: {  	[sflag:s10] =	ssyncadd.s32 $0xFFFFC180  }
0x1a: {  	[spmem:s12], [sflag:s11] =	dma.local [hbm:s6], $0x2710  }
0x1b: {  	_ =	swait.ge [sflag:s10], $0x2710  }
0x1c: {  	[sflag:s10] =	ssyncset.done $0x0  }
0x1d: {  	[sflag:s10] =	ssyncadd.s32 $0xFFFFD8F0  }
0x1e: {  	[bflag:$0x0] =	sbarrier.arrive $0xFFFF  }
0x1f: {  	v0 =	vld [tilespmem:$0x0];
	_ =	sdelay $0x1  }
0x20: {  	v1 =	vld [tilespmem:$0x10];
	_ =	sdelay $0x1  }
0x21: {  	v2 =	vld [tilespmem:$0x20]  }
0x22: {  	v3 =	vand.u32 $0xFFFF, v0  }
0x23: {  	v0 =	vshrl.u32 v0, $0x10;
	[tilespmem:$0x4000] =	vst v3;
	v3 =	vld [tilespmem:$0x30]  }
0x24: {  	[tilespmem:$0x4080] =	vst v0;
	v0 =	vand.u32 $0xFFFF, v1  }
0x25: {  	[tilespmem:$0x4010] =	vst v0;
	v0 =	vshrl.u32 v1, $0x10;
	v1 =	vld [tilespmem:$0x40]  }
0x26: {  	[tilespmem:$0x4090] =	vst v0;
	v0 =	vand.u32 $0xFFFF, v2  }
0x27: {  	[tilespmem:$0x4020] =	vst v0;
	v0 =	vshrl.u32 v2, $0x10  }
0x28: {  	[tilespmem:$0x40A0] =	vst v0;
	v0 =	vand.u32 $0xFFFF, v3  }
0x29: {  	[tilespmem:$0x4030] =	vst v0;
	v0 =	vshrl.u32 v3, $0x10  }
0x2a: {  	[tilespmem:$0x40B0] =	vst v0;
	v0 =	vand.u32 $0xFFFF, v1  }
0x2b: {  	[tilespmem:$0x4040] =	vst v0;
	v0 =	vshrl.u32 v1, $0x10  }
0x2c: {  	[tilespmem:$0x40C0] =	vst v0  }
0x2d: {  	[tilespmem:s15], [sflag:$0x3] =	stream.indirect.gather [hbm4b:s4+s13], $0x80, s14, s13, $0xb8;
	[tilespmem:$0x1CA80] =	vst v63  }
0x2e: {  	v0 =	vld [tilespmem:$0x80];
	_ =	sdelay $0x1  }
0x2f: {  	v1 =	vld [tilespmem:$0x90];
	_ =	sdelay $0x1  }
0x30: {  	v2 =	vld [tilespmem:$0xA0]  }
0x31: {  	v3 =	vand.u32 $0xFFFF, v0  }
0x32: {  	v0 =	vshrl.u32 v0, $0x10;
	[tilespmem:$0x4100] =	vst v3;
	v3 =	vld [tilespmem:$0xB0]  }
0x33: {  	[tilespmem:$0x4180] =	vst v0;
	v0 =	vand.u32 $0xFFFF, v1  }
0x34: {  	[tilespmem:$0x4110] =	vst v0;
	v0 =	vshrl.u32 v1, $0x10;
	v1 =	vld [tilespmem:$0xC0]  }
0x35: {  	[tilespmem:$0x4190] =	vst v0;
	v0 =	vand.u32 $0xFFFF, v2  }
0x36: {  	[tilespmem:$0x4120] =	vst v0;
	v0 =	vshrl.u32 v2, $0x10  }
0x37: {  	[tilespmem:$0x41A0] =	vst v0;
	v0 =	vand.u32 $0xFFFF, v3  }
0x38: {  	[tilespmem:$0x4130] =	vst v0;
	v0 =	vshrl.u32 v3, $0x10  }
0x39: {  	[tilespmem:$0x41B0] =	vst v0;
	v0 =	vand.u32 $0xFFFF, v1  }
0x3a: {  	[tilespmem:$0x4140] =	vst v0;
	v0 =	vshrl.u32 v1, $0x10  }
0x3b: {  	[tilespmem:$0x41C0] =	vst v0  }
0x3c: {  	[tilespmem:s17], [sflag:$0x4] =	stream.indirect.gather [hbm4b:s4+s13], $0x80, s16, s13, $0xb8;
	[tilespmem:$0x1CA80] =	vst v63  }
0x3d: {  	_ =	swait.ge [sflag:s18], $0x2800  }
0x3e: {  	[sflag:s18] =	ssyncset.done $0x0  }
0x3f: {  	[sflag:s18] =	ssyncadd.s32 $0xFFFFD800  }
0x40: {  	[spmem:s2] =	stream.indirect.scatter.add.f32 [tilespmem:s15], [sflag:$0x1], $0x80, s19, s13, $0xb8;
	[tilespmem:$0x1CA80] =	vst v63  }
0x41: {  	_ =	swait.ge [sflag:s20], $0x2800  }
0x42: {  	[sflag:s20] =	ssyncset.done $0x0  }
0x43: {  	[sflag:s20] =	ssyncadd.s32 $0xFFFFD800  }
0x44: {  	[spmem:s2] =	stream.indirect.scatter.add.f32 [tilespmem:s17], [sflag:$0x2], $0x80, s21, s13, $0xb8;
	[tilespmem:$0x1CA80] =	vst v63  }
0x45: {  	_ =	swait.ge [sflag:s22], $0x2800  }
0x46: {  	[sflag:s22] =	ssyncset.done $0x0  }
0x47: {  	s28 =	simm.s32 $0x1C0;
	[sflag:s22] =	ssyncadd.s32 $0xFFFFD800  }
0x48: {  	v0 =	vld [tilespmem:s28+$0xFFFFFF40];
	_ =	sdelay $0x4  }
0x49: {  	v1 =	vand.u32 $0xFFFF, v0  }
0x4a: {  	v0 =	vshrl.u32 v0, $0x10;
	[tilespmem:$0x4000] =	vst v1  }
0x4b: {  	[tilespmem:$0x4080] =	vst v0  }
0x4c: {  	v0 =	vld [tilespmem:s28+$0xFFFFFF50];
	_ =	sdelay $0x4  }
0x4d: {  	v1 =	vand.u32 $0xFFFF, v0  }
0x4e: {  	v0 =	vshrl.u32 v0, $0x10;
	[tilespmem:$0x4010] =	vst v1  }
0x4f: {  	[tilespmem:$0x4090] =	vst v0  }
0x50: {  	v0 =	vld [tilespmem:s28+$0xFFFFFF60];
	_ =	sdelay $0x4  }
0x51: {  	v1 =	vand.u32 $0xFFFF, v0  }
0x52: {  	v0 =	vshrl.u32 v0, $0x10;
	[tilespmem:$0x4020] =	vst v1  }
0x53: {  	[tilespmem:$0x40A0] =	vst v0  }
0x54: {  	v0 =	vld [tilespmem:s28+$0xFFFFFF70];
	_ =	sdelay $0x4  }
0x55: {  	v1 =	vand.u32 $0xFFFF, v0  }
0x56: {  	v0 =	vshrl.u32 v0, $0x10;
	[tilespmem:$0x4030] =	vst v1  }
0x57: {  	[tilespmem:$0x40B0] =	vst v0  }
0x58: {  	v0 =	vld [tilespmem:s28+$0xFFFFFF80];
	_ =	sdelay $0x4  }
0x59: {  	v1 =	vand.u32 $0xFFFF, v0  }
0x5a: {  	v0 =	vshrl.u32 v0, $0x10;
	[tilespmem:$0x4040] =	vst v1  }
0x5b: {  	[tilespmem:$0x40C0] =	vst v0  }
0x5c: {  	[tilespmem:s15], [sflag:$0x3] =	stream.indirect.gather [hbm4b:s4+s13], $0x80, s14, s13, $0xb8;
	[tilespmem:$0x1CA80] =	vst v63  }
0x5d: {  	_ =	swait.ge [sflag:s23], $0x2800  }
0x5e: {  	[sflag:s23] =	ssyncset.done $0x0  }
0x5f: {  	[sflag:s23] =	ssyncadd.s32 $0xFFFFD800  }
0x60: {  	v0 =	vld [tilespmem:s28+$0xFFFFFFC0];
	_ =	sdelay $0x4  }
0x61: {  	v1 =	vand.u32 $0xFFFF, v0  }
0x62: {  	v0 =	vshrl.u32 v0, $0x10;
	[tilespmem:$0x4100] =	vst v1  }
0x63: {  	[tilespmem:$0x4180] =	vst v0  }
0x64: {  	v0 =	vld [tilespmem:s28+$0xFFFFFFD0];
	_ =	sdelay $0x4  }
0x65: {  	v1 =	vand.u32 $0xFFFF, v0  }
0x66: {  	v0 =	vshrl.u32 v0, $0x10;
	[tilespmem:$0x4110] =	vst v1  }
0x67: {  	[tilespmem:$0x4190] =	vst v0  }
0x68: {  	v0 =	vld [tilespmem:s28+$0xFFFFFFE0];
	_ =	sdelay $0x4  }
0x69: {  	v1 =	vand.u32 $0xFFFF, v0  }
0x6a: {  	v0 =	vshrl.u32 v0, $0x10;
	[tilespmem:$0x4120] =	vst v1  }
0x6b: {  	[tilespmem:$0x41A0] =	vst v0  }
0x6c: {  	v0 =	vld [tilespmem:s28+$0xFFFFFFF0];
	_ =	sdelay $0x4  }
0x6d: {  	v1 =	vand.u32 $0xFFFF, v0  }
0x6e: {  	v0 =	vshrl.u32 v0, $0x10;
	[tilespmem:$0x4130] =	vst v1  }
0x6f: {  	[tilespmem:$0x41B0] =	vst v0  }
0x70: {  	v0 =	vld [tilespmem:s28+$0x0];
	_ =	sdelay $0x4  }
0x71: {  	s28 =	simm.s32 $0xB00;
	v1 =	vand.u32 $0xFFFF, v0;
	v0 =	vshrl.u32 v0, $0x10  }
.LBB2_2:
0x72: {  	p1 =	sne.s32 s28, $0xF700;
	[tilespmem:$0x4140] =	vst v1;
	s29 =	smov.u32 s28;
	s28 =	sadd.s32 $0x400, s28  }
0x73: {  	[tilespmem:$0x41C0] =	vst v0  }
0x74: {  	[tilespmem:s17], [sflag:$0x4] =	stream.indirect.gather [hbm4b:s4+s13], $0x80, s16, s13, $0xb8;
	[tilespmem:$0x1CA80] =	vst v63  }
0x75: {  	_ =	swait.ge [sflag:s18], $0x2800  }
0x76: {  	[sflag:s18] =	ssyncset.done $0x0  }
0x77: {  	[sflag:s18] =	ssyncadd.s32 $0xFFFFD800  }
0x78: {  	[spmem:s2] =	stream.indirect.scatter.add.f32 [tilespmem:s15], [sflag:$0x1], $0x80, s19, s13, $0xb8;
	[tilespmem:$0x1CA80] =	vst v63  }
0x79: {  	_ =	swait.ge [sflag:s20], $0x2800  }
0x7a: {  	[sflag:s20] =	ssyncset.done $0x0  }
0x7b: {  	[sflag:s20] =	ssyncadd.s32 $0xFFFFD800  }
0x7c: {  	[spmem:s2] =	stream.indirect.scatter.add.f32 [tilespmem:s17], [sflag:$0x2], $0x80, s21, s13, $0xb8;
	[tilespmem:$0x1CA80] =	vst v63  }
0x7d: {  	_ =	swait.ge [sflag:s22], $0x2800  }
0x7e: {  	[sflag:s22] =	ssyncset.done $0x0  }
0x7f: {  	s29 =	sshra.s32 s29, $0x2;
	[sflag:s22] =	ssyncadd.s32 $0xFFFFD800  }
0x80: {  	v0 =	vld [tilespmem:s29+$0xFFFFFF40];
	_ =	sdelay $0x4  }
0x81: {  	v1 =	vand.u32 $0xFFFF, v0;
	v0 =	vshrl.u32 v0, $0x10  }
0x82: {  	[tilespmem:$0x4000] =	vst v1  }
0x83: {  	[tilespmem:$0x4080] =	vst v0  }
0x84: {  	v0 =	vld [tilespmem:s29+$0xFFFFFF50];
	_ =	sdelay $0x4  }
0x85: {  	v1 =	vand.u32 $0xFFFF, v0;
	v0 =	vshrl.u32 v0, $0x10  }
0x86: {  	[tilespmem:$0x4010] =	vst v1  }
0x87: {  	[tilespmem:$0x4090] =	vst v0  }
0x88: {  	v0 =	vld [tilespmem:s29+$0xFFFFFF60];
	_ =	sdelay $0x4  }
0x89: {  	v1 =	vand.u32 $0xFFFF, v0;
	v0 =	vshrl.u32 v0, $0x10  }
0x8a: {  	[tilespmem:$0x4020] =	vst v1  }
0x8b: {  	[tilespmem:$0x40A0] =	vst v0  }
0x8c: {  	v0 =	vld [tilespmem:s29+$0xFFFFFF70];
	_ =	sdelay $0x4  }
0x8d: {  	v1 =	vand.u32 $0xFFFF, v0;
	v0 =	vshrl.u32 v0, $0x10  }
0x8e: {  	[tilespmem:$0x4030] =	vst v1  }
0x8f: {  	[tilespmem:$0x40B0] =	vst v0  }
0x90: {  	v0 =	vld [tilespmem:s29+$0xFFFFFF80];
	_ =	sdelay $0x4  }
0x91: {  	v1 =	vand.u32 $0xFFFF, v0;
	v0 =	vshrl.u32 v0, $0x10  }
0x92: {  	[tilespmem:$0x4040] =	vst v1  }
0x93: {  	[tilespmem:$0x40C0] =	vst v0  }
0x94: {  	[tilespmem:s15], [sflag:$0x3] =	stream.indirect.gather [hbm4b:s4+s13], $0x80, s14, s13, $0xb8;
	[tilespmem:$0x1CA80] =	vst v63  }
0x95: {  	_ =	swait.ge [sflag:s23], $0x2800  }
0x96: {  	[sflag:s23] =	ssyncset.done $0x0  }
0x97: {  	[sflag:s23] =	ssyncadd.s32 $0xFFFFD800  }
0x98: {  	v0 =	vld [tilespmem:s29+$0xFFFFFFC0];
	_ =	sdelay $0x4  }
0x99: {  	v1 =	vand.u32 $0xFFFF, v0;
	v0 =	vshrl.u32 v0, $0x10  }
0x9a: {  	[tilespmem:$0x4100] =	vst v1  }
0x9b: {  	[tilespmem:$0x4180] =	vst v0  }
0x9c: {  	v0 =	vld [tilespmem:s29+$0xFFFFFFD0];
	_ =	sdelay $0x4  }
0x9d: {  	v1 =	vand.u32 $0xFFFF, v0;
	v0 =	vshrl.u32 v0, $0x10  }
0x9e: {  	[tilespmem:$0x4110] =	vst v1  }
0x9f: {  	[tilespmem:$0x4190] =	vst v0  }
0xa0: {  	v0 =	vld [tilespmem:s29+$0xFFFFFFE0];
	_ =	sdelay $0x4  }
0xa1: {  	v1 =	vand.u32 $0xFFFF, v0;
	v0 =	vshrl.u32 v0, $0x10  }
0xa2: {  	[tilespmem:$0x4120] =	vst v1  }
0xa3: {  	[tilespmem:$0x41A0] =	vst v0  }
0xa4: {  	v0 =	vld [tilespmem:s29+$0xFFFFFFF0];
	_ =	sdelay $0x4  }
0xa5: {  	v1 =	vand.u32 $0xFFFF, v0;
	v0 =	vshrl.u32 v0, $0x10  }
0xa6: {  	[tilespmem:$0x4130] =	vst v1  }
0xa7: {  	[tilespmem:$0x41B0] =	vst v0  }
0xa8: {  	v0 =	vld [tilespmem:s29+$0x0]  }
.Ltmp0:
0xa9: {  	(pc) =	sbr.rel @p1 .LBB2_2-.Ltmp0, $2  }
0xaa: {  	_ =	sdelay $0x2  }
0xab: {  	v1 =	vand.u32 $0xFFFF, v0;
	v0 =	vshrl.u32 v0, $0x10  }
0xac: {  	[tilespmem:$0x4140] =	vst v1  }
0xad: {  	[tilespmem:$0x41C0] =	vst v0  }
0xae: {  	[tilespmem:s17], [sflag:$0x4] =	stream.indirect.gather [hbm4b:s4+s13], $0x80, s16, s13, $0xb8;
	[tilespmem:$0x1CA80] =	vst v63  }
0xaf: {  	_ =	swait.ge [sflag:s18], $0x2800  }
0xb0: {  	[sflag:s18] =	ssyncset.done $0x0  }
0xb1: {  	[sflag:s18] =	ssyncadd.s32 $0xFFFFD800  }
0xb2: {  	[spmem:s2] =	stream.indirect.scatter.add.f32 [tilespmem:s15], [sflag:$0x1], $0x80, s19, s13, $0xb8;
	[tilespmem:$0x1CA80] =	vst v63  }
0xb3: {  	_ =	swait.ge [sflag:s20], $0x2800  }
0xb4: {  	[sflag:s20] =	ssyncset.done $0x0  }
0xb5: {  	[sflag:s20] =	ssyncadd.s32 $0xFFFFD800  }
0xb6: {  	[spmem:s2] =	stream.indirect.scatter.add.f32 [tilespmem:s17], [sflag:$0x2], $0x80, s21, s13, $0xb8;
	[tilespmem:$0x1CA80] =	vst v63  }
0xb7: {  	_ =	swait.ge [sflag:s22], $0x2800  }
0xb8: {  	[sflag:s22] =	ssyncset.done $0x0  }
0xb9: {  	[sflag:s22] =	ssyncadd.s32 $0xFFFFD800  }
0xba: {  	v52 =	vld [tilespmem:$0x3E00];
	_ =	sdelay $0x1  }
0xbb: {  	v53 =	vld [tilespmem:$0x3E10];
	_ =	sdelay $0x1  }
0xbc: {  	v2 =	vld [tilespmem:$0x3E20]  }
0xbd: {  	v3 =	vand.u32 $0xFFFF, v52  }
0xbe: {  	v54 =	vld [tilespmem:$0x3E30];
	v0 =	vshrl.u32 v52, $0x10;
	[tilespmem:$0x4000] =	vst v3  }
0xbf: {  	v55 =	vand.u32 $0xFFFF, v53;
	[tilespmem:$0x4080] =	vst v0  }
0xc0: {  	v57 =	vld [tilespmem:$0x3E40];
	v56 =	vshrl.u32 v53, $0x10;
	[tilespmem:$0x4010] =	vst v55  }
0xc1: {  	v58 =	vand.u32 $0xFFFF, v2;
	[tilespmem:$0x4090] =	vst v56  }
0xc2: {  	v59 =	vshrl.u32 v2, $0x10;
	[tilespmem:$0x4020] =	vst v58  }
0xc3: {  	v60 =	vand.u32 $0xFFFF, v54;
	[tilespmem:$0x40A0] =	vst v59  }
0xc4: {  	v61 =	vshrl.u32 v54, $0x10;
	[tilespmem:$0x4030] =	vst v60  }
0xc5: {  	v62 =	vand.u32 $0xFFFF, v57;
	[tilespmem:$0x40B0] =	vst v61  }
0xc6: {  	v63 =	vshrl.u32 v57, $0x10;
	[tilespmem:$0x4040] =	vst v62  }
0xc7: {  	[tilespmem:$0x40C0] =	vst v63  }
0xc8: {  	[tilespmem:s15], [sflag:$0x5] =	stream.indirect.gather [hbm4b:s4+s13], $0x80, s14, s13, $0xb8;
	[tilespmem:$0x1CA80] =	vst v63  }
0xc9: {  	_ =	swait.ge [sflag:s10], $0x2800  }
0xca: {  	[sflag:s10] =	ssyncset.done $0x0  }
0xcb: {  	[sflag:s10] =	ssyncadd.s32 $0xFFFFD800  }
0xcc: {  	[spmem:s2] =	stream.indirect.scatter.add.f32 [tilespmem:s15], [sflag:$0x1], $0x80, s19, s13, $0xb8;
	[tilespmem:$0x1CA80] =	vst v63  }
0xcd: {  	_ =	swait.ge [sflag:s22], $0x2800  }
0xce: {  	[sflag:s22] =	ssyncset.done $0x0  }
0xcf: {  	[sflag:s22] =	ssyncadd.s32 $0xFFFFD800  }
0xd0: {  	_ =	swait.ge [sflag:s23], $0x2800  }
0xd1: {  	[sflag:s23] =	ssyncset.done $0x0  }
0xd2: {  	[sflag:s23] =	ssyncadd.s32 $0xFFFFD800  }
0xd3: {  	[bflag:$0x0] =	sbarrier.arrive $0xFFFF  }
0xd4: {  	[hbm:s7], [sflag:s11] =	dma.local [spmem:s24], $0x2700  }
0xd5: {  	s26 =	sadd.s32 $0x1, s26;
	_ =	swait.ge [sflag:s10], $0x2700  }
0xd6: {  	p1 =	sne.s32 s26, s9;
	[sflag:s10] =	ssyncset.done $0x0  }
.Ltmp1:
0xd7: {  	s28 =	simm.s32 @!p0 $0x5;
	[sflag:s10] =	ssyncadd.s32 $0xFFFFD900;
	(pc) =	sbr.rel @p1 .LBB2_1-.Ltmp1, $4  }
0xd8: {  	[hbm:s8], [sflag:s11] =	dma.local @!p0 [spmem:s25], $0x100  }
0xd9: {  	_ =	swait.ge @!p0 [sflag:s28], $0x100  }
0xda: {  	[sflag:s28] =	ssyncset.done @!p0 $0x0  }
0xdb: {  	[sflag:s28] =	ssyncadd.s32 @!p0 $0xFFFFFF00  }
0xdc: {  	_ =	sfence.sel $0x180000  }
0xdd: {  	[bflag:$0x0] =	sbarrier.arrive $0xFFFF  }
0xde: {  	p0 =	sne.s32 s1, $0x0;
	_ =	strace $0x9000004A  }
0xdf: {  	s0 =	sadd.s32 @!p0 $0x100000, s0;
	[bflag:$0x2] =	sbarrier.arrive $0xFFFF  }
0xe0: {  	[sflag:s0] =	ssyncadd.tile.s32 @!p0 $0x1;
	_ =	shalt  }
.Lfunc_end2:
_tile_overlayer_lowered:
.L_overlay_start_2:
0xe1: {  	(tag) =	ssettag $0x2  }
0xe2: {  	s0 =	rddreg [dreg:$0x0];
	s2 =	stileid.u32  }
0xe3: {  	s1 =	rddreg [dreg:$0x1];
	p0 =	sne.s32 s2, $0x0  }
0xe4: {  	s3 =	rddreg [dreg:$0x2];
	[bflag:$0x3] =	sbarrier.arrive $0xFFFF;
	s2 =	simm.s32 @!p0 $0x1C05  }
0xe5: {  	[timem:s3], [sflag:s2] =	dma.local @!p0 [hbm:s0], s1  }
0xe6: {  	s0 =	simm.s32 @!p0 $0x5  }
0xe7: {  	_ =	swait.ge @!p0 [sflag:s0], s1  }
0xe8: {  	s1 =	ssub.s32 @!p0 $0x0, s1;
	[sflag:s0] =	ssyncset.done @!p0 $0x0  }
0xe9: {  	[sflag:s0] =	ssyncadd.s32 @!p0 s1  }
0xea: {  	[bflag:$0x3] =	sbarrier.arrive $0xFFFF  }
0xeb: {  	_ =	shalt  }

// kernel: kernel.14.cloned.1.call-start
scs
__scs_entry_jumppad:
0x0: {  	(pc) =	sbr.rel $0x88, $3  }
0x1: {  	(tag) =	ssettag $0x0;
	lr =	simm.s32 $0x1  }
0x2: {  	[smem:$0x3F90] =	sst lr;
	_ =	strace $0xD0000000  }
0x3: {  	_ = 	snop  }
0x4: {  	_ = 	snop  }
0x5: {  	_ = 	snop  }
0x6: {  	_ = 	snop  }
0x7: {  	_ = 	snop  }
__scs_overlays_trampoline_lowered:
0x8: {  	[smem:$0x3F9F] =	sst s0  }
0x9: {  	[smem:$0x3FA0] =	sst s1  }
0xa: {  	[smem:$0x3FA1] =	sst s2  }
0xb: {  	[smem:$0x3FA2] =	sst s3  }
0xc: {  	[smem:$0x3FA3] =	sst s4  }
0xd: {  	[smem:$0x3FA4] =	sst s5  }
0xe: {  	[smem:$0x3FA5] =	sst s6  }
0xf: {  	[smem:$0x3FA6] =	sst s7  }
0x10: {  	[smem:$0x3FA7] =	sst s8  }
0x11: {  	[smem:$0x3FA8] =	sst s9;
	s0 =	simm.s32 @!p0 $0x0  }
0x12: {  	s1 =	sld [smem:$0x3F8E];
	s0 =	simm.s32 @p0 $0x1  }
0x13: {  	[smem:$0x3FA9] =	sst s0;
	s0 =	simm.s32 @!p1 $0x0  }
0x14: {  	s2 =	sld [smem:$0x3F8D];
	s0 =	simm.s32 @p1 $0x1  }
0x15: {  	[smem:$0x3FAA] =	sst s0;
	s0 =	simm.s32 @!p2 $0x0  }
0x16: {  	s3 =	sld [smem:$0x3FDB];
	s0 =	simm.s32 @p2 $0x1  }
0x17: {  	s4 =	simm.s32 $0x1BF5;
	[smem:$0x3FAC] =	sst s0  }
0x18: {  	s0 =	sld [smem:$0x3F8F];
	_ =	swait.ge [sflag:s4], $0x0  }
0x19: {  	s7 =	sld [smem:$0x3F90]  }
0x1a: {  	s8 =	sadd.s32 $0xFFFFE003, lr  }
0x1b: {  	s9 =	sadd.s32 $0xFFFFFEF7, lr;
	s5 =	simm.s32 $0xFFFFFFFF;
	p2 =	slt.u32 s8, $0xFFFFF086  }
0x1c: {  	p1 =	slt.u32 s9, $0xF7A;
	s5 =	simm.s32 @!p2 $0x0  }
0x1d: {  	s5 =	simm.s32 @p1 $0x1;
	p0 =	seq.s32 s7, s2  }
0x1e: {  	s7 =	smul.u32 @!p0 $0xF7A, s2;
	p2 =	seq.s32 @!p0 s5, $0x0  }
0x1f: {  	s9 =	smul.u32 $0xF7A, s1;
	s8 =	simm.s32 @!p0 $0x1BF5;
	p2 =	por !p2, p0  }
0x20: {  	[sflag:s8] =	ssyncset.s32 @!p0 $0xFFFFF086;
	s6 =	sadd.s32 @!p0 s3, s7;
	s7 =	simm.s32 @!p0 $0x108  }
0x21: {  	s3 =	sadd.s32 s3, s9;
	s6 =	sadd.s32 @!p0 $0x88, s6;
	s7 =	simm.s32 @p2 $0x1082  }
0x22: {  	[simem:s7], [sflag:s8] =	dma.local @!p0 [hbm:s6], $0xF7A  }
0x23: {  	s9 =	sor.u32 $0xD0000000, s2;
	s6 =	simm.s32 $0x108;
	_ =	swait.ge @!p0 [sflag:s8], $0x0  }
0x24: {  	s3 =	sadd.s32 $0x88, s3;
	s6 =	simm.s32 @!p1 $0x1082;
	[sflag:s4] =	ssyncset.s32 $0xFFFFF086  }
0x25: {  	[simem:s6], [sflag:s4] =	dma.local [hbm:s3], $0xF7A  }
0x26: {  	[smem:$0x3F90] =	sst s1;
	(tag) =	ssettag s2;
	_ =	strace s9  }
0x27: {  	s1 =	sld [smem:$0x3FA0]  }
0x28: {  	s2 =	sld [smem:$0x3FA1]  }
0x29: {  	s4 =	sld [smem:$0x3FA3]  }
0x2a: {  	p0 =	seq.s32 s5, $0x0;
	s5 =	sld [smem:$0x3FA4]  }
0x2b: {  	s6 =	sld [smem:$0x3FA5]  }
0x2c: {  	s7 =	sld [smem:$0x3FA6]  }
0x2d: {  	s3 =	simm.s32 $0x108;
	s8 =	sld [smem:$0x3FA7]  }
0x2e: {  	s3 =	simm.s32 @!p0 $0x1082;
	s9 =	sld [smem:$0x3FA8]  }
0x2f: {  	lr =	sadd.s32 s0, s3;
	s0 =	sld [smem:$0x3F9F]  }
0x30: {  	s3 =	sld [smem:$0x3FA2]  }
0x31: {  	[smem:$0x3FAB] =	sst s10  }
0x32: {  	s10 =	sld [smem:$0x3FA9];
	_ =	sdelay $0x3  }
0x33: {  	p0 =	seq.s32 s10, $0x1;
	s10 =	sld [smem:$0x3FAB];
	_ =	sdelay $0x3  }
0x34: {  	[smem:$0x3FAB] =	sst s10  }
0x35: {  	s10 =	sld [smem:$0x3FAA];
	_ =	sdelay $0x3  }
0x36: {  	p1 =	seq.s32 s10, $0x1;
	s10 =	sld [smem:$0x3FAB];
	_ =	sdelay $0x3  }
0x37: {  	[smem:$0x3FAB] =	sst s10  }
0x38: {  	s10 =	sld [smem:$0x3FAC]  }
0x39: {  	_ = 	snop;
	(pc) =	sbr.ind lr, $3  }
0x3a: {  	_ = 	snop  }
0x3b: {  	_ = 	snop  }
0x3c: {  	p2 =	seq.s32 s10, $0x1;
	s10 =	sld [smem:$0x3FAB]  }
0x3d: {  	_ =	shalt  }
0x3e: {  	_ =	shalt  }
0x3f: {  	_ =	shalt  }
0x40: {  	_ =	shalt  }
0x41: {  	_ =	shalt  }
0x42: {  	_ =	shalt  }
0x43: {  	_ =	shalt  }
0x44: {  	_ =	shalt  }
0x45: {  	_ =	shalt  }
0x46: {  	_ =	shalt  }
0x47: {  	_ =	shalt  }
0x48: {  	_ =	shalt  }
0x49: {  	_ =	shalt  }
0x4a: {  	_ =	shalt  }
0x4b: {  	_ =	shalt  }
0x4c: {  	_ =	shalt  }
0x4d: {  	_ =	shalt  }
0x4e: {  	_ =	shalt  }
0x4f: {  	_ =	shalt  }
0x50: {  	_ =	shalt  }
0x51: {  	_ =	shalt  }
0x52: {  	_ =	shalt  }
0x53: {  	_ =	shalt  }
0x54: {  	_ =	shalt  }
0x55: {  	_ =	shalt  }
0x56: {  	_ =	shalt  }
0x57: {  	_ =	shalt  }
0x58: {  	_ =	shalt  }
0x59: {  	_ =	shalt  }
0x5a: {  	_ =	shalt  }
0x5b: {  	_ =	shalt  }
0x5c: {  	_ =	shalt  }
0x5d: {  	_ =	shalt  }
0x5e: {  	_ =	shalt  }
0x5f: {  	_ =	shalt  }
0x60: {  	_ =	shalt  }
0x61: {  	_ =	shalt  }
0x62: {  	_ =	shalt  }
0x63: {  	_ =	shalt  }
0x64: {  	_ =	shalt  }
0x65: {  	_ =	shalt  }
0x66: {  	_ =	shalt  }
0x67: {  	_ =	shalt  }
0x68: {  	_ =	shalt  }
0x69: {  	_ =	shalt  }
0x6a: {  	_ =	shalt  }
0x6b: {  	_ =	shalt  }
0x6c: {  	_ =	shalt  }
0x6d: {  	_ =	shalt  }
0x6e: {  	_ =	shalt  }
0x6f: {  	_ =	shalt  }
0x70: {  	_ =	shalt  }
0x71: {  	_ =	shalt  }
0x72: {  	_ =	shalt  }
0x73: {  	_ =	shalt  }
0x74: {  	_ =	shalt  }
0x75: {  	_ =	shalt  }
0x76: {  	_ =	shalt  }
0x77: {  	_ =	shalt  }
0x78: {  	_ =	shalt  }
0x79: {  	_ =	shalt  }
0x7a: {  	_ =	shalt  }
0x7b: {  	_ =	shalt  }
0x7c: {  	_ =	shalt  }
0x7d: {  	_ =	shalt  }
0x7e: {  	_ =	shalt  }
0x7f: {  	_ =	shalt  }
0x80: {  	_ =	shalt  }
0x81: {  	_ =	shalt  }
0x82: {  	_ =	shalt  }
0x83: {  	_ =	shalt  }
0x84: {  	_ =	shalt  }
0x85: {  	_ =	shalt  }
0x86: {  	_ =	shalt  }
0x87: {  	_ =	shalt  }
.Lfunc_end0:
.L_simem_size_0:
called_computation.2_lowered:
.L_overlay_start_0:
0x88: {  	s2 =	sld [smem:$0x3FD9]  }
0x89: {  	s3 =	sld [smem:$0x3FFE];
	_ =	sdelay $0x1  }
0x8a: {  	s1 =	srdreg.scid  }
0x8b: {  	s0 =	sand.u32 $0x1, s1  }
0x8c: {  	s16 =	sshll.u32 s0, $0xA;
	s2 =	sadd.s32 s3, s2  }
0x8d: {  	s2 =	sadd.s32 s2, s16  }
0x8e: {  	[smem:$0x3FB7] =	sst s2  }
0x8f: {  	_ = 	snop  }
0x90: {  	(tm) =	ssettm $0x1  }
0x91: {  	s17 =	sld [smem:$0x3FFB];
	_ =	sdelay $0x3  }
0x92: {  	_ =	strace s17  }
0x93: {  	s2 =	sld [smem:$0x3FFC];
	_ =	sdelay $0x3  }
0x94: {  	_ =	strace s2  }
0x95: {  	s2 =	sld [smem:$0x3FFD];
	_ =	sdelay $0x3  }
0x96: {  	_ =	strace s2  }
0x97: {  	_ =	strace $0x8FFFFFFF  }
0x98: {  	s18 =	sld [smem:$0x3FDB];
	_ =	sdelay $0x1  }
0x99: {  	s19 =	simm.s32 $_scs_section_size  }
0x9a: {  	s4 =	simm.s32 $_size__tile_overlayer_lowered;
	s5 =	simm.s32 $_tile_overlayer_lowered  }
0x9b: {  	s22 =	simm.s32 $0x1BFF;
	s21 =	sshll.u32 s5, $0x1;
	s2 =	sadd.s32 s19, s18  }
0x9c: {  	s6 =	simm.s32 $0x0;
	s20 =	sshll.u32 s4, $0x1;
	s4 =	sadd.s32 s21, s2  }
0x9d: {  	[timem:s6], [sflag:s22] =	dma.local [hbm:s4], s20  }
0x9e: {  	_ =	swait.ge [sflag:s22], s20  }
0x9f: {  	s3 =	ssub.s32 $0x0, s20;
	[sflag:s22] =	ssyncset.done $0x0  }
0xa0: {  	[sflag:s22] =	ssyncadd.s32 s3;
	_ =	sdelay $0x1  }
0xa1: {  	s23 =	simm.s32 $0x1B8B  }
0xa2: {  	_ =	swait.ge [sflag:s23], $0x1  }
0xa3: {  	[sflag:s23] =	ssyncset.done $0x0  }
0xa4: {  	s25 =	simm.s32 $0x1B8E;
	s24 =	sld [smem:$0x3FFE];
	[sflag:s23] =	ssyncadd.s32 $0xFFFFFFFF  }
0xa5: {  	s26 =	simm.s32 $execute0_lowered;
	[smem:$0x3FD2] =	sst s25  }
0xa6: {  	s4 =	sshll.u32 s26, $0x1;
	_ =	strace $0x8000004C;
	[dreg:$0x1] =	wrdreg $0xFFFFFFFF  }
0xa7: {  	s28 =	simm.s32 $_size_execute0_lowered;
	s2 =	sadd.s32 s2, s4;
	[dreg:$0x0] =	wrdreg $0x0  }
0xa8: {  	s4 =	sshll.u32 s28, $0x1;
	[dreg:$0x2] =	wrdreg s2  }
0xa9: {  	[dreg:$0x3] =	wrdreg s4  }
0xaa: {  	[dreg:$0x4] =	wrdreg $0xC0  }
0xab: {  	_ =	task [dreg:s6], $0x5FFFF  }
0xac: {  	[dreg:$0x1] =	wrdreg $0xFFFFFFFF  }
0xad: {  	[dreg:$0x0] =	wrdreg $0x60  }
0xae: {  	[dreg:$0x2] =	wrdreg s24  }
0xaf: {  	[dreg:$0x3] =	wrdreg $0x92000  }
0xb0: {  	[dreg:$0x4] =	wrdreg $0x9  }
0xb1: {  	_ =	task.clear_ibuf [dreg:s6], $0x5FFFF;
	_ =	strace $0x9000004C  }
0xb2: {  	s29 =	simm.s32 $0x9;
	_ =	strace $0x8000004E  }
0xb3: {  	_ =	swait.ge [sflag:s29], $0x1  }
0xb4: {  	[sflag:s29] =	ssyncadd.s32 $0xFFFFFFFF  }
0xb5: {  	_ =	strace $0x9000004E  }
0xb6: {  	_ =	sfence  }
0xb7: {  	s30 =	sld [smem:$0x0];
	_ =	sdelay $0x2  }
0xb8: {  	s31 =	sshll.u32 s1, $0xD;
	s1 =	sshrl.u32 s1, $0x2  }
0xb9: {  	s3 =	sand.u32 $0x4000, s31;
	s1 =	sadd.s32 s1, s30  }
0xba: {  	s0 =	sor.u32 s3, s0;
	s1 =	sshll.u32 s1, $0x11  }
0xbb: {  	s0 =	sor.u32 s1, s0  }
0xbc: {  	s0 =	sadd.s32 $0x8F2B, s0  }
0xbd: {  	[sflag:s0] =	ssyncadd.remote.s32 $0x1  }
0xbe: {  	_ =	sfence.sel $0xFFFF  }
0xbf: {  	[dreg:$0x0] =	wrdreg $0xFFFFFFFF;
	(pc) =	sbr.abs _section_cstart, $3  }
0xc0: {  	[dreg:$0x1] =	wrdreg $0xFFFFFFFF  }
0xc1: {  	_ =	task.clear_ibuf [dreg:s6], $0x2FFFF;
	_ =	strace $0x9FFFFFFF  }
0xc2: {  	(tm) =	ssettm $0x7FFFFFFF  }
0xc3: {  	_ =	shalt  }
tec
execute0_lowered:
.L_overlay_start_1:
0x0: {  	(tag) =	ssettag $0x1  }
0x1: {  	s5 =	rddreg [dreg:$0x0]  }
0x2: {  	s2 =	rddreg [dreg:$0x1]  }
0x3: {  	s0 =	rddreg [dreg:$0x2]  }
0x4: {  	s3 =	simm.s32 $0x0;
	s1 =	stileid.u32;
	s7 =	srdreg.scid  }
0x5: {  	s14 =	simm.s32 $0x4000;
	s15 =	simm.s32 $0x4200;
	s16 =	simm.s32 $0x4100  }
0x6: {  	s17 =	simm.s32 $0x6A00;
	s18 =	simm.s32 $0x3;
	s19 =	simm.s32 $0x4080  }
0x7: {  	s20 =	simm.s32 $0x4;
	s21 =	simm.s32 $0x4180;
	s22 =	simm.s32 $0x1  }
0x8: {  	s23 =	simm.s32 $0x2;
	[smem:$0x7FF] =	sst s3;
	s6 =	smul.u32 $0x2780, s1  }
0x9: {  	s4 =	sadd.s32 $0x3C00, s5;
	s8 =	sshll.u32 s1, $0xB;
	s11 =	smul.u32 $0x4E200, s1  }
0xa: {  	s7 =	sand.u32 $0x1, s7;
	s10 =	sadd.s32 $0xBAE00, s5;
	s29 =	smul.u32 $0x13800, s1  }
0xb: {  	s30 =	smul.u32 $0x4E000, s1;
	s31 =	sshll.u32 s1, $0x6;
	p0 =	sne.s32 s1, $0xF  }
0xc: {  	_ =	strace $0x8000004D;
	s8 =	sadd.s32 s8, s5;
	s9 =	ssub.s32 $0x2, s7  }
0xd: {  	s26 =	sshll.u32 s7, $0xF;
	s7 =	smul.u32 $0x138800, s7;
	s6 =	sadd.s32 s6, s5  }
0xe: {  	s25 =	sshrl.u32 s9, $0x1;
	s5 =	sadd.s32 s26, s8;
	s28 =	sshrl.u32 s11, $0x2  }
0xf: {  	s8 =	sshrl.u32 s30, $0x2;
	s26 =	simm.s32 $0x0;
	s9 =	ssub.s32 s9, s25  }
0x10: {  	s5 =	sadd.s32 $0x83600, s5;
	s12 =	sadd.s32 s28, s2;
	s6 =	sadd.s32 $0x93600, s6  }
0x11: {  	s11 =	sadd.s32 s29, s7;
	s7 =	sshrl.u32 s7, $0x3;
	s24 =	sadd.s32 s8, s2  }
0x12: {  	s25 =	sadd.s32 $0x138000, s2;
	s11 =	sshrl.u32 s11, $0x3;
	s13 =	sadd.s32 s10, s7  }
0x13: {  	s9 =	smax.u32 s9, $0x1;
	s12 =	sshrl.u32 s12, $0x3;
	s24 =	sshrl.u32 s24, $0x3  }
0x14: {  	s25 =	sshrl.u32 @!p0 s25, $0x3;
	s7 =	sadd.s32 s10, s11;
	s8 =	sadd.s32 $0x27000, s13  }
0x15: {  	s10 =	simm.s32 $0x5;
	s11 =	sor.u32 $0x1C05, s31;
	s13 =	simm.s32 $0x50  }
.LBB2_1:
0x16: {  	[tilespmem:s3], [sflag:$0x5] =	stream.linear.gather [hbm4b:s5+s3], $0x3E80, $0x38;
	[tilespmem:$0x1CA80] =	vst v63  }
0x17: {  	_ =	swait.ge [sflag:s10], $0x3E80  }
0x18: {  	[sflag:s10] =	ssyncset.done $0x0  }
0x19: {  	[sflag:s10] =	ssyncadd.s32 $0xFFFFC180  }
0x1a: {  	[spmem:s12], [sflag:s11] =	dma.local [hbm:s6], $0x2710  }
0x1b: {  	_ =	swait.ge [sflag:s10], $0x2710  }
0x1c: {  	[sflag:s10] =	ssyncset.done $0x0  }
0x1d: {  	[sflag:s10] =	ssyncadd.s32 $0xFFFFD8F0  }
0x1e: {  	[bflag:$0x0] =	sbarrier.arrive $0xFFFF  }
0x1f: {  	v0 =	vld [tilespmem:$0x0];
	_ =	sdelay $0x1  }
0x20: {  	v1 =	vld [tilespmem:$0x10];
	_ =	sdelay $0x1  }
0x21: {  	v2 =	vld [tilespmem:$0x20]  }
0x22: {  	v3 =	vand.u32 $0xFFFF, v0  }
0x23: {  	v0 =	vshrl.u32 v0, $0x10;
	[tilespmem:$0x4000] =	vst v3;
	v3 =	vld [tilespmem:$0x30]  }
0x24: {  	[tilespmem:$0x4080] =	vst v0;
	v0 =	vand.u32 $0xFFFF, v1  }
0x25: {  	[tilespmem:$0x4010] =	vst v0;
	v0 =	vshrl.u32 v1, $0x10;
	v1 =	vld [tilespmem:$0x40]  }
0x26: {  	[tilespmem:$0x4090] =	vst v0;
	v0 =	vand.u32 $0xFFFF, v2  }
0x27: {  	[tilespmem:$0x4020] =	vst v0;
	v0 =	vshrl.u32 v2, $0x10  }
0x28: {  	[tilespmem:$0x40A0] =	vst v0;
	v0 =	vand.u32 $0xFFFF, v3  }
0x29: {  	[tilespmem:$0x4030] =	vst v0;
	v0 =	vshrl.u32 v3, $0x10  }
0x2a: {  	[tilespmem:$0x40B0] =	vst v0;
	v0 =	vand.u32 $0xFFFF, v1  }
0x2b: {  	[tilespmem:$0x4040] =	vst v0;
	v0 =	vshrl.u32 v1, $0x10  }
0x2c: {  	[tilespmem:$0x40C0] =	vst v0  }
0x2d: {  	[tilespmem:s15], [sflag:$0x3] =	stream.indirect.gather [hbm4b:s4+s13], $0x80, s14, s13, $0xb8;
	[tilespmem:$0x1CA80] =	vst v63  }
0x2e: {  	v0 =	vld [tilespmem:$0x80];
	_ =	sdelay $0x1  }
0x2f: {  	v1 =	vld [tilespmem:$0x90];
	_ =	sdelay $0x1  }
0x30: {  	v2 =	vld [tilespmem:$0xA0]  }
0x31: {  	v3 =	vand.u32 $0xFFFF, v0  }
0x32: {  	v0 =	vshrl.u32 v0, $0x10;
	[tilespmem:$0x4100] =	vst v3;
	v3 =	vld [tilespmem:$0xB0]  }
0x33: {  	[tilespmem:$0x4180] =	vst v0;
	v0 =	vand.u32 $0xFFFF, v1  }
0x34: {  	[tilespmem:$0x4110] =	vst v0;
	v0 =	vshrl.u32 v1, $0x10;
	v1 =	vld [tilespmem:$0xC0]  }
0x35: {  	[tilespmem:$0x4190] =	vst v0;
	v0 =	vand.u32 $0xFFFF, v2  }
0x36: {  	[tilespmem:$0x4120] =	vst v0;
	v0 =	vshrl.u32 v2, $0x10  }
0x37: {  	[tilespmem:$0x41A0] =	vst v0;
	v0 =	vand.u32 $0xFFFF, v3  }
0x38: {  	[tilespmem:$0x4130] =	vst v0;
	v0 =	vshrl.u32 v3, $0x10  }
0x39: {  	[tilespmem:$0x41B0] =	vst v0;
	v0 =	vand.u32 $0xFFFF, v1  }
0x3a: {  	[tilespmem:$0x4140] =	vst v0;
	v0 =	vshrl.u32 v1, $0x10  }
0x3b: {  	[tilespmem:$0x41C0] =	vst v0  }
0x3c: {  	[tilespmem:s17], [sflag:$0x4] =	stream.indirect.gather [hbm4b:s4+s13], $0x80, s16, s13, $0xb8;
	[tilespmem:$0x1CA80] =	vst v63  }
0x3d: {  	_ =	swait.ge [sflag:s18], $0x2800  }
0x3e: {  	[sflag:s18] =	ssyncset.done $0x0  }
0x3f: {  	[sflag:s18] =	ssyncadd.s32 $0xFFFFD800  }
0x40: {  	[spmem:s2] =	stream.indirect.scatter.add.f32 [tilespmem:s15], [sflag:$0x1], $0x80, s19, s13, $0xb8;
	[tilespmem:$0x1CA80] =	vst v63  }
0x41: {  	_ =	swait.ge [sflag:s20], $0x2800  }
0x42: {  	[sflag:s20] =	ssyncset.done $0x0  }
0x43: {  	[sflag:s20] =	ssyncadd.s32 $0xFFFFD800  }
0x44: {  	[spmem:s2] =	stream.indirect.scatter.add.f32 [tilespmem:s17], [sflag:$0x2], $0x80, s21, s13, $0xb8;
	[tilespmem:$0x1CA80] =	vst v63  }
0x45: {  	_ =	swait.ge [sflag:s22], $0x2800  }
0x46: {  	[sflag:s22] =	ssyncset.done $0x0  }
0x47: {  	s28 =	simm.s32 $0x1C0;
	[sflag:s22] =	ssyncadd.s32 $0xFFFFD800  }
0x48: {  	v0 =	vld [tilespmem:s28+$0xFFFFFF40];
	_ =	sdelay $0x4  }
0x49: {  	v1 =	vand.u32 $0xFFFF, v0  }
0x4a: {  	v0 =	vshrl.u32 v0, $0x10;
	[tilespmem:$0x4000] =	vst v1  }
0x4b: {  	[tilespmem:$0x4080] =	vst v0  }
0x4c: {  	v0 =	vld [tilespmem:s28+$0xFFFFFF50];
	_ =	sdelay $0x4  }
0x4d: {  	v1 =	vand.u32 $0xFFFF, v0  }
0x4e: {  	v0 =	vshrl.u32 v0, $0x10;
	[tilespmem:$0x4010] =	vst v1  }
0x4f: {  	[tilespmem:$0x4090] =	vst v0  }
0x50: {  	v0 =	vld [tilespmem:s28+$0xFFFFFF60];
	_ =	sdelay $0x4  }
0x51: {  	v1 =	vand.u32 $0xFFFF, v0  }
0x52: {  	v0 =	vshrl.u32 v0, $0x10;
	[tilespmem:$0x4020] =	vst v1  }
0x53: {  	[tilespmem:$0x40A0] =	vst v0  }
0x54: {  	v0 =	vld [tilespmem:s28+$0xFFFFFF70];
	_ =	sdelay $0x4  }
0x55: {  	v1 =	vand.u32 $0xFFFF, v0  }
0x56: {  	v0 =	vshrl.u32 v0, $0x10;
	[tilespmem:$0x4030] =	vst v1  }
0x57: {  	[tilespmem:$0x40B0] =	vst v0  }
0x58: {  	v0 =	vld [tilespmem:s28+$0xFFFFFF80];
	_ =	sdelay $0x4  }
0x59: {  	v1 =	vand.u32 $0xFFFF, v0  }
0x5a: {  	v0 =	vshrl.u32 v0, $0x10;
	[tilespmem:$0x4040] =	vst v1  }
0x5b: {  	[tilespmem:$0x40C0] =	vst v0  }
0x5c: {  	[tilespmem:s15], [sflag:$0x3] =	stream.indirect.gather [hbm4b:s4+s13], $0x80, s14, s13, $0xb8;
	[tilespmem:$0x1CA80] =	vst v63  }
0x5d: {  	_ =	swait.ge [sflag:s23], $0x2800  }
0x5e: {  	[sflag:s23] =	ssyncset.done $0x0  }
0x5f: {  	[sflag:s23] =	ssyncadd.s32 $0xFFFFD800  }
0x60: {  	v0 =	vld [tilespmem:s28+$0xFFFFFFC0];
	_ =	sdelay $0x4  }
0x61: {  	v1 =	vand.u32 $0xFFFF, v0  }
0x62: {  	v0 =	vshrl.u32 v0, $0x10;
	[tilespmem:$0x4100] =	vst v1  }
0x63: {  	[tilespmem:$0x4180] =	vst v0  }
0x64: {  	v0 =	vld [tilespmem:s28+$0xFFFFFFD0];
	_ =	sdelay $0x4  }
0x65: {  	v1 =	vand.u32 $0xFFFF, v0  }
0x66: {  	v0 =	vshrl.u32 v0, $0x10;
	[tilespmem:$0x4110] =	vst v1  }
0x67: {  	[tilespmem:$0x4190] =	vst v0  }
0x68: {  	v0 =	vld [tilespmem:s28+$0xFFFFFFE0];
	_ =	sdelay $0x4  }
0x69: {  	v1 =	vand.u32 $0xFFFF, v0  }
0x6a: {  	v0 =	vshrl.u32 v0, $0x10;
	[tilespmem:$0x4120] =	vst v1  }
0x6b: {  	[tilespmem:$0x41A0] =	vst v0  }
0x6c: {  	v0 =	vld [tilespmem:s28+$0xFFFFFFF0];
	_ =	sdelay $0x4  }
0x6d: {  	v1 =	vand.u32 $0xFFFF, v0  }
0x6e: {  	v0 =	vshrl.u32 v0, $0x10;
	[tilespmem:$0x4130] =	vst v1  }
0x6f: {  	[tilespmem:$0x41B0] =	vst v0  }
0x70: {  	v0 =	vld [tilespmem:s28+$0x0];
	_ =	sdelay $0x4  }
0x71: {  	s28 =	simm.s32 $0xB00;
	v1 =	vand.u32 $0xFFFF, v0;
	v0 =	vshrl.u32 v0, $0x10  }
.LBB2_2:
0x72: {  	p1 =	sne.s32 s28, $0xF700;
	[tilespmem:$0x4140] =	vst v1;
	s29 =	smov.u32 s28;
	s28 =	sadd.s32 $0x400, s28  }
0x73: {  	[tilespmem:$0x41C0] =	vst v0  }
0x74: {  	[tilespmem:s17], [sflag:$0x4] =	stream.indirect.gather [hbm4b:s4+s13], $0x80, s16, s13, $0xb8;
	[tilespmem:$0x1CA80] =	vst v63  }
0x75: {  	_ =	swait.ge [sflag:s18], $0x2800  }
0x76: {  	[sflag:s18] =	ssyncset.done $0x0  }
0x77: {  	[sflag:s18] =	ssyncadd.s32 $0xFFFFD800  }
0x78: {  	[spmem:s2] =	stream.indirect.scatter.add.f32 [tilespmem:s15], [sflag:$0x1], $0x80, s19, s13, $0xb8;
	[tilespmem:$0x1CA80] =	vst v63  }
0x79: {  	_ =	swait.ge [sflag:s20], $0x2800  }
0x7a: {  	[sflag:s20] =	ssyncset.done $0x0  }
0x7b: {  	[sflag:s20] =	ssyncadd.s32 $0xFFFFD800  }
0x7c: {  	[spmem:s2] =	stream.indirect.scatter.add.f32 [tilespmem:s17], [sflag:$0x2], $0x80, s21, s13, $0xb8;
	[tilespmem:$0x1CA80] =	vst v63  }
0x7d: {  	_ =	swait.ge [sflag:s22], $0x2800  }
0x7e: {  	[sflag:s22] =	ssyncset.done $0x0  }
0x7f: {  	s29 =	sshra.s32 s29, $0x2;
	[sflag:s22] =	ssyncadd.s32 $0xFFFFD800  }
0x80: {  	v0 =	vld [tilespmem:s29+$0xFFFFFF40];
	_ =	sdelay $0x4  }
0x81: {  	v1 =	vand.u32 $0xFFFF, v0;
	v0 =	vshrl.u32 v0, $0x10  }
0x82: {  	[tilespmem:$0x4000] =	vst v1  }
0x83: {  	[tilespmem:$0x4080] =	vst v0  }
0x84: {  	v0 =	vld [tilespmem:s29+$0xFFFFFF50];
	_ =	sdelay $0x4  }
0x85: {  	v1 =	vand.u32 $0xFFFF, v0;
	v0 =	vshrl.u32 v0, $0x10  }
0x86: {  	[tilespmem:$0x4010] =	vst v1  }
0x87: {  	[tilespmem:$0x4090] =	vst v0  }
0x88: {  	v0 =	vld [tilespmem:s29+$0xFFFFFF60];
	_ =	sdelay $0x4  }
0x89: {  	v1 =	vand.u32 $0xFFFF, v0;
	v0 =	vshrl.u32 v0, $0x10  }
0x8a: {  	[tilespmem:$0x4020] =	vst v1  }
0x8b: {  	[tilespmem:$0x40A0] =	vst v0  }
0x8c: {  	v0 =	vld [tilespmem:s29+$0xFFFFFF70];
	_ =	sdelay $0x4  }
0x8d: {  	v1 =	vand.u32 $0xFFFF, v0;
	v0 =	vshrl.u32 v0, $0x10  }
0x8e: {  	[tilespmem:$0x4030] =	vst v1  }
0x8f: {  	[tilespmem:$0x40B0] =	vst v0  }
0x90: {  	v0 =	vld [tilespmem:s29+$0xFFFFFF80];
	_ =	sdelay $0x4  }
0x91: {  	v1 =	vand.u32 $0xFFFF, v0;
	v0 =	vshrl.u32 v0, $0x10  }
0x92: {  	[tilespmem:$0x4040] =	vst v1  }
0x93: {  	[tilespmem:$0x40C0] =	vst v0  }
0x94: {  	[tilespmem:s15], [sflag:$0x3] =	stream.indirect.gather [hbm4b:s4+s13], $0x80, s14, s13, $0xb8;
	[tilespmem:$0x1CA80] =	vst v63  }
0x95: {  	_ =	swait.ge [sflag:s23], $0x2800  }
0x96: {  	[sflag:s23] =	ssyncset.done $0x0  }
0x97: {  	[sflag:s23] =	ssyncadd.s32 $0xFFFFD800  }
0x98: {  	v0 =	vld [tilespmem:s29+$0xFFFFFFC0];
	_ =	sdelay $0x4  }
0x99: {  	v1 =	vand.u32 $0xFFFF, v0;
	v0 =	vshrl.u32 v0, $0x10  }
0x9a: {  	[tilespmem:$0x4100] =	vst v1  }
0x9b: {  	[tilespmem:$0x4180] =	vst v0  }
0x9c: {  	v0 =	vld [tilespmem:s29+$0xFFFFFFD0];
	_ =	sdelay $0x4  }
0x9d: {  	v1 =	vand.u32 $0xFFFF, v0;
	v0 =	vshrl.u32 v0, $0x10  }
0x9e: {  	[tilespmem:$0x4110] =	vst v1  }
0x9f: {  	[tilespmem:$0x4190] =	vst v0  }
0xa0: {  	v0 =	vld [tilespmem:s29+$0xFFFFFFE0];
	_ =	sdelay $0x4  }
0xa1: {  	v1 =	vand.u32 $0xFFFF, v0;
	v0 =	vshrl.u32 v0, $0x10  }
0xa2: {  	[tilespmem:$0x4120] =	vst v1  }
0xa3: {  	[tilespmem:$0x41A0] =	vst v0  }
0xa4: {  	v0 =	vld [tilespmem:s29+$0xFFFFFFF0];
	_ =	sdelay $0x4  }
0xa5: {  	v1 =	vand.u32 $0xFFFF, v0;
	v0 =	vshrl.u32 v0, $0x10  }
0xa6: {  	[tilespmem:$0x4130] =	vst v1  }
0xa7: {  	[tilespmem:$0x41B0] =	vst v0  }
0xa8: {  	v0 =	vld [tilespmem:s29+$0x0]  }
.Ltmp0:
0xa9: {  	(pc) =	sbr.rel @p1 .LBB2_2-.Ltmp0, $2  }
0xaa: {  	_ =	sdelay $0x2  }
0xab: {  	v1 =	vand.u32 $0xFFFF, v0;
	v0 =	vshrl.u32 v0, $0x10  }
0xac: {  	[tilespmem:$0x4140] =	vst v1  }
0xad: {  	[tilespmem:$0x41C0] =	vst v0  }
0xae: {  	[tilespmem:s17], [sflag:$0x4] =	stream.indirect.gather [hbm4b:s4+s13], $0x80, s16, s13, $0xb8;
	[tilespmem:$0x1CA80] =	vst v63  }
0xaf: {  	_ =	swait.ge [sflag:s18], $0x2800  }
0xb0: {  	[sflag:s18] =	ssyncset.done $0x0  }
0xb1: {  	[sflag:s18] =	ssyncadd.s32 $0xFFFFD800  }
0xb2: {  	[spmem:s2] =	stream.indirect.scatter.add.f32 [tilespmem:s15], [sflag:$0x1], $0x80, s19, s13, $0xb8;
	[tilespmem:$0x1CA80] =	vst v63  }
0xb3: {  	_ =	swait.ge [sflag:s20], $0x2800  }
0xb4: {  	[sflag:s20] =	ssyncset.done $0x0  }
0xb5: {  	[sflag:s20] =	ssyncadd.s32 $0xFFFFD800  }
0xb6: {  	[spmem:s2] =	stream.indirect.scatter.add.f32 [tilespmem:s17], [sflag:$0x2], $0x80, s21, s13, $0xb8;
	[tilespmem:$0x1CA80] =	vst v63  }
0xb7: {  	_ =	swait.ge [sflag:s22], $0x2800  }
0xb8: {  	[sflag:s22] =	ssyncset.done $0x0  }
0xb9: {  	[sflag:s22] =	ssyncadd.s32 $0xFFFFD800  }
0xba: {  	v52 =	vld [tilespmem:$0x3E00];
	_ =	sdelay $0x1  }
0xbb: {  	v53 =	vld [tilespmem:$0x3E10];
	_ =	sdelay $0x1  }
0xbc: {  	v2 =	vld [tilespmem:$0x3E20]  }
0xbd: {  	v3 =	vand.u32 $0xFFFF, v52  }
0xbe: {  	v54 =	vld [tilespmem:$0x3E30];
	v0 =	vshrl.u32 v52, $0x10;
	[tilespmem:$0x4000] =	vst v3  }
0xbf: {  	v55 =	vand.u32 $0xFFFF, v53;
	[tilespmem:$0x4080] =	vst v0  }
0xc0: {  	v57 =	vld [tilespmem:$0x3E40];
	v56 =	vshrl.u32 v53, $0x10;
	[tilespmem:$0x4010] =	vst v55  }
0xc1: {  	v58 =	vand.u32 $0xFFFF, v2;
	[tilespmem:$0x4090] =	vst v56  }
0xc2: {  	v59 =	vshrl.u32 v2, $0x10;
	[tilespmem:$0x4020] =	vst v58  }
0xc3: {  	v60 =	vand.u32 $0xFFFF, v54;
	[tilespmem:$0x40A0] =	vst v59  }
0xc4: {  	v61 =	vshrl.u32 v54, $0x10;
	[tilespmem:$0x4030] =	vst v60  }
0xc5: {  	v62 =	vand.u32 $0xFFFF, v57;
	[tilespmem:$0x40B0] =	vst v61  }
0xc6: {  	v63 =	vshrl.u32 v57, $0x10;
	[tilespmem:$0x4040] =	vst v62  }
0xc7: {  	[tilespmem:$0x40C0] =	vst v63  }
0xc8: {  	[tilespmem:s15], [sflag:$0x5] =	stream.indirect.gather [hbm4b:s4+s13], $0x80, s14, s13, $0xb8;
	[tilespmem:$0x1CA80] =	vst v63  }
0xc9: {  	_ =	swait.ge [sflag:s10], $0x2800  }
0xca: {  	[sflag:s10] =	ssyncset.done $0x0  }
0xcb: {  	[sflag:s10] =	ssyncadd.s32 $0xFFFFD800  }
0xcc: {  	[spmem:s2] =	stream.indirect.scatter.add.f32 [tilespmem:s15], [sflag:$0x1], $0x80, s19, s13, $0xb8;
	[tilespmem:$0x1CA80] =	vst v63  }
0xcd: {  	_ =	swait.ge [sflag:s22], $0x2800  }
0xce: {  	[sflag:s22] =	ssyncset.done $0x0  }
0xcf: {  	[sflag:s22] =	ssyncadd.s32 $0xFFFFD800  }
0xd0: {  	_ =	swait.ge [sflag:s23], $0x2800  }
0xd1: {  	[sflag:s23] =	ssyncset.done $0x0  }
0xd2: {  	[sflag:s23] =	ssyncadd.s32 $0xFFFFD800  }
0xd3: {  	[bflag:$0x0] =	sbarrier.arrive $0xFFFF  }
0xd4: {  	[hbm:s7], [sflag:s11] =	dma.local [spmem:s24], $0x2700  }
0xd5: {  	s26 =	sadd.s32 $0x1, s26;
	_ =	swait.ge [sflag:s10], $0x2700  }
0xd6: {  	p1 =	sne.s32 s26, s9;
	[sflag:s10] =	ssyncset.done $0x0  }
.Ltmp1:
0xd7: {  	s28 =	simm.s32 @!p0 $0x5;
	[sflag:s10] =	ssyncadd.s32 $0xFFFFD900;
	(pc) =	sbr.rel @p1 .LBB2_1-.Ltmp1, $4  }
0xd8: {  	[hbm:s8], [sflag:s11] =	dma.local @!p0 [spmem:s25], $0x100  }
0xd9: {  	_ =	swait.ge @!p0 [sflag:s28], $0x100  }
0xda: {  	[sflag:s28] =	ssyncset.done @!p0 $0x0  }
0xdb: {  	[sflag:s28] =	ssyncadd.s32 @!p0 $0xFFFFFF00  }
0xdc: {  	_ =	sfence.sel $0x180000  }
0xdd: {  	[bflag:$0x0] =	sbarrier.arrive $0xFFFF  }
0xde: {  	p0 =	sne.s32 s1, $0x0;
	_ =	strace $0x9000004D  }
0xdf: {  	s0 =	sadd.s32 @!p0 $0x100000, s0;
	[bflag:$0x2] =	sbarrier.arrive $0xFFFF  }
0xe0: {  	[sflag:s0] =	ssyncadd.tile.s32 @!p0 $0x1;
	_ =	shalt  }
.Lfunc_end2:
_tile_overlayer_lowered:
.L_overlay_start_2:
0xe1: {  	(tag) =	ssettag $0x2  }
0xe2: {  	s0 =	rddreg [dreg:$0x0];
	s2 =	stileid.u32  }
0xe3: {  	s1 =	rddreg [dreg:$0x1];
	p0 =	sne.s32 s2, $0x0  }
0xe4: {  	s3 =	rddreg [dreg:$0x2];
	[bflag:$0x3] =	sbarrier.arrive $0xFFFF;
	s2 =	simm.s32 @!p0 $0x1C05  }
0xe5: {  	[timem:s3], [sflag:s2] =	dma.local @!p0 [hbm:s0], s1  }
0xe6: {  	s0 =	simm.s32 @!p0 $0x5  }
0xe7: {  	_ =	swait.ge @!p0 [sflag:s0], s1  }
0xe8: {  	s1 =	ssub.s32 @!p0 $0x0, s1;
	[sflag:s0] =	ssyncset.done @!p0 $0x0  }
0xe9: {  	[sflag:s0] =	ssyncadd.s32 @!p0 s1  }
0xea: {  	[bflag:$0x3] =	sbarrier.arrive $0xFFFF  }
0xeb: {  	_ =	shalt  }

// kernel: kernel.8.cloned.1.call-start
scs
__scs_entry_jumppad:
0x0: {  	(pc) =	sbr.rel $0x88, $3  }
0x1: {  	(tag) =	ssettag $0x0;
	lr =	simm.s32 $0x1  }
0x2: {  	[smem:$0x3F90] =	sst lr;
	_ =	strace $0xD0000000  }
0x3: {  	_ = 	snop  }
0x4: {  	_ = 	snop  }
0x5: {  	_ = 	snop  }
0x6: {  	_ = 	snop  }
0x7: {  	_ = 	snop  }
__scs_overlays_trampoline_lowered:
0x8: {  	[smem:$0x3F9F] =	sst s0  }
0x9: {  	[smem:$0x3FA0] =	sst s1  }
0xa: {  	[smem:$0x3FA1] =	sst s2  }
0xb: {  	[smem:$0x3FA2] =	sst s3  }
0xc: {  	[smem:$0x3FA3] =	sst s4  }
0xd: {  	[smem:$0x3FA4] =	sst s5  }
0xe: {  	[smem:$0x3FA5] =	sst s6  }
0xf: {  	[smem:$0x3FA6] =	sst s7  }
0x10: {  	[smem:$0x3FA7] =	sst s8  }
0x11: {  	[smem:$0x3FA8] =	sst s9;
	s0 =	simm.s32 @!p0 $0x0  }
0x12: {  	s1 =	sld [smem:$0x3F8E];
	s0 =	simm.s32 @p0 $0x1  }
0x13: {  	[smem:$0x3FA9] =	sst s0;
	s0 =	simm.s32 @!p1 $0x0  }
0x14: {  	s2 =	sld [smem:$0x3F8D];
	s0 =	simm.s32 @p1 $0x1  }
0x15: {  	[smem:$0x3FAA] =	sst s0;
	s0 =	simm.s32 @!p2 $0x0  }
0x16: {  	s3 =	sld [smem:$0x3FDB];
	s0 =	simm.s32 @p2 $0x1  }
0x17: {  	s4 =	simm.s32 $0x1BF5;
	[smem:$0x3FAC] =	sst s0  }
0x18: {  	s0 =	sld [smem:$0x3F8F];
	_ =	swait.ge [sflag:s4], $0x0  }
0x19: {  	s7 =	sld [smem:$0x3F90]  }
0x1a: {  	s8 =	sadd.s32 $0xFFFFE003, lr  }
0x1b: {  	s9 =	sadd.s32 $0xFFFFFEF7, lr;
	s5 =	simm.s32 $0xFFFFFFFF;
	p2 =	slt.u32 s8, $0xFFFFF086  }
0x1c: {  	p1 =	slt.u32 s9, $0xF7A;
	s5 =	simm.s32 @!p2 $0x0  }
0x1d: {  	s5 =	simm.s32 @p1 $0x1;
	p0 =	seq.s32 s7, s2  }
0x1e: {  	s7 =	smul.u32 @!p0 $0xF7A, s2;
	p2 =	seq.s32 @!p0 s5, $0x0  }
0x1f: {  	s9 =	smul.u32 $0xF7A, s1;
	s8 =	simm.s32 @!p0 $0x1BF5;
	p2 =	por !p2, p0  }
0x20: {  	[sflag:s8] =	ssyncset.s32 @!p0 $0xFFFFF086;
	s6 =	sadd.s32 @!p0 s3, s7;
	s7 =	simm.s32 @!p0 $0x108  }
0x21: {  	s3 =	sadd.s32 s3, s9;
	s6 =	sadd.s32 @!p0 $0x88, s6;
	s7 =	simm.s32 @p2 $0x1082  }
0x22: {  	[simem:s7], [sflag:s8] =	dma.local @!p0 [hbm:s6], $0xF7A  }
0x23: {  	s9 =	sor.u32 $0xD0000000, s2;
	s6 =	simm.s32 $0x108;
	_ =	swait.ge @!p0 [sflag:s8], $0x0  }
0x24: {  	s3 =	sadd.s32 $0x88, s3;
	s6 =	simm.s32 @!p1 $0x1082;
	[sflag:s4] =	ssyncset.s32 $0xFFFFF086  }
0x25: {  	[simem:s6], [sflag:s4] =	dma.local [hbm:s3], $0xF7A  }
0x26: {  	[smem:$0x3F90] =	sst s1;
	(tag) =	ssettag s2;
	_ =	strace s9  }
0x27: {  	s1 =	sld [smem:$0x3FA0]  }
0x28: {  	s2 =	sld [smem:$0x3FA1]  }
0x29: {  	s4 =	sld [smem:$0x3FA3]  }
0x2a: {  	p0 =	seq.s32 s5, $0x0;
	s5 =	sld [smem:$0x3FA4]  }
0x2b: {  	s6 =	sld [smem:$0x3FA5]  }
0x2c: {  	s7 =	sld [smem:$0x3FA6]  }
0x2d: {  	s3 =	simm.s32 $0x108;
	s8 =	sld [smem:$0x3FA7]  }
0x2e: {  	s3 =	simm.s32 @!p0 $0x1082;
	s9 =	sld [smem:$0x3FA8]  }
0x2f: {  	lr =	sadd.s32 s0, s3;
	s0 =	sld [smem:$0x3F9F]  }
0x30: {  	s3 =	sld [smem:$0x3FA2]  }
0x31: {  	[smem:$0x3FAB] =	sst s10  }
0x32: {  	s10 =	sld [smem:$0x3FA9];
	_ =	sdelay $0x3  }
0x33: {  	p0 =	seq.s32 s10, $0x1;
	s10 =	sld [smem:$0x3FAB];
	_ =	sdelay $0x3  }
0x34: {  	[smem:$0x3FAB] =	sst s10  }
0x35: {  	s10 =	sld [smem:$0x3FAA];
	_ =	sdelay $0x3  }
0x36: {  	p1 =	seq.s32 s10, $0x1;
	s10 =	sld [smem:$0x3FAB];
	_ =	sdelay $0x3  }
0x37: {  	[smem:$0x3FAB] =	sst s10  }
0x38: {  	s10 =	sld [smem:$0x3FAC]  }
0x39: {  	_ = 	snop;
	(pc) =	sbr.ind lr, $3  }
0x3a: {  	_ = 	snop  }
0x3b: {  	_ = 	snop  }
0x3c: {  	p2 =	seq.s32 s10, $0x1;
	s10 =	sld [smem:$0x3FAB]  }
0x3d: {  	_ =	shalt  }
0x3e: {  	_ =	shalt  }
0x3f: {  	_ =	shalt  }
0x40: {  	_ =	shalt  }
0x41: {  	_ =	shalt  }
0x42: {  	_ =	shalt  }
0x43: {  	_ =	shalt  }
0x44: {  	_ =	shalt  }
0x45: {  	_ =	shalt  }
0x46: {  	_ =	shalt  }
0x47: {  	_ =	shalt  }
0x48: {  	_ =	shalt  }
0x49: {  	_ =	shalt  }
0x4a: {  	_ =	shalt  }
0x4b: {  	_ =	shalt  }
0x4c: {  	_ =	shalt  }
0x4d: {  	_ =	shalt  }
0x4e: {  	_ =	shalt  }
0x4f: {  	_ =	shalt  }
0x50: {  	_ =	shalt  }
0x51: {  	_ =	shalt  }
0x52: {  	_ =	shalt  }
0x53: {  	_ =	shalt  }
0x54: {  	_ =	shalt  }
0x55: {  	_ =	shalt  }
0x56: {  	_ =	shalt  }
0x57: {  	_ =	shalt  }
0x58: {  	_ =	shalt  }
0x59: {  	_ =	shalt  }
0x5a: {  	_ =	shalt  }
0x5b: {  	_ =	shalt  }
0x5c: {  	_ =	shalt  }
0x5d: {  	_ =	shalt  }
0x5e: {  	_ =	shalt  }
0x5f: {  	_ =	shalt  }
0x60: {  	_ =	shalt  }
0x61: {  	_ =	shalt  }
0x62: {  	_ =	shalt  }
0x63: {  	_ =	shalt  }
0x64: {  	_ =	shalt  }
0x65: {  	_ =	shalt  }
0x66: {  	_ =	shalt  }
0x67: {  	_ =	shalt  }
0x68: {  	_ =	shalt  }
0x69: {  	_ =	shalt  }
0x6a: {  	_ =	shalt  }
0x6b: {  	_ =	shalt  }
0x6c: {  	_ =	shalt  }
0x6d: {  	_ =	shalt  }
0x6e: {  	_ =	shalt  }
0x6f: {  	_ =	shalt  }
0x70: {  	_ =	shalt  }
0x71: {  	_ =	shalt  }
0x72: {  	_ =	shalt  }
0x73: {  	_ =	shalt  }
0x74: {  	_ =	shalt  }
0x75: {  	_ =	shalt  }
0x76: {  	_ =	shalt  }
0x77: {  	_ =	shalt  }
0x78: {  	_ =	shalt  }
0x79: {  	_ =	shalt  }
0x7a: {  	_ =	shalt  }
0x7b: {  	_ =	shalt  }
0x7c: {  	_ =	shalt  }
0x7d: {  	_ =	shalt  }
0x7e: {  	_ =	shalt  }
0x7f: {  	_ =	shalt  }
0x80: {  	_ =	shalt  }
0x81: {  	_ =	shalt  }
0x82: {  	_ =	shalt  }
0x83: {  	_ =	shalt  }
0x84: {  	_ =	shalt  }
0x85: {  	_ =	shalt  }
0x86: {  	_ =	shalt  }
0x87: {  	_ =	shalt  }
.Lfunc_end0:
.L_simem_size_0:
called_computation_lowered:
.L_overlay_start_0:
0x88: {  	s2 =	sld [smem:$0x3FD9]  }
0x89: {  	s3 =	sld [smem:$0x3FFE];
	_ =	sdelay $0x1  }
0x8a: {  	s1 =	srdreg.scid  }
0x8b: {  	s0 =	sand.u32 $0x1, s1  }
0x8c: {  	s14 =	sshll.u32 s0, $0xA;
	s2 =	sadd.s32 s3, s2  }
0x8d: {  	s2 =	sadd.s32 s2, s14  }
0x8e: {  	[smem:$0x3FB7] =	sst s2  }
0x8f: {  	_ = 	snop  }
0x90: {  	s2 =	sld [smem:$0x3FD0];
	_ =	sdelay $0x2  }
0x91: {  	s15 =	simm.s32 $0xA;
	s4 =	simm.s32 $0x10  }
0x92: {  	[smem:s4], [sflag:s15] =	dma.local [hbm:s2], $0x1  }
0x93: {  	_ =	swait.eq [sflag:s15], $0x1  }
0x94: {  	[sflag:s15] =	ssyncset.done $0x0  }
0x95: {  	[sflag:s15] =	ssyncadd.s32 $0xFFFFFFFF  }
0x96: {  	s16 =	sld [smem:$0x11];
	(tm) =	ssettm $0x1  }
0x97: {  	s17 =	sld [smem:$0x3FFB];
	_ =	sdelay $0x3  }
0x98: {  	_ =	strace s17  }
0x99: {  	s3 =	sld [smem:$0x3FFC];
	_ =	sdelay $0x3  }
0x9a: {  	_ =	strace s3  }
0x9b: {  	s3 =	sld [smem:$0x3FFD];
	_ =	sdelay $0x3  }
0x9c: {  	_ =	strace s3  }
0x9d: {  	_ =	strace $0x8FFFFFFF  }
0x9e: {  	s18 =	sld [smem:$0x3FDB];
	_ =	sdelay $0x1  }
0x9f: {  	s19 =	simm.s32 $_scs_section_size  }
0xa0: {  	s5 =	simm.s32 $_size__tile_overlayer_lowered;
	s6 =	simm.s32 $_tile_overlayer_lowered  }
0xa1: {  	s22 =	simm.s32 $0x1BFF;
	s21 =	sshll.u32 s6, $0x1;
	s3 =	sadd.s32 s19, s18  }
0xa2: {  	s7 =	simm.s32 $0x0;
	s20 =	sshll.u32 s5, $0x1;
	s5 =	sadd.s32 s21, s3  }
0xa3: {  	[timem:s7], [sflag:s22] =	dma.local [hbm:s5], s20  }
0xa4: {  	_ =	swait.ge [sflag:s22], s20  }
0xa5: {  	s4 =	ssub.s32 $0x0, s20;
	[sflag:s22] =	ssyncset.done $0x0  }
0xa6: {  	[sflag:s22] =	ssyncadd.s32 s4;
	_ =	sdelay $0x1  }
0xa7: {  	s23 =	simm.s32 $0x1B8B  }
0xa8: {  	_ =	swait.ge [sflag:s23], $0x1  }
0xa9: {  	[sflag:s23] =	ssyncset.done $0x0  }
0xaa: {  	s25 =	simm.s32 $0x1B8E;
	s24 =	sld [smem:$0x3FFE];
	[sflag:s23] =	ssyncadd.s32 $0xFFFFFFFF  }
0xab: {  	s26 =	simm.s32 $execute0_lowered;
	[smem:$0x3FD2] =	sst s25  }
0xac: {  	s5 =	sshll.u32 s26, $0x1;
	_ =	strace $0x80000046;
	[dreg:$0x1] =	wrdreg $0xFFFFFFFF  }
0xad: {  	s28 =	simm.s32 $_size_execute0_lowered;
	s3 =	sadd.s32 s3, s5;
	[dreg:$0x0] =	wrdreg $0x0  }
0xae: {  	s5 =	sshll.u32 s28, $0x1;
	[dreg:$0x2] =	wrdreg s3  }
0xaf: {  	[dreg:$0x3] =	wrdreg s5  }
0xb0: {  	[dreg:$0x4] =	wrdreg $0xC0  }
0xb1: {  	_ =	task [dreg:s7], $0x5FFFF  }
0xb2: {  	[dreg:$0x1] =	wrdreg $0xFFFFFFFF  }
0xb3: {  	[dreg:$0x0] =	wrdreg $0x60  }
0xb4: {  	[dreg:$0x2] =	wrdreg s24  }
0xb5: {  	[dreg:$0x3] =	wrdreg s16  }
0xb6: {  	[dreg:$0x4] =	wrdreg $0x68000  }
0xb7: {  	[dreg:$0x5] =	wrdreg $0x9  }
0xb8: {  	_ =	task.clear_ibuf [dreg:s7], $0x6FFFF;
	_ =	strace $0x90000046  }
0xb9: {  	s29 =	simm.s32 $0x9;
	_ =	strace $0x80000048  }
0xba: {  	_ =	swait.ge [sflag:s29], $0x1  }
0xbb: {  	[sflag:s29] =	ssyncadd.s32 $0xFFFFFFFF  }
0xbc: {  	_ =	strace $0x90000048  }
0xbd: {  	_ =	sfence  }
0xbe: {  	s30 =	sld [smem:$0x0];
	_ =	sdelay $0x2  }
0xbf: {  	s31 =	sshll.u32 s1, $0xD;
	s1 =	sshrl.u32 s1, $0x2  }
0xc0: {  	s3 =	sand.u32 $0x4000, s31;
	s1 =	sadd.s32 s1, s30  }
0xc1: {  	s0 =	sor.u32 s3, s0;
	s1 =	sshll.u32 s1, $0x11  }
0xc2: {  	s0 =	sor.u32 s1, s0  }
0xc3: {  	s0 =	sadd.s32 $0x8F2B, s0  }
0xc4: {  	[sflag:s0] =	ssyncadd.remote.s32 $0x1  }
0xc5: {  	_ =	sfence.sel $0xFFFF  }
0xc6: {  	[dreg:$0x0] =	wrdreg $0xFFFFFFFF;
	(pc) =	sbr.abs _section_cstart, $3  }
0xc7: {  	[dreg:$0x1] =	wrdreg $0xFFFFFFFF  }
0xc8: {  	_ =	task.clear_ibuf [dreg:s7], $0x2FFFF;
	_ =	strace $0x9FFFFFFF  }
0xc9: {  	(tm) =	ssettm $0x7FFFFFFF  }
tec
execute0_lowered:
.L_overlay_start_1:
0x0: {  	(tag) =	ssettag $0x1  }
0x1: {  	s5 =	rddreg [dreg:$0x0]  }
0x2: {  	s2 =	rddreg [dreg:$0x1]  }
0x3: {  	s0 =	srdreg.scid;
	s3 =	rddreg [dreg:$0x2]  }
0x4: {  	s4 =	simm.s32 $0x0;
	s6 =	sand.u32 $0x1, s0;
	s0 =	stileid.u32  }
0x5: {  	s14 =	simm.s32 $0x7D;
	s15 =	simm.s32 $0x1;
	s8 =	smul.u32 $0x2780, s0  }
0x6: {  	s18 =	simm.s32 $0x0;
	[smem:$0x7FF] =	sst s4;
	s9 =	smul.u32 $0x4E200, s0  }
0x7: {  	s12 =	sadd.s32 $0x35400, s5;
	s17 =	sadd.s32 $0x138000, s3;
	s11 =	smul.u32 $0x138800, s6  }
0x8: {  	s1 =	sshll.u32 s6, $0x4;
	s10 =	ssub.s32 $0x2, s6;
	s25 =	smul.u32 $0x13800, s0  }
0x9: {  	s29 =	smul.u32 $0x4E000, s0;
	s31 =	sshll.u32 s0, $0x6;
	p0 =	sne.s32 s0, $0xF  }
0xa: {  	s7 =	sor.u32 s0, s1;
	s1 =	rddreg [dreg:$0x3];
	_ =	strace $0x80000047  }
0xb: {  	s24 =	sshrl.u32 s10, $0x1;
	s17 =	sshrl.u32 @!p0 s17, $0x3;
	s7 =	smul.u32 $0x500, s7  }
0xc: {  	s8 =	sadd.s32 s8, s5;
	s10 =	ssub.s32 s10, s24;
	s26 =	sshrl.u32 s9, $0x2  }
0xd: {  	s28 =	sadd.s32 s25, s11;
	s30 =	sshrl.u32 s11, $0x3;
	s9 =	sshrl.u32 s29, $0x2  }
0xe: {  	s11 =	simm.s32 $0x2800;
	s13 =	sadd.s32 s26, s3;
	s6 =	sadd.s32 $0xDC00, s8  }
0xf: {  	s8 =	sadd.s32 s12, s30;
	s16 =	sadd.s32 s9, s3;
	s9 =	smax.u32 s10, $0x1  }
0x10: {  	s10 =	simm.s32 $0x2;
	s7 =	sadd.s32 s7, s5;
	s8 =	sadd.s32 $0x27000, s8  }
0x11: {  	s13 =	sshrl.u32 s13, $0x3;
	s5 =	sadd.s32 $0x3C00, s7;
	s7 =	sshrl.u32 s28, $0x3  }
0x12: {  	s16 =	sshrl.u32 s16, $0x3;
	s7 =	sadd.s32 s12, s7;
	s12 =	sor.u32 $0x1C02, s31  }
.LBB2_1:
0x13: {  	[tilespmem:s4], [sflag:$0x2] =	stream.linear.gather [hbm4b:s5+s4], $0x2800, $0x38;
	[tilespmem:$0x8F10] =	vst v63  }
0x14: {  	_ =	swait.ge [sflag:s10], $0x2800  }
0x15: {  	[sflag:s10] =	ssyncset.done $0x0  }
0x16: {  	[sflag:s10] =	ssyncadd.s32 $0xFFFFD800  }
0x17: {  	[tilespmem:s11], [sflag:$0x2] =	stream.linear.gather [hbm4b:s2+s4], $0x3E80, $0x38;
	[tilespmem:$0x8F10] =	vst v63  }
0x18: {  	_ =	swait.ge [sflag:s10], $0x3E80  }
0x19: {  	[sflag:s10] =	ssyncset.done $0x0  }
0x1a: {  	[sflag:s10] =	ssyncadd.s32 $0xFFFFC180  }
0x1b: {  	[spmem:s13], [sflag:s12] =	dma.local [hbm:s6], $0x2710  }
0x1c: {  	_ =	swait.ge [sflag:s10], $0x2710  }
0x1d: {  	[sflag:s10] =	ssyncset.done $0x0  }
0x1e: {  	[sflag:s10] =	ssyncadd.s32 $0xFFFFD8F0  }
0x1f: {  	s19 =	simm.s32 $0x0;
	[bflag:$0x0] =	sbarrier.arrive $0xFFFF  }
0x20: {  	[spmem:s3] =	stream.indirect.scatter.add.f32 [tilespmem:s11], [sflag:$0x1], $0x10, s19, s14, $0xb8;
	[tilespmem:$0x8F10] =	vst v63  }
0x21: {  	s28 =	simm.s32 $0x80  }
0x22: {  	[spmem:s3] =	stream.indirect.scatter.add.f32 [tilespmem:s11], [sflag:$0x1], $0x10, s28, s14, $0xb8;
	[tilespmem:$0x8F10] =	vst v63  }
0x23: {  	s29 =	simm.s32 $0x100  }
0x24: {  	[spmem:s3] =	stream.indirect.scatter.add.f32 [tilespmem:s11], [sflag:$0x1], $0x10, s29, s14, $0xb8;
	[tilespmem:$0x8F10] =	vst v63  }
0x25: {  	s30 =	simm.s32 $0x180  }
0x26: {  	[spmem:s3] =	stream.indirect.scatter.add.f32 [tilespmem:s11], [sflag:$0x1], $0x10, s30, s14, $0xb8;
	[tilespmem:$0x8F10] =	vst v63  }
0x27: {  	s31 =	simm.s32 $0x200  }
0x28: {  	[spmem:s3] =	stream.indirect.scatter.add.f32 [tilespmem:s11], [sflag:$0x1], $0x10, s31, s14, $0xb8;
	[tilespmem:$0x8F10] =	vst v63  }
0x29: {  	s20 =	simm.s32 $0x280  }
0x2a: {  	[spmem:s3] =	stream.indirect.scatter.add.f32 [tilespmem:s11], [sflag:$0x1], $0x10, s20, s14, $0xb8;
	[tilespmem:$0x8F10] =	vst v63  }
0x2b: {  	s21 =	simm.s32 $0x300  }
0x2c: {  	[spmem:s3] =	stream.indirect.scatter.add.f32 [tilespmem:s11], [sflag:$0x1], $0x10, s21, s14, $0xb8;
	[tilespmem:$0x8F10] =	vst v63  }
0x2d: {  	s22 =	simm.s32 $0x380  }
0x2e: {  	[spmem:s3] =	stream.indirect.scatter.add.f32 [tilespmem:s11], [sflag:$0x1], $0x10, s22, s14, $0xb8;
	[tilespmem:$0x8F10] =	vst v63  }
0x2f: {  	s23 =	simm.s32 $0x400  }
0x30: {  	[spmem:s3] =	stream.indirect.scatter.add.f32 [tilespmem:s11], [sflag:$0x1], $0x10, s23, s14, $0xb8;
	[tilespmem:$0x8F10] =	vst v63  }
0x31: {  	s24 =	simm.s32 $0x480  }
0x32: {  	[spmem:s3] =	stream.indirect.scatter.add.f32 [tilespmem:s11], [sflag:$0x1], $0x10, s24, s14, $0xb8;
	[tilespmem:$0x8F10] =	vst v63  }
0x33: {  	s25 =	simm.s32 $0x500  }
0x34: {  	[spmem:s3] =	stream.indirect.scatter.add.f32 [tilespmem:s11], [sflag:$0x1], $0x10, s25, s14, $0xb8;
	[tilespmem:$0x8F10] =	vst v63  }
0x35: {  	s26 =	simm.s32 $0x580  }
0x36: {  	[spmem:s3] =	stream.indirect.scatter.add.f32 [tilespmem:s11], [sflag:$0x1], $0x10, s26, s14, $0xb8;
	[tilespmem:$0x8F10] =	vst v63  }
0x37: {  	s28 =	simm.s32 $0x600  }
0x38: {  	[spmem:s3] =	stream.indirect.scatter.add.f32 [tilespmem:s11], [sflag:$0x1], $0x10, s28, s14, $0xb8;
	[tilespmem:$0x8F10] =	vst v63  }
0x39: {  	s29 =	simm.s32 $0x680  }
0x3a: {  	[spmem:s3] =	stream.indirect.scatter.add.f32 [tilespmem:s11], [sflag:$0x1], $0x10, s29, s14, $0xb8;
	[tilespmem:$0x8F10] =	vst v63  }
0x3b: {  	s30 =	simm.s32 $0x700  }
0x3c: {  	[spmem:s3] =	stream.indirect.scatter.add.f32 [tilespmem:s11], [sflag:$0x1], $0x10, s30, s14, $0xb8;
	[tilespmem:$0x8F10] =	vst v63  }
0x3d: {  	s31 =	simm.s32 $0x780  }
0x3e: {  	[spmem:s3] =	stream.indirect.scatter.add.f32 [tilespmem:s11], [sflag:$0x1], $0x10, s31, s14, $0xb8;
	[tilespmem:$0x8F10] =	vst v63  }
0x3f: {  	_ =	swait.ge [sflag:s15], $0x7D0  }
0x40: {  	[sflag:s15] =	ssyncset.done $0x0  }
0x41: {  	[sflag:s15] =	ssyncadd.s32 $0xFFFFF830  }
0x42: {  	_ =	swait.ge [sflag:s15], $0x7D0  }
0x43: {  	[sflag:s15] =	ssyncset.done $0x0  }
0x44: {  	[sflag:s15] =	ssyncadd.s32 $0xFFFFF830  }
0x45: {  	_ =	swait.ge [sflag:s15], $0x7D0  }
0x46: {  	[sflag:s15] =	ssyncset.done $0x0  }
0x47: {  	[sflag:s15] =	ssyncadd.s32 $0xFFFFF830  }
0x48: {  	_ =	swait.ge [sflag:s15], $0x7D0  }
0x49: {  	[sflag:s15] =	ssyncset.done $0x0  }
0x4a: {  	[sflag:s15] =	ssyncadd.s32 $0xFFFFF830  }
0x4b: {  	_ =	swait.ge [sflag:s15], $0x7D0  }
0x4c: {  	[sflag:s15] =	ssyncset.done $0x0  }
0x4d: {  	[sflag:s15] =	ssyncadd.s32 $0xFFFFF830  }
0x4e: {  	_ =	swait.ge [sflag:s15], $0x7D0  }
0x4f: {  	[sflag:s15] =	ssyncset.done $0x0  }
0x50: {  	[sflag:s15] =	ssyncadd.s32 $0xFFFFF830  }
0x51: {  	_ =	swait.ge [sflag:s15], $0x7D0  }
0x52: {  	[sflag:s15] =	ssyncset.done $0x0  }
0x53: {  	[sflag:s15] =	ssyncadd.s32 $0xFFFFF830  }
0x54: {  	_ =	swait.ge [sflag:s15], $0x7D0  }
0x55: {  	[sflag:s15] =	ssyncset.done $0x0  }
0x56: {  	[sflag:s15] =	ssyncadd.s32 $0xFFFFF830  }
0x57: {  	_ =	swait.ge [sflag:s15], $0x7D0  }
0x58: {  	[sflag:s15] =	ssyncset.done $0x0  }
0x59: {  	[sflag:s15] =	ssyncadd.s32 $0xFFFFF830  }
0x5a: {  	_ =	swait.ge [sflag:s15], $0x7D0  }
0x5b: {  	[sflag:s15] =	ssyncset.done $0x0  }
0x5c: {  	[sflag:s15] =	ssyncadd.s32 $0xFFFFF830  }
0x5d: {  	_ =	swait.ge [sflag:s15], $0x7D0  }
0x5e: {  	[sflag:s15] =	ssyncset.done $0x0  }
0x5f: {  	[sflag:s15] =	ssyncadd.s32 $0xFFFFF830  }
0x60: {  	_ =	swait.ge [sflag:s15], $0x7D0  }
0x61: {  	[sflag:s15] =	ssyncset.done $0x0  }
0x62: {  	[sflag:s15] =	ssyncadd.s32 $0xFFFFF830  }
0x63: {  	_ =	swait.ge [sflag:s15], $0x7D0  }
0x64: {  	[sflag:s15] =	ssyncset.done $0x0  }
0x65: {  	[sflag:s15] =	ssyncadd.s32 $0xFFFFF830  }
0x66: {  	_ =	swait.ge [sflag:s15], $0x7D0  }
0x67: {  	[sflag:s15] =	ssyncset.done $0x0  }
0x68: {  	[sflag:s15] =	ssyncadd.s32 $0xFFFFF830  }
0x69: {  	_ =	swait.ge [sflag:s15], $0x7D0  }
0x6a: {  	[sflag:s15] =	ssyncset.done $0x0  }
0x6b: {  	[sflag:s15] =	ssyncadd.s32 $0xFFFFF830  }
0x6c: {  	_ =	swait.ge [sflag:s15], $0x7D0  }
0x6d: {  	s19 =	simm.s32 $0x2000;
	s22 =	simm.s32 $0x4000;
	[sflag:s15] =	ssyncset.done $0x0  }
.LBB2_2:
0x6e: {  	s21 =	sshra.s32 s19, $0x2  }
0x6f: {  	[sflag:s15] =	ssyncadd.s32 $0xFFFFF830;
	s19 =	smov.u32 s22;
	s20 =	sadd.s32 $0x2000, s22  }
0x70: {  	[spmem:s3] =	stream.indirect.scatter.add.f32 [tilespmem:s11], [sflag:$0x1], $0x10, s21, s14, $0xb8;
	[tilespmem:$0x8F10] =	vst v63  }
0x71: {  	p1 =	sne.s32 s22, $0x8000;
	s22 =	sadd.s32 $0x80, s21  }
0x72: {  	[spmem:s3] =	stream.indirect.scatter.add.f32 [tilespmem:s11], [sflag:$0x1], $0x10, s22, s14, $0xb8;
	[tilespmem:$0x8F10] =	vst v63  }
0x73: {  	s22 =	sadd.s32 $0x100, s21  }
0x74: {  	[spmem:s3] =	stream.indirect.scatter.add.f32 [tilespmem:s11], [sflag:$0x1], $0x10, s22, s14, $0xb8;
	[tilespmem:$0x8F10] =	vst v63  }
0x75: {  	s22 =	sadd.s32 $0x180, s21  }
0x76: {  	[spmem:s3] =	stream.indirect.scatter.add.f32 [tilespmem:s11], [sflag:$0x1], $0x10, s22, s14, $0xb8;
	[tilespmem:$0x8F10] =	vst v63  }
0x77: {  	s22 =	sadd.s32 $0x200, s21  }
0x78: {  	[spmem:s3] =	stream.indirect.scatter.add.f32 [tilespmem:s11], [sflag:$0x1], $0x10, s22, s14, $0xb8;
	[tilespmem:$0x8F10] =	vst v63  }
0x79: {  	s22 =	sadd.s32 $0x280, s21  }
0x7a: {  	[spmem:s3] =	stream.indirect.scatter.add.f32 [tilespmem:s11], [sflag:$0x1], $0x10, s22, s14, $0xb8;
	[tilespmem:$0x8F10] =	vst v63  }
0x7b: {  	s22 =	sadd.s32 $0x300, s21  }
0x7c: {  	[spmem:s3] =	stream.indirect.scatter.add.f32 [tilespmem:s11], [sflag:$0x1], $0x10, s22, s14, $0xb8;
	[tilespmem:$0x8F10] =	vst v63  }
0x7d: {  	s22 =	sadd.s32 $0x380, s21  }
0x7e: {  	[spmem:s3] =	stream.indirect.scatter.add.f32 [tilespmem:s11], [sflag:$0x1], $0x10, s22, s14, $0xb8;
	[tilespmem:$0x8F10] =	vst v63  }
0x7f: {  	s22 =	sadd.s32 $0x400, s21  }
0x80: {  	[spmem:s3] =	stream.indirect.scatter.add.f32 [tilespmem:s11], [sflag:$0x1], $0x10, s22, s14, $0xb8;
	[tilespmem:$0x8F10] =	vst v63  }
0x81: {  	s22 =	sadd.s32 $0x480, s21  }
0x82: {  	[spmem:s3] =	stream.indirect.scatter.add.f32 [tilespmem:s11], [sflag:$0x1], $0x10, s22, s14, $0xb8;
	[tilespmem:$0x8F10] =	vst v63  }
0x83: {  	s22 =	sadd.s32 $0x500, s21  }
0x84: {  	[spmem:s3] =	stream.indirect.scatter.add.f32 [tilespmem:s11], [sflag:$0x1], $0x10, s22, s14, $0xb8;
	[tilespmem:$0x8F10] =	vst v63  }
0x85: {  	s22 =	sadd.s32 $0x580, s21  }
0x86: {  	[spmem:s3] =	stream.indirect.scatter.add.f32 [tilespmem:s11], [sflag:$0x1], $0x10, s22, s14, $0xb8;
	[tilespmem:$0x8F10] =	vst v63  }
0x87: {  	s22 =	sadd.s32 $0x600, s21  }
0x88: {  	[spmem:s3] =	stream.indirect.scatter.add.f32 [tilespmem:s11], [sflag:$0x1], $0x10, s22, s14, $0xb8;
	[tilespmem:$0x8F10] =	vst v63  }
0x89: {  	s22 =	sadd.s32 $0x680, s21  }
0x8a: {  	[spmem:s3] =	stream.indirect.scatter.add.f32 [tilespmem:s11], [sflag:$0x1], $0x10, s22, s14, $0xb8;
	[tilespmem:$0x8F10] =	vst v63  }
0x8b: {  	s22 =	sadd.s32 $0x700, s21  }
0x8c: {  	[spmem:s3] =	stream.indirect.scatter.add.f32 [tilespmem:s11], [sflag:$0x1], $0x10, s22, s14, $0xb8;
	[tilespmem:$0x8F10] =	vst v63  }
0x8d: {  	s21 =	sadd.s32 $0x780, s21  }
0x8e: {  	[spmem:s3] =	stream.indirect.scatter.add.f32 [tilespmem:s11], [sflag:$0x1], $0x10, s21, s14, $0xb8;
	[tilespmem:$0x8F10] =	vst v63  }
0x8f: {  	_ =	swait.ge [sflag:s15], $0x7D0  }
0x90: {  	[sflag:s15] =	ssyncset.done $0x0  }
0x91: {  	[sflag:s15] =	ssyncadd.s32 $0xFFFFF830  }
0x92: {  	_ =	swait.ge [sflag:s15], $0x7D0  }
0x93: {  	[sflag:s15] =	ssyncset.done $0x0  }
0x94: {  	[sflag:s15] =	ssyncadd.s32 $0xFFFFF830  }
0x95: {  	_ =	swait.ge [sflag:s15], $0x7D0  }
0x96: {  	[sflag:s15] =	ssyncset.done $0x0  }
0x97: {  	[sflag:s15] =	ssyncadd.s32 $0xFFFFF830  }
0x98: {  	_ =	swait.ge [sflag:s15], $0x7D0  }
0x99: {  	[sflag:s15] =	ssyncset.done $0x0  }
0x9a: {  	[sflag:s15] =	ssyncadd.s32 $0xFFFFF830  }
0x9b: {  	_ =	swait.ge [sflag:s15], $0x7D0  }
0x9c: {  	[sflag:s15] =	ssyncset.done $0x0  }
0x9d: {  	[sflag:s15] =	ssyncadd.s32 $0xFFFFF830  }
0x9e: {  	_ =	swait.ge [sflag:s15], $0x7D0  }
0x9f: {  	[sflag:s15] =	ssyncset.done $0x0  }
0xa0: {  	[sflag:s15] =	ssyncadd.s32 $0xFFFFF830  }
0xa1: {  	_ =	swait.ge [sflag:s15], $0x7D0  }
0xa2: {  	[sflag:s15] =	ssyncset.done $0x0  }
0xa3: {  	[sflag:s15] =	ssyncadd.s32 $0xFFFFF830  }
0xa4: {  	_ =	swait.ge [sflag:s15], $0x7D0  }
0xa5: {  	[sflag:s15] =	ssyncset.done $0x0  }
0xa6: {  	[sflag:s15] =	ssyncadd.s32 $0xFFFFF830  }
0xa7: {  	_ =	swait.ge [sflag:s15], $0x7D0  }
0xa8: {  	[sflag:s15] =	ssyncset.done $0x0  }
0xa9: {  	[sflag:s15] =	ssyncadd.s32 $0xFFFFF830  }
0xaa: {  	_ =	swait.ge [sflag:s15], $0x7D0  }
0xab: {  	[sflag:s15] =	ssyncset.done $0x0  }
0xac: {  	[sflag:s15] =	ssyncadd.s32 $0xFFFFF830  }
0xad: {  	_ =	swait.ge [sflag:s15], $0x7D0  }
0xae: {  	[sflag:s15] =	ssyncset.done $0x0  }
0xaf: {  	[sflag:s15] =	ssyncadd.s32 $0xFFFFF830  }
0xb0: {  	_ =	swait.ge [sflag:s15], $0x7D0  }
0xb1: {  	[sflag:s15] =	ssyncset.done $0x0  }
0xb2: {  	[sflag:s15] =	ssyncadd.s32 $0xFFFFF830  }
0xb3: {  	_ =	swait.ge [sflag:s15], $0x7D0  }
0xb4: {  	[sflag:s15] =	ssyncset.done $0x0  }
0xb5: {  	[sflag:s15] =	ssyncadd.s32 $0xFFFFF830  }
0xb6: {  	_ =	swait.ge [sflag:s15], $0x7D0  }
0xb7: {  	[sflag:s15] =	ssyncset.done $0x0  }
0xb8: {  	[sflag:s15] =	ssyncadd.s32 $0xFFFFF830  }
.Ltmp0:
0xb9: {  	_ =	swait.ge [sflag:s15], $0x7D0;
	(pc) =	sbr.rel @p1 .LBB2_2-.Ltmp0, $4  }
0xba: {  	[sflag:s15] =	ssyncset.done $0x0  }
0xbb: {  	[sflag:s15] =	ssyncadd.s32 $0xFFFFF830  }
0xbc: {  	_ =	swait.ge [sflag:s15], $0x7D0  }
0xbd: {  	s22 =	smov.u32 s20;
	[sflag:s15] =	ssyncset.done $0x0  }
0xbe: {  	s19 =	sshra.s32 s19, $0x2;
	[sflag:s15] =	ssyncadd.s32 $0xFFFFF830  }
0xbf: {  	[spmem:s3] =	stream.indirect.scatter.add.f32 [tilespmem:s11], [sflag:$0x1], $0x10, s19, s14, $0xb8;
	[tilespmem:$0x8F10] =	vst v63  }
0xc0: {  	s20 =	sadd.s32 $0x80, s19  }
0xc1: {  	[spmem:s3] =	stream.indirect.scatter.add.f32 [tilespmem:s11], [sflag:$0x1], $0x10, s20, s14, $0xb8;
	[tilespmem:$0x8F10] =	vst v63  }
0xc2: {  	s29 =	sadd.s32 $0x100, s19  }
0xc3: {  	[spmem:s3] =	stream.indirect.scatter.add.f32 [tilespmem:s11], [sflag:$0x1], $0x10, s29, s14, $0xb8;
	[tilespmem:$0x8F10] =	vst v63  }
0xc4: {  	s30 =	sadd.s32 $0x180, s19  }
0xc5: {  	[spmem:s3] =	stream.indirect.scatter.add.f32 [tilespmem:s11], [sflag:$0x1], $0x10, s30, s14, $0xb8;
	[tilespmem:$0x8F10] =	vst v63  }
0xc6: {  	s31 =	sadd.s32 $0x200, s19  }
0xc7: {  	[spmem:s3] =	stream.indirect.scatter.add.f32 [tilespmem:s11], [sflag:$0x1], $0x10, s31, s14, $0xb8;
	[tilespmem:$0x8F10] =	vst v63  }
0xc8: {  	s21 =	sadd.s32 $0x280, s19  }
0xc9: {  	[spmem:s3] =	stream.indirect.scatter.add.f32 [tilespmem:s11], [sflag:$0x1], $0x10, s21, s14, $0xb8;
	[tilespmem:$0x8F10] =	vst v63  }
0xca: {  	s22 =	sadd.s32 $0x300, s19  }
0xcb: {  	[spmem:s3] =	stream.indirect.scatter.add.f32 [tilespmem:s11], [sflag:$0x1], $0x10, s22, s14, $0xb8;
	[tilespmem:$0x8F10] =	vst v63  }
0xcc: {  	s23 =	sadd.s32 $0x380, s19  }
0xcd: {  	[spmem:s3] =	stream.indirect.scatter.add.f32 [tilespmem:s11], [sflag:$0x1], $0x10, s23, s14, $0xb8;
	[tilespmem:$0x8F10] =	vst v63  }
0xce: {  	s24 =	sadd.s32 $0x400, s19  }
0xcf: {  	[spmem:s3] =	stream.indirect.scatter.add.f32 [tilespmem:s11], [sflag:$0x1], $0x10, s24, s14, $0xb8;
	[tilespmem:$0x8F10] =	vst v63  }
0xd0: {  	s25 =	sadd.s32 $0x480, s19  }
0xd1: {  	[spmem:s3] =	stream.indirect.scatter.add.f32 [tilespmem:s11], [sflag:$0x1], $0x10, s25, s14, $0xb8;
	[tilespmem:$0x8F10] =	vst v63  }
0xd2: {  	s26 =	sadd.s32 $0x500, s19  }
0xd3: {  	[spmem:s3] =	stream.indirect.scatter.add.f32 [tilespmem:s11], [sflag:$0x1], $0x10, s26, s14, $0xb8;
	[tilespmem:$0x8F10] =	vst v63  }
0xd4: {  	s28 =	sadd.s32 $0x580, s19  }
0xd5: {  	[spmem:s3] =	stream.indirect.scatter.add.f32 [tilespmem:s11], [sflag:$0x1], $0x10, s28, s14, $0xb8;
	[tilespmem:$0x8F10] =	vst v63  }
0xd6: {  	s29 =	sadd.s32 $0x600, s19  }
0xd7: {  	[spmem:s3] =	stream.indirect.scatter.add.f32 [tilespmem:s11], [sflag:$0x1], $0x10, s29, s14, $0xb8;
	[tilespmem:$0x8F10] =	vst v63  }
0xd8: {  	s30 =	sadd.s32 $0x680, s19  }
0xd9: {  	[spmem:s3] =	stream.indirect.scatter.add.f32 [tilespmem:s11], [sflag:$0x1], $0x10, s30, s14, $0xb8;
	[tilespmem:$0x8F10] =	vst v63  }
0xda: {  	s31 =	sadd.s32 $0x700, s19  }
0xdb: {  	[spmem:s3] =	stream.indirect.scatter.add.f32 [tilespmem:s11], [sflag:$0x1], $0x10, s31, s14, $0xb8;
	[tilespmem:$0x8F10] =	vst v63  }
0xdc: {  	s19 =	sadd.s32 $0x780, s19  }
0xdd: {  	[spmem:s3] =	stream.indirect.scatter.add.f32 [tilespmem:s11], [sflag:$0x1], $0x10, s19, s14, $0xb8;
	[tilespmem:$0x8F10] =	vst v63  }
0xde: {  	_ =	swait.ge [sflag:s15], $0x7D0  }
0xdf: {  	[sflag:s15] =	ssyncset.done $0x0  }
0xe0: {  	[sflag:s15] =	ssyncadd.s32 $0xFFFFF830  }
0xe1: {  	_ =	swait.ge [sflag:s15], $0x7D0  }
0xe2: {  	[sflag:s15] =	ssyncset.done $0x0  }
0xe3: {  	[sflag:s15] =	ssyncadd.s32 $0xFFFFF830  }
0xe4: {  	_ =	swait.ge [sflag:s15], $0x7D0  }
0xe5: {  	[sflag:s15] =	ssyncset.done $0x0  }
0xe6: {  	[sflag:s15] =	ssyncadd.s32 $0xFFFFF830  }
0xe7: {  	_ =	swait.ge [sflag:s15], $0x7D0  }
0xe8: {  	[sflag:s15] =	ssyncset.done $0x0  }
0xe9: {  	[sflag:s15] =	ssyncadd.s32 $0xFFFFF830  }
0xea: {  	_ =	swait.ge [sflag:s15], $0x7D0  }
0xeb: {  	[sflag:s15] =	ssyncset.done $0x0  }
0xec: {  	[sflag:s15] =	ssyncadd.s32 $0xFFFFF830  }
0xed: {  	_ =	swait.ge [sflag:s15], $0x7D0  }
0xee: {  	[sflag:s15] =	ssyncset.done $0x0  }
0xef: {  	[sflag:s15] =	ssyncadd.s32 $0xFFFFF830  }
0xf0: {  	_ =	swait.ge [sflag:s15], $0x7D0  }
0xf1: {  	[sflag:s15] =	ssyncset.done $0x0  }
0xf2: {  	[sflag:s15] =	ssyncadd.s32 $0xFFFFF830  }
0xf3: {  	_ =	swait.ge [sflag:s15], $0x7D0  }
0xf4: {  	[sflag:s15] =	ssyncset.done $0x0  }
0xf5: {  	[sflag:s15] =	ssyncadd.s32 $0xFFFFF830  }
0xf6: {  	_ =	swait.ge [sflag:s15], $0x7D0  }
0xf7: {  	[sflag:s15] =	ssyncset.done $0x0  }
0xf8: {  	[sflag:s15] =	ssyncadd.s32 $0xFFFFF830  }
0xf9: {  	_ =	swait.ge [sflag:s15], $0x7D0  }
0xfa: {  	[sflag:s15] =	ssyncset.done $0x0  }
0xfb: {  	[sflag:s15] =	ssyncadd.s32 $0xFFFFF830  }
0xfc: {  	_ =	swait.ge [sflag:s15], $0x7D0  }
0xfd: {  	[sflag:s15] =	ssyncset.done $0x0  }
0xfe: {  	[sflag:s15] =	ssyncadd.s32 $0xFFFFF830  }
0xff: {  	_ =	swait.ge [sflag:s15], $0x7D0  }
0x100: {  	[sflag:s15] =	ssyncset.done $0x0  }
0x101: {  	[sflag:s15] =	ssyncadd.s32 $0xFFFFF830  }
0x102: {  	_ =	swait.ge [sflag:s15], $0x7D0  }
0x103: {  	[sflag:s15] =	ssyncset.done $0x0  }
0x104: {  	[sflag:s15] =	ssyncadd.s32 $0xFFFFF830  }
0x105: {  	_ =	swait.ge [sflag:s15], $0x7D0  }
0x106: {  	[sflag:s15] =	ssyncset.done $0x0  }
0x107: {  	[sflag:s15] =	ssyncadd.s32 $0xFFFFF830  }
0x108: {  	_ =	swait.ge [sflag:s15], $0x7D0  }
0x109: {  	[sflag:s15] =	ssyncset.done $0x0  }
0x10a: {  	[sflag:s15] =	ssyncadd.s32 $0xFFFFF830  }
0x10b: {  	_ =	swait.ge [sflag:s15], $0x7D0  }
0x10c: {  	[sflag:s15] =	ssyncset.done $0x0  }
0x10d: {  	[sflag:s15] =	ssyncadd.s32 $0xFFFFF830  }
0x10e: {  	[bflag:$0x0] =	sbarrier.arrive $0xFFFF  }
0x10f: {  	[hbm:s7], [sflag:s12] =	dma.local [spmem:s16], $0x2700  }
0x110: {  	s18 =	sadd.s32 $0x1, s18;
	_ =	swait.ge [sflag:s10], $0x2700  }
0x111: {  	p1 =	sne.s32 s18, s9;
	[sflag:s10] =	ssyncset.done $0x0  }
.Ltmp1:
0x112: {  	s19 =	simm.s32 @!p0 $0x2;
	[sflag:s10] =	ssyncadd.s32 $0xFFFFD900;
	(pc) =	sbr.rel @p1 .LBB2_1-.Ltmp1, $4  }
0x113: {  	[hbm:s8], [sflag:s12] =	dma.local @!p0 [spmem:s17], $0x100  }
0x114: {  	_ =	swait.ge @!p0 [sflag:s19], $0x100  }
0x115: {  	[sflag:s19] =	ssyncset.done @!p0 $0x0  }
0x116: {  	[sflag:s19] =	ssyncadd.s32 @!p0 $0xFFFFFF00  }
0x117: {  	_ =	sfence.sel $0x180000  }
0x118: {  	[bflag:$0x0] =	sbarrier.arrive $0xFFFF  }
0x119: {  	p0 =	sne.s32 s0, $0x0;
	_ =	strace $0x90000047  }
0x11a: {  	s0 =	sadd.s32 @!p0 $0x100000, s1;
	[bflag:$0x2] =	sbarrier.arrive $0xFFFF  }
0x11b: {  	[sflag:s0] =	ssyncadd.tile.s32 @!p0 $0x1;
	_ =	shalt  }
.Lfunc_end2:
_tile_overlayer_lowered:
.L_overlay_start_2:
0x11c: {  	(tag) =	ssettag $0x2  }
0x11d: {  	s0 =	rddreg [dreg:$0x0];
	s2 =	stileid.u32  }
0x11e: {  	s1 =	rddreg [dreg:$0x1];
	p0 =	sne.s32 s2, $0x0  }
0x11f: {  	s3 =	rddreg [dreg:$0x2];
	[bflag:$0x3] =	sbarrier.arrive $0xFFFF;
	s2 =	simm.s32 @!p0 $0x1C02  }
0x120: {  	[timem:s3], [sflag:s2] =	dma.local @!p0 [hbm:s0], s1  }
0x121: {  	s0 =	simm.s32 @!p0 $0x2  }
0x122: {  	_ =	swait.ge @!p0 [sflag:s0], s1  }
0x123: {  	s1 =	ssub.s32 @!p0 $0x0, s1;
	[sflag:s0] =	ssyncset.done @!p0 $0x0  }
0x124: {  	[sflag:s0] =	ssyncadd.s32 @!p0 s1  }
0x125: {  	[bflag:$0x3] =	sbarrier.arrive $0xFFFF  }
0x126: {  	_ =	shalt  }

</sc_bundles>
